<compile_context>
chip_gen: v7x
topology: tpu7x:2x2x1
jax: 0.10.2.dev20260603
libtpu: 0.0.44.dev20260713+nightly
codegen_flags: <defaults>
</compile_context>

<pallas_src>
import functools

import jax
import jax.numpy as jnp
from jax import lax
from jax.experimental import pallas as pl
from jax.experimental.pallas import tpu as pltpu
from jax.experimental.pallas import tpu_sc as plsc

START = 1
NC = 2
NS = 16
LANES = 16
RPC = 1
NBUF = 4
UNROLL = 8


def _build(B, L, V, E, MAXLEN):
    NW = NC * NS
    BPW = B // NW
    NCHUNK = BPW // RPC
    assert B == NW * BPW and NCHUNK % NBUF == 0
    assert E % LANES == 0 and L % UNROLL == 0 and L <= 256

    mesh = plsc.VectorSubcoreMesh(core_axis_name="c", subcore_axis_name="s")

    @functools.partial(
        pl.kernel,
        out_type=jax.ShapeDtypeStruct((B, L, E), jnp.float32),
        mesh=mesh,
        compiler_params=pltpu.CompilerParams(use_tc_tiling_on_sc=False),
        scratch_types=[
            pltpu.VMEM((MAXLEN, E), jnp.float32),
            pltpu.VMEM((BPW, L), jnp.int32),
            pltpu.VMEM((NBUF, RPC, L, E), jnp.float32),
            [pltpu.SemaphoreType.DMA] * NBUF,
            [pltpu.SemaphoreType.DMA] * NBUF,
        ],
    )
    def emb(x_hbm, token_hbm, pos_hbm, out_hbm, pos_v, idx_v, rows_v, sems, osems):
        wid = lax.axis_index("s") * NC + lax.axis_index("c")
        row_base = wid * BPW

        pltpu.sync_copy(pos_hbm, pos_v)
        pltpu.sync_copy(x_hbm.at[pl.ds(row_base, BPW)], idx_v)

        def gathers(cc, b):
            out = []
            for r in range(RPC):
                out.append((
                    token_hbm.at[idx_v.at[cc * RPC + r]],
                    rows_v.at[b, r],
                ))
            return out

        def out_copy(cc, b):
            return (rows_v.at[b], out_hbm.at[pl.ds(row_base + cc * RPC, RPC)])

        def issue(cc, b):
            for src, dst in gathers(cc, b):
                pltpu.async_copy(src, dst, sems[b])

        def drain(cc, b):
            for src, dst in gathers(cc, b):
                pltpu.make_async_copy(src, dst, sems[b]).wait()

        for p in range(NBUF - 1):
            issue(p, p)

        def chunk_group(cg, carry):
            for b in range(NBUF):
                cc = NBUF * cg + b
                bn = (b + NBUF - 1) % NBUF

                @pl.when(cc + NBUF - 1 < NCHUNK)
                def _():
                    @pl.when(cc >= 1)
                    def _():
                        src, dst = out_copy(cc - 1, bn)
                        pltpu.make_async_copy(src, dst, osems[bn]).wait()

                    issue(cc + NBUF - 1, bn)

                drain(cc, b)

                for r in range(RPC):

                    def add_pos(i, acc, r=r):
                        base_l = i * UNROLL
                        for u in range(UNROLL):
                            lrow = base_l + u
                            for j in range(E // LANES):
                                sl = pl.ds(j * LANES, LANES)
                                plsc.addupdate(
                                    rows_v.at[b, r, lrow, sl],
                                    pos_v[lrow + START, sl],
                                )
                        return acc

                    lax.fori_loop(0, L // UNROLL, add_pos, 0)

                src, dst = out_copy(cc, b)
                pltpu.async_copy(src, dst, osems[b])
            return carry

        lax.fori_loop(0, NCHUNK // NBUF, chunk_group, 0)

        for b in range(NBUF):
            src, dst = out_copy(NCHUNK - NBUF + b, b)
            pltpu.make_async_copy(src, dst, osems[b]).wait()

    return emb


def kernel(x, token_table, pos_table):
    B, L = x.shape
    V, E = token_table.shape
    emb = _build(B, L, V, E, pos_table.shape[0])
    return emb(x, token_table, pos_table)

# --- scband reference (transcript-rebuilt; emitter-appended) ---
"""Pipeline reference for scband-position-embeding-49263274885310 (READ-ONLY COPY).

The authoritative reference and input builder live on the scoring server;
editing this copy changes nothing except your own understanding.
"""

import jax, jax.numpy as jnp
import numpy as np

VOCAB = 1000000
EMB = 64
MAXLEN = 256
B = 4096
L = 200
START = 1

def setup_inputs(seed: int = 0):
    key = jax.random.key(seed)
    k1, k2, k3 = jax.random.split(key, 3)
    x = jax.random.randint(k1, (B, L), 0, VOCAB, dtype=jnp.int32)
    token_table = jax.random.normal(k2, (VOCAB, EMB), dtype=jnp.float32) * 0.05
    pos_table = jax.random.normal(k3, (MAXLEN, EMB), dtype=jnp.float32) * 0.05
    return {"x": x, "token_table": token_table, "pos_table": pos_table}

def reference(x, token_table, pos_table):
    batch_size, batch_length = x.shape
    # position_embedding: pos = tile(range(start, L+start), B) reshaped to [B, L]
    pos = jnp.tile(jnp.arange(START, batch_length + START, dtype=jnp.int32), (batch_size,)).reshape(batch_size, batch_length)
    invalid_pos = (pos != 0).astype(jnp.int32)
    pos = pos * invalid_pos
    positions = jnp.take(pos_table, pos, axis=0)
    # token_embedding
    words = jnp.take(token_table, x, axis=0)
    return words + positions

if __name__ == "__main__":
    import jax
    _d = setup_inputs()
    print(jax.jit(kernel)(*tuple(_d.values())))

</pallas_src>

<mosaic_0001>
#map = affine_map<(d0, d1) -> (0, 0)>
#map1 = affine_map<(d0, d1) -> (0, 0, 0)>
module attributes {stable_mosaic.version = 14 : i64} {
  func.func @emb(%arg0: i32, %arg1: i32, %arg2: memref<4096x200xi32, #tpu.memory_space<hbm>>, %arg3: memref<1000000x64xf32, #tpu.memory_space<hbm>>, %arg4: memref<256x64xf32, #tpu.memory_space<hbm>>, %arg5: memref<4096x200x64xf32, #tpu.memory_space<hbm>>, %arg6: memref<256x64xf32, #tpu.memory_space<vmem>>, %arg7: memref<128x200xi32, #tpu.memory_space<vmem>>, %arg8: memref<4x1x200x64xf32, #tpu.memory_space<vmem>>, %arg9: memref<!tpu.dma_semaphore, #tpu.memory_space<semaphore_mem>>, %arg10: memref<!tpu.dma_semaphore, #tpu.memory_space<semaphore_mem>>, %arg11: memref<!tpu.dma_semaphore, #tpu.memory_space<semaphore_mem>>, %arg12: memref<!tpu.dma_semaphore, #tpu.memory_space<semaphore_mem>>, %arg13: memref<!tpu.dma_semaphore, #tpu.memory_space<semaphore_mem>>, %arg14: memref<!tpu.dma_semaphore, #tpu.memory_space<semaphore_mem>>, %arg15: memref<!tpu.dma_semaphore, #tpu.memory_space<semaphore_mem>>, %arg16: memref<!tpu.dma_semaphore, #tpu.memory_space<semaphore_mem>>) attributes {dimension_semantics = [#tpu.dimension_semantics<core_parallel>, #tpu.dimension_semantics<subcore_parallel>], iteration_bounds = array<i64: 2, 16>, scalar_prefetch = 0 : i64, scratch_operands = 11 : i64, tpu.core_type = #tpu.core_type<sc_vector_subcore>, window_params = [{transform_indices = #map}, {transform_indices = #map}, {transform_indices = #map}, {transform_indices = #map1}]} {
    %mul3A = arith.constant 2 : i32
    %mul3A_0 = arith.muli %arg1, %mul3A : i32
    %add3A = arith.addi %mul3A_0, %arg0 : i32
    %mul3A_1 = arith.constant 128 : i32
    %mul3A_2 = arith.muli %add3A, %mul3A_1 : i32
    "tpu.region"() ({
      %run_scoped3A = tpu.sem_alloc : memref<!tpu.dma_semaphore, #tpu.memory_space<semaphore_mem>>
      tpu.enqueue_dma source(%arg4 : memref<256x64xf32, #tpu.memory_space<hbm>>) target(%arg6 : memref<256x64xf32, #tpu.memory_space<vmem>>) target_semaphore(%run_scoped3A : memref<!tpu.dma_semaphore, #tpu.memory_space<semaphore_mem>>)
      tpu.wait_dma2 semaphore(%run_scoped3A : memref<!tpu.dma_semaphore, #tpu.memory_space<semaphore_mem>>) src(%arg4 : memref<256x64xf32, #tpu.memory_space<hbm>>) dst(%arg6 : memref<256x64xf32, #tpu.memory_space<vmem>>)
      tpu.yield
    }) : () -> ()
    "tpu.region"() ({
      %run_scoped3A = tpu.sem_alloc : memref<!tpu.dma_semaphore, #tpu.memory_space<semaphore_mem>>
      %dma_start3A_121 = arith.constant 0 : i32
      %dma_start3A_122 = tpu.memref_slice %arg2[%mul3A_2, %dma_start3A_121] : memref<4096x200xi32, #tpu.memory_space<hbm>> -> memref<128x200xi32, #tpu.memory_space<hbm>>
      %dma_start3A_123 = arith.constant 0 : i32
      %dma_start3A_124 = tpu.memref_slice %arg2[%mul3A_2, %dma_start3A_123] : memref<4096x200xi32, #tpu.memory_space<hbm>> -> memref<128x200xi32, #tpu.memory_space<hbm>>
      tpu.enqueue_dma source(%dma_start3A_124 : memref<128x200xi32, #tpu.memory_space<hbm>>) target(%arg7 : memref<128x200xi32, #tpu.memory_space<vmem>>) target_semaphore(%run_scoped3A : memref<!tpu.dma_semaphore, #tpu.memory_space<semaphore_mem>>)
      %dma_wait3A_125 = arith.constant 0 : i32
      %dma_wait3A_126 = tpu.memref_slice %arg2[%mul3A_2, %dma_wait3A_125] : memref<4096x200xi32, #tpu.memory_space<hbm>> -> memref<128x200xi32, #tpu.memory_space<hbm>>
      %dma_wait3A_127 = arith.constant 0 : i32
      %dma_wait3A_128 = tpu.memref_slice %arg2[%mul3A_2, %dma_wait3A_127] : memref<4096x200xi32, #tpu.memory_space<hbm>> -> memref<128x200xi32, #tpu.memory_space<hbm>>
      tpu.wait_dma2 semaphore(%run_scoped3A : memref<!tpu.dma_semaphore, #tpu.memory_space<semaphore_mem>>) src(%dma_wait3A_128 : memref<128x200xi32, #tpu.memory_space<hbm>>) dst(%arg7 : memref<128x200xi32, #tpu.memory_space<vmem>>)
      tpu.yield
    }) : () -> ()
    %dma_start3A = arith.constant 0 : i32
    %dma_start3A_3 = arith.constant 0 : i32
    %dma_start3A_4 = arith.constant 0 : i32
    %dma_start3A_5 = arith.constant 0 : i32
    %dma_start3A_6 = arith.constant 0 : i32
    %dma_start3A_7 = tpu.memref_slice %arg8[%dma_start3A_3, %dma_start3A_4, %dma_start3A_5, %dma_start3A_6] : memref<4x1x200x64xf32, #tpu.memory_space<vmem>> -> memref<1x1x200x64xf32, #tpu.memory_space<vmem>>
    %dma_start3A_8 = tpu.memref_squeeze %dma_start3A_7 : memref<1x1x200x64xf32, #tpu.memory_space<vmem>> -> memref<200x64xf32, #tpu.memory_space<vmem>>
    %dma_start3A_9 = arith.constant 0 : i32
    %dma_start3A_10 = tpu.memref_slice %arg7[%dma_start3A, %dma_start3A_9] : memref<128x200xi32, #tpu.memory_space<vmem>> -> memref<1x200xi32, #tpu.memory_space<vmem>>
    %dma_start3A_11 = tpu.memref_squeeze %dma_start3A_10 : memref<1x200xi32, #tpu.memory_space<vmem>> -> memref<200xi32, #tpu.memory_space<vmem>>
    %dma_start3A_12 = arith.constant 0 : i32
    %dma_start3A_13 = arith.constant 0 : i32
    %dma_start3A_14 = tpu.memref_slice %arg3[%dma_start3A_12, %dma_start3A_13] : memref<1000000x64xf32, #tpu.memory_space<hbm>> -> memref<1000000x64xf32, #tpu.memory_space<hbm>>
    tpu.enqueue_indirect_dma source(%dma_start3A_14 : memref<1000000x64xf32, #tpu.memory_space<hbm>>) target(%dma_start3A_8 : memref<200x64xf32, #tpu.memory_space<vmem>>) offsets(%dma_start3A_11 : memref<200xi32, #tpu.memory_space<vmem>>) semaphore(%arg9 : memref<!tpu.dma_semaphore, #tpu.memory_space<semaphore_mem>>)
    %dma_start3A_15 = arith.constant 1 : i32
    %dma_start3A_16 = arith.constant 1 : i32
    %dma_start3A_17 = arith.constant 0 : i32
    %dma_start3A_18 = arith.constant 0 : i32
    %dma_start3A_19 = arith.constant 0 : i32
    %dma_start3A_20 = tpu.memref_slice %arg8[%dma_start3A_16, %dma_start3A_17, %dma_start3A_18, %dma_start3A_19] : memref<4x1x200x64xf32, #tpu.memory_space<vmem>> -> memref<1x1x200x64xf32, #tpu.memory_space<vmem>>
    %dma_start3A_21 = tpu.memref_squeeze %dma_start3A_20 : memref<1x1x200x64xf32, #tpu.memory_space<vmem>> -> memref<200x64xf32, #tpu.memory_space<vmem>>
    %dma_start3A_22 = arith.constant 0 : i32
    %dma_start3A_23 = tpu.memref_slice %arg7[%dma_start3A_15, %dma_start3A_22] : memref<128x200xi32, #tpu.memory_space<vmem>> -> memref<1x200xi32, #tpu.memory_space<vmem>>
    %dma_start3A_24 = tpu.memref_squeeze %dma_start3A_23 : memref<1x200xi32, #tpu.memory_space<vmem>> -> memref<200xi32, #tpu.memory_space<vmem>>
    %dma_start3A_25 = arith.constant 0 : i32
    %dma_start3A_26 = arith.constant 0 : i32
    %dma_start3A_27 = tpu.memref_slice %arg3[%dma_start3A_25, %dma_start3A_26] : memref<1000000x64xf32, #tpu.memory_space<hbm>> -> memref<1000000x64xf32, #tpu.memory_space<hbm>>
    tpu.enqueue_indirect_dma source(%dma_start3A_27 : memref<1000000x64xf32, #tpu.memory_space<hbm>>) target(%dma_start3A_21 : memref<200x64xf32, #tpu.memory_space<vmem>>) offsets(%dma_start3A_24 : memref<200xi32, #tpu.memory_space<vmem>>) semaphore(%arg10 : memref<!tpu.dma_semaphore, #tpu.memory_space<semaphore_mem>>)
    %dma_start3A_28 = arith.constant 2 : i32
    %dma_start3A_29 = arith.constant 2 : i32
    %dma_start3A_30 = arith.constant 0 : i32
    %dma_start3A_31 = arith.constant 0 : i32
    %dma_start3A_32 = arith.constant 0 : i32
    %dma_start3A_33 = tpu.memref_slice %arg8[%dma_start3A_29, %dma_start3A_30, %dma_start3A_31, %dma_start3A_32] : memref<4x1x200x64xf32, #tpu.memory_space<vmem>> -> memref<1x1x200x64xf32, #tpu.memory_space<vmem>>
    %dma_start3A_34 = tpu.memref_squeeze %dma_start3A_33 : memref<1x1x200x64xf32, #tpu.memory_space<vmem>> -> memref<200x64xf32, #tpu.memory_space<vmem>>
    %dma_start3A_35 = arith.constant 0 : i32
    %dma_start3A_36 = tpu.memref_slice %arg7[%dma_start3A_28, %dma_start3A_35] : memref<128x200xi32, #tpu.memory_space<vmem>> -> memref<1x200xi32, #tpu.memory_space<vmem>>
    %dma_start3A_37 = tpu.memref_squeeze %dma_start3A_36 : memref<1x200xi32, #tpu.memory_space<vmem>> -> memref<200xi32, #tpu.memory_space<vmem>>
    %dma_start3A_38 = arith.constant 0 : i32
    %dma_start3A_39 = arith.constant 0 : i32
    %dma_start3A_40 = tpu.memref_slice %arg3[%dma_start3A_38, %dma_start3A_39] : memref<1000000x64xf32, #tpu.memory_space<hbm>> -> memref<1000000x64xf32, #tpu.memory_space<hbm>>
    tpu.enqueue_indirect_dma source(%dma_start3A_40 : memref<1000000x64xf32, #tpu.memory_space<hbm>>) target(%dma_start3A_34 : memref<200x64xf32, #tpu.memory_space<vmem>>) offsets(%dma_start3A_37 : memref<200xi32, #tpu.memory_space<vmem>>) semaphore(%arg11 : memref<!tpu.dma_semaphore, #tpu.memory_space<semaphore_mem>>)
    %scan3A = arith.constant 0 : i32
    %scan3A_41 = arith.constant 0 : i32
    %scan3A_42 = arith.constant 32 : i32
    %scan3A_43 = arith.addi %scan3A_41, %scan3A_42 : i32
    %scan3A_44 = arith.constant 1 : i32
    scf.for %scan3A_121 = %scan3A_41 to %scan3A_43 step %scan3A_44  : i32 {
      %mul3A_122 = arith.constant 4 : i32
      %mul3A_123 = arith.muli %mul3A_122, %scan3A_121 : i32
      %add3A_124 = arith.constant 0 : i32
      %add3A_125 = arith.addi %mul3A_123, %add3A_124 : i32
      %add3A_126 = arith.constant 4 : i32
      %add3A_127 = arith.addi %add3A_125, %add3A_126 : i32
      %sub3A = arith.constant 1 : i32
      %sub3A_128 = arith.subi %add3A_127, %sub3A : i32
      %lt3A = arith.constant 128 : i32
      %lt3A_129 = arith.cmpi slt, %sub3A_128, %lt3A : i32
      %convert_element_type3A = arith.extui %lt3A_129 : i1 to i32
      %cond3A = arith.constant 0 : i32
      %cond3A_130 = arith.cmpi ne, %convert_element_type3A, %cond3A : i32
      scf.if %cond3A_130 {
        %ge3A = arith.constant 1 : i32
        %ge3A_338 = arith.cmpi sge, %add3A_125, %ge3A : i32
        %convert_element_type3A_339 = arith.extui %ge3A_338 : i1 to i32
        %cond3A_340 = arith.constant 0 : i32
        %cond3A_341 = arith.cmpi ne, %convert_element_type3A_339, %cond3A_340 : i32
        scf.if %cond3A_341 {
          %sub3A_362 = arith.constant 1 : i32
          %sub3A_363 = arith.subi %add3A_125, %sub3A_362 : i32
          %mul3A_364 = arith.constant 1 : i32
          %mul3A_365 = arith.muli %sub3A_363, %mul3A_364 : i32
          %add3A_366 = arith.addi %mul3A_2, %mul3A_365 : i32
          %dma_wait3A_367 = arith.constant 3 : i32
          %dma_wait3A_368 = arith.constant 0 : i32
          %dma_wait3A_369 = arith.constant 0 : i32
          %dma_wait3A_370 = arith.constant 0 : i32
          %dma_wait3A_371 = tpu.memref_slice %arg8[%dma_wait3A_367, %dma_wait3A_368, %dma_wait3A_369, %dma_wait3A_370] : memref<4x1x200x64xf32, #tpu.memory_space<vmem>> -> memref<1x1x200x64xf32, #tpu.memory_space<vmem>>
          %dma_wait3A_372 = tpu.memref_squeeze %dma_wait3A_371 : memref<1x1x200x64xf32, #tpu.memory_space<vmem>> -> memref<1x200x64xf32, #tpu.memory_space<vmem>>
          %dma_wait3A_373 = arith.constant 0 : i32
          %dma_wait3A_374 = arith.constant 0 : i32
          %dma_wait3A_375 = tpu.memref_slice %arg5[%add3A_366, %dma_wait3A_373, %dma_wait3A_374] : memref<4096x200x64xf32, #tpu.memory_space<hbm>> -> memref<1x200x64xf32, #tpu.memory_space<hbm>>
          %dma_wait3A_376 = arith.constant 0 : i32
          %dma_wait3A_377 = arith.constant 0 : i32
          %dma_wait3A_378 = tpu.memref_slice %arg5[%add3A_366, %dma_wait3A_376, %dma_wait3A_377] : memref<4096x200x64xf32, #tpu.memory_space<hbm>> -> memref<1x200x64xf32, #tpu.memory_space<hbm>>
          %dma_wait3A_379 = arith.constant 0 : i32
          %dma_wait3A_380 = arith.constant 0 : i32
          %dma_wait3A_381 = arith.constant 0 : i32
          %dma_wait3A_382 = tpu.memref_slice %arg8[%dma_wait3A_367, %dma_wait3A_379, %dma_wait3A_380, %dma_wait3A_381] : memref<4x1x200x64xf32, #tpu.memory_space<vmem>> -> memref<1x1x200x64xf32, #tpu.memory_space<vmem>>
          %dma_wait3A_383 = tpu.memref_squeeze %dma_wait3A_382 : memref<1x1x200x64xf32, #tpu.memory_space<vmem>> -> memref<1x200x64xf32, #tpu.memory_space<vmem>>
          tpu.wait_dma2 semaphore(%arg16 : memref<!tpu.dma_semaphore, #tpu.memory_space<semaphore_mem>>) src(%dma_wait3A_383 : memref<1x200x64xf32, #tpu.memory_space<vmem>>) dst(%dma_wait3A_378 : memref<1x200x64xf32, #tpu.memory_space<hbm>>)
        } else {
        }
        %add3A_342 = arith.constant 4 : i32
        %add3A_343 = arith.addi %add3A_125, %add3A_342 : i32
        %sub3A_344 = arith.constant 1 : i32
        %sub3A_345 = arith.subi %add3A_343, %sub3A_344 : i32
        %mul3A_346 = arith.constant 1 : i32
        %mul3A_347 = arith.muli %sub3A_345, %mul3A_346 : i32
        %add3A_348 = arith.constant 0 : i32
        %add3A_349 = arith.addi %mul3A_347, %add3A_348 : i32
        %dma_start3A_350 = arith.constant 3 : i32
        %dma_start3A_351 = arith.constant 0 : i32
        %dma_start3A_352 = arith.constant 0 : i32
        %dma_start3A_353 = arith.constant 0 : i32
        %dma_start3A_354 = tpu.memref_slice %arg8[%dma_start3A_350, %dma_start3A_351, %dma_start3A_352, %dma_start3A_353] : memref<4x1x200x64xf32, #tpu.memory_space<vmem>> -> memref<1x1x200x64xf32, #tpu.memory_space<vmem>>
        %dma_start3A_355 = tpu.memref_squeeze %dma_start3A_354 : memref<1x1x200x64xf32, #tpu.memory_space<vmem>> -> memref<200x64xf32, #tpu.memory_space<vmem>>
        %dma_start3A_356 = arith.constant 0 : i32
        %dma_start3A_357 = tpu.memref_slice %arg7[%add3A_349, %dma_start3A_356] : memref<128x200xi32, #tpu.memory_space<vmem>> -> memref<1x200xi32, #tpu.memory_space<vmem>>
        %dma_start3A_358 = tpu.memref_squeeze %dma_start3A_357 : memref<1x200xi32, #tpu.memory_space<vmem>> -> memref<200xi32, #tpu.memory_space<vmem>>
        %dma_start3A_359 = arith.constant 0 : i32
        %dma_start3A_360 = arith.constant 0 : i32
        %dma_start3A_361 = tpu.memref_slice %arg3[%dma_start3A_359, %dma_start3A_360] : memref<1000000x64xf32, #tpu.memory_space<hbm>> -> memref<1000000x64xf32, #tpu.memory_space<hbm>>
        tpu.enqueue_indirect_dma source(%dma_start3A_361 : memref<1000000x64xf32, #tpu.memory_space<hbm>>) target(%dma_start3A_355 : memref<200x64xf32, #tpu.memory_space<vmem>>) offsets(%dma_start3A_358 : memref<200xi32, #tpu.memory_space<vmem>>) semaphore(%arg12 : memref<!tpu.dma_semaphore, #tpu.memory_space<semaphore_mem>>)
      } else {
      }
      %mul3A_131 = arith.constant 1 : i32
      %mul3A_132 = arith.muli %add3A_125, %mul3A_131 : i32
      %add3A_133 = arith.constant 0 : i32
      %add3A_134 = arith.addi %mul3A_132, %add3A_133 : i32
      %dma_wait3A_135 = arith.constant 0 : i32
      %dma_wait3A_136 = arith.constant 0 : i32
      %dma_wait3A_137 = arith.constant 0 : i32
      %dma_wait3A_138 = arith.constant 0 : i32
      %dma_wait3A_139 = tpu.memref_slice %arg8[%dma_wait3A_135, %dma_wait3A_136, %dma_wait3A_137, %dma_wait3A_138] : memref<4x1x200x64xf32, #tpu.memory_space<vmem>> -> memref<1x1x200x64xf32, #tpu.memory_space<vmem>>
      %dma_wait3A_140 = tpu.memref_squeeze %dma_wait3A_139 : memref<1x1x200x64xf32, #tpu.memory_space<vmem>> -> memref<200x64xf32, #tpu.memory_space<vmem>>
      %dma_wait3A_141 = arith.constant 0 : i32
      %dma_wait3A_142 = tpu.memref_slice %arg7[%add3A_134, %dma_wait3A_141] : memref<128x200xi32, #tpu.memory_space<vmem>> -> memref<1x200xi32, #tpu.memory_space<vmem>>
      %dma_wait3A_143 = tpu.memref_squeeze %dma_wait3A_142 : memref<1x200xi32, #tpu.memory_space<vmem>> -> memref<200xi32, #tpu.memory_space<vmem>>
      %dma_wait3A_144 = arith.constant 0 : i32
      %dma_wait3A_145 = arith.constant 0 : i32
      %dma_wait3A_146 = tpu.memref_slice %arg3[%dma_wait3A_144, %dma_wait3A_145] : memref<1000000x64xf32, #tpu.memory_space<hbm>> -> memref<1000000x64xf32, #tpu.memory_space<hbm>>
      tpu.wait_indirect_dma semaphore(%arg9 : memref<!tpu.dma_semaphore, #tpu.memory_space<semaphore_mem>>) src(%dma_wait3A_146 : memref<1000000x64xf32, #tpu.memory_space<hbm>>) dst(%dma_wait3A_140 : memref<200x64xf32, #tpu.memory_space<vmem>>)
      %scan3A_147 = arith.constant 0 : i32
      %scan3A_148 = arith.constant 0 : i32
      %scan3A_149 = arith.constant 25 : i32
      %scan3A_150 = arith.addi %scan3A_148, %scan3A_149 : i32
      %scan3A_151 = arith.constant 1 : i32
      scf.for %scan3A_338 = %scan3A_148 to %scan3A_150 step %scan3A_151  : i32 {
        %mul3A_339 = arith.constant 8 : i32
        %mul3A_340 = arith.muli %scan3A_338, %mul3A_339 : i32
        %add3A_341 = arith.constant 0 : i32
        %add3A_342 = arith.addi %mul3A_340, %add3A_341 : i32
        %add3A_343 = arith.constant 1 : i32
        %add3A_344 = arith.addi %add3A_342, %add3A_343 : i32
        %get3A = arith.index_cast %add3A_344 : i32 to index
        %get3A_345 = arith.constant 0 : index
        %get3A_346 = tpu.vector_load %arg6[%get3A, %get3A_345] {strides = array<i32>} : memref<256x64xf32, #tpu.memory_space<vmem>>, vector<1x16xf32>,
        %get3A_347 = vector.shape_cast %get3A_346 : vector<1x16xf32> to vector<16xf32>
        %swap3A = arith.constant 0 : i32
        %swap3A_348 = arith.constant 0 : i32
        %swap3A_349 = arith.index_cast %swap3A : i32 to index
        %swap3A_350 = arith.index_cast %swap3A_348 : i32 to index
        %swap3A_351 = arith.index_cast %add3A_342 : i32 to index
        %swap3A_352 = arith.constant 0 : index
        %swap3A_353 = tpu.vector_load %arg8[%swap3A_349, %swap3A_350, %swap3A_351, %swap3A_352] {strides = array<i32>} : memref<4x1x200x64xf32, #tpu.memory_space<vmem>>, vector<1x1x1x16xf32>,
        %swap3A_354 = vector.shape_cast %swap3A_353 : vector<1x1x1x16xf32> to vector<16xf32>
        %swap3A_355 = vector.shape_cast %get3A_347 : vector<16xf32> to vector<1x1x1x16xf32>
        tpu.vector_store %arg8[%swap3A_349, %swap3A_350, %swap3A_351, %swap3A_352], %swap3A_355 {add = true, strides = array<i32>} : memref<4x1x200x64xf32, #tpu.memory_space<vmem>>, vector<1x1x1x16xf32>,
        %add3A_356 = arith.constant 1 : i32
        %add3A_357 = arith.addi %add3A_342, %add3A_356 : i32
        %get3A_358 = arith.index_cast %add3A_357 : i32 to index
        %get3A_359 = arith.constant 16 : index
        %get3A_360 = tpu.vector_load %arg6[%get3A_358, %get3A_359] {strides = array<i32>} : memref<256x64xf32, #tpu.memory_space<vmem>>, vector<1x16xf32>,
        %get3A_361 = vector.shape_cast %get3A_360 : vector<1x16xf32> to vector<16xf32>
        %swap3A_362 = arith.constant 0 : i32
        %swap3A_363 = arith.constant 0 : i32
        %swap3A_364 = arith.index_cast %swap3A_362 : i32 to index
        %swap3A_365 = arith.index_cast %swap3A_363 : i32 to index
        %swap3A_366 = arith.index_cast %add3A_342 : i32 to index
        %swap3A_367 = arith.constant 16 : index
        %swap3A_368 = tpu.vector_load %arg8[%swap3A_364, %swap3A_365, %swap3A_366, %swap3A_367] {strides = array<i32>} : memref<4x1x200x64xf32, #tpu.memory_space<vmem>>, vector<1x1x1x16xf32>,
        %swap3A_369 = vector.shape_cast %swap3A_368 : vector<1x1x1x16xf32> to vector<16xf32>
        %swap3A_370 = vector.shape_cast %get3A_361 : vector<16xf32> to vector<1x1x1x16xf32>
        tpu.vector_store %arg8[%swap3A_364, %swap3A_365, %swap3A_366, %swap3A_367], %swap3A_370 {add = true, strides = array<i32>} : memref<4x1x200x64xf32, #tpu.memory_space<vmem>>, vector<1x1x1x16xf32>,
        %add3A_371 = arith.constant 1 : i32
        %add3A_372 = arith.addi %add3A_342, %add3A_371 : i32
        %get3A_373 = arith.index_cast %add3A_372 : i32 to index
        %get3A_374 = arith.constant 32 : index
        %get3A_375 = tpu.vector_load %arg6[%get3A_373, %get3A_374] {strides = array<i32>} : memref<256x64xf32, #tpu.memory_space<vmem>>, vector<1x16xf32>,
        %get3A_376 = vector.shape_cast %get3A_375 : vector<1x16xf32> to vector<16xf32>
        %swap3A_377 = arith.constant 0 : i32
        %swap3A_378 = arith.constant 0 : i32
        %swap3A_379 = arith.index_cast %swap3A_377 : i32 to index
        %swap3A_380 = arith.index_cast %swap3A_378 : i32 to index
        %swap3A_381 = arith.index_cast %add3A_342 : i32 to index
        %swap3A_382 = arith.constant 32 : index
        %swap3A_383 = tpu.vector_load %arg8[%swap3A_379, %swap3A_380, %swap3A_381, %swap3A_382] {strides = array<i32>} : memref<4x1x200x64xf32, #tpu.memory_space<vmem>>, vector<1x1x1x16xf32>,
        %swap3A_384 = vector.shape_cast %swap3A_383 : vector<1x1x1x16xf32> to vector<16xf32>
        %swap3A_385 = vector.shape_cast %get3A_376 : vector<16xf32> to vector<1x1x1x16xf32>
        tpu.vector_store %arg8[%swap3A_379, %swap3A_380, %swap3A_381, %swap3A_382], %swap3A_385 {add = true, strides = array<i32>} : memref<4x1x200x64xf32, #tpu.memory_space<vmem>>, vector<1x1x1x16xf32>,
        %add3A_386 = arith.constant 1 : i32
        %add3A_387 = arith.addi %add3A_342, %add3A_386 : i32
        %get3A_388 = arith.index_cast %add3A_387 : i32 to index
        %get3A_389 = arith.constant 48 : index
        %get3A_390 = tpu.vector_load %arg6[%get3A_388, %get3A_389] {strides = array<i32>} : memref<256x64xf32, #tpu.memory_space<vmem>>, vector<1x16xf32>,
        %get3A_391 = vector.shape_cast %get3A_390 : vector<1x16xf32> to vector<16xf32>
        %swap3A_392 = arith.constant 0 : i32
        %swap3A_393 = arith.constant 0 : i32
        %swap3A_394 = arith.index_cast %swap3A_392 : i32 to index
        %swap3A_395 = arith.index_cast %swap3A_393 : i32 to index
        %swap3A_396 = arith.index_cast %add3A_342 : i32 to index
        %swap3A_397 = arith.constant 48 : index
        %swap3A_398 = tpu.vector_load %arg8[%swap3A_394, %swap3A_395, %swap3A_396, %swap3A_397] {strides = array<i32>} : memref<4x1x200x64xf32, #tpu.memory_space<vmem>>, vector<1x1x1x16xf32>,
        %swap3A_399 = vector.shape_cast %swap3A_398 : vector<1x1x1x16xf32> to vector<16xf32>
        %swap3A_400 = vector.shape_cast %get3A_391 : vector<16xf32> to vector<1x1x1x16xf32>
        tpu.vector_store %arg8[%swap3A_394, %swap3A_395, %swap3A_396, %swap3A_397], %swap3A_400 {add = true, strides = array<i32>} : memref<4x1x200x64xf32, #tpu.memory_space<vmem>>, vector<1x1x1x16xf32>,
        %add3A_401 = arith.constant 1 : i32
        %add3A_402 = arith.addi %mul3A_340, %add3A_401 : i32
        %add3A_403 = arith.constant 1 : i32
        %add3A_404 = arith.addi %add3A_402, %add3A_403 : i32
        %get3A_405 = arith.index_cast %add3A_404 : i32 to index
        %get3A_406 = arith.constant 0 : index
        %get3A_407 = tpu.vector_load %arg6[%get3A_405, %get3A_406] {strides = array<i32>} : memref<256x64xf32, #tpu.memory_space<vmem>>, vector<1x16xf32>,
        %get3A_408 = vector.shape_cast %get3A_407 : vector<1x16xf32> to vector<16xf32>
        %swap3A_409 = arith.constant 0 : i32
        %swap3A_410 = arith.constant 0 : i32
        %swap3A_411 = arith.index_cast %swap3A_409 : i32 to index
        %swap3A_412 = arith.index_cast %swap3A_410 : i32 to index
        %swap3A_413 = arith.index_cast %add3A_402 : i32 to index
        %swap3A_414 = arith.constant 0 : index
        %swap3A_415 = tpu.vector_load %arg8[%swap3A_411, %swap3A_412, %swap3A_413, %swap3A_414] {strides = array<i32>} : memref<4x1x200x64xf32, #tpu.memory_space<vmem>>, vector<1x1x1x16xf32>,
        %swap3A_416 = vector.shape_cast %swap3A_415 : vector<1x1x1x16xf32> to vector<16xf32>
        %swap3A_417 = vector.shape_cast %get3A_408 : vector<16xf32> to vector<1x1x1x16xf32>
        tpu.vector_store %arg8[%swap3A_411, %swap3A_412, %swap3A_413, %swap3A_414], %swap3A_417 {add = true, strides = array<i32>} : memref<4x1x200x64xf32, #tpu.memory_space<vmem>>, vector<1x1x1x16xf32>,
        %add3A_418 = arith.constant 1 : i32
        %add3A_419 = arith.addi %add3A_402, %add3A_418 : i32
        %get3A_420 = arith.index_cast %add3A_419 : i32 to index
        %get3A_421 = arith.constant 16 : index
        %get3A_422 = tpu.vector_load %arg6[%get3A_420, %get3A_421] {strides = array<i32>} : memref<256x64xf32, #tpu.memory_space<vmem>>, vector<1x16xf32>,
        %get3A_423 = vector.shape_cast %get3A_422 : vector<1x16xf32> to vector<16xf32>
        %swap3A_424 = arith.constant 0 : i32
        %swap3A_425 = arith.constant 0 : i32
        %swap3A_426 = arith.index_cast %swap3A_424 : i32 to index
        %swap3A_427 = arith.index_cast %swap3A_425 : i32 to index
        %swap3A_428 = arith.index_cast %add3A_402 : i32 to index
        %swap3A_429 = arith.constant 16 : index
        %swap3A_430 = tpu.vector_load %arg8[%swap3A_426, %swap3A_427, %swap3A_428, %swap3A_429] {strides = array<i32>} : memref<4x1x200x64xf32, #tpu.memory_space<vmem>>, vector<1x1x1x16xf32>,
        %swap3A_431 = vector.shape_cast %swap3A_430 : vector<1x1x1x16xf32> to vector<16xf32>
        %swap3A_432 = vector.shape_cast %get3A_423 : vector<16xf32> to vector<1x1x1x16xf32>
        tpu.vector_store %arg8[%swap3A_426, %swap3A_427, %swap3A_428, %swap3A_429], %swap3A_432 {add = true, strides = array<i32>} : memref<4x1x200x64xf32, #tpu.memory_space<vmem>>, vector<1x1x1x16xf32>,
        %add3A_433 = arith.constant 1 : i32
        %add3A_434 = arith.addi %add3A_402, %add3A_433 : i32
        %get3A_435 = arith.index_cast %add3A_434 : i32 to index
        %get3A_436 = arith.constant 32 : index
        %get3A_437 = tpu.vector_load %arg6[%get3A_435, %get3A_436] {strides = array<i32>} : memref<256x64xf32, #tpu.memory_space<vmem>>, vector<1x16xf32>,
        %get3A_438 = vector.shape_cast %get3A_437 : vector<1x16xf32> to vector<16xf32>
        %swap3A_439 = arith.constant 0 : i32
        %swap3A_440 = arith.constant 0 : i32
        %swap3A_441 = arith.index_cast %swap3A_439 : i32 to index
        %swap3A_442 = arith.index_cast %swap3A_440 : i32 to index
        %swap3A_443 = arith.index_cast %add3A_402 : i32 to index
        %swap3A_444 = arith.constant 32 : index
        %swap3A_445 = tpu.vector_load %arg8[%swap3A_441, %swap3A_442, %swap3A_443, %swap3A_444] {strides = array<i32>} : memref<4x1x200x64xf32, #tpu.memory_space<vmem>>, vector<1x1x1x16xf32>,
        %swap3A_446 = vector.shape_cast %swap3A_445 : vector<1x1x1x16xf32> to vector<16xf32>
        %swap3A_447 = vector.shape_cast %get3A_438 : vector<16xf32> to vector<1x1x1x16xf32>
        tpu.vector_store %arg8[%swap3A_441, %swap3A_442, %swap3A_443, %swap3A_444], %swap3A_447 {add = true, strides = array<i32>} : memref<4x1x200x64xf32, #tpu.memory_space<vmem>>, vector<1x1x1x16xf32>,
        %add3A_448 = arith.constant 1 : i32
        %add3A_449 = arith.addi %add3A_402, %add3A_448 : i32
        %get3A_450 = arith.index_cast %add3A_449 : i32 to index
        %get3A_451 = arith.constant 48 : index
        %get3A_452 = tpu.vector_load %arg6[%get3A_450, %get3A_451] {strides = array<i32>} : memref<256x64xf32, #tpu.memory_space<vmem>>, vector<1x16xf32>,
        %get3A_453 = vector.shape_cast %get3A_452 : vector<1x16xf32> to vector<16xf32>
        %swap3A_454 = arith.constant 0 : i32
        %swap3A_455 = arith.constant 0 : i32
        %swap3A_456 = arith.index_cast %swap3A_454 : i32 to index
        %swap3A_457 = arith.index_cast %swap3A_455 : i32 to index
        %swap3A_458 = arith.index_cast %add3A_402 : i32 to index
        %swap3A_459 = arith.constant 48 : index
        %swap3A_460 = tpu.vector_load %arg8[%swap3A_456, %swap3A_457, %swap3A_458, %swap3A_459] {strides = array<i32>} : memref<4x1x200x64xf32, #tpu.memory_space<vmem>>, vector<1x1x1x16xf32>,
        %swap3A_461 = vector.shape_cast %swap3A_460 : vector<1x1x1x16xf32> to vector<16xf32>
        %swap3A_462 = vector.shape_cast %get3A_453 : vector<16xf32> to vector<1x1x1x16xf32>
        tpu.vector_store %arg8[%swap3A_456, %swap3A_457, %swap3A_458, %swap3A_459], %swap3A_462 {add = true, strides = array<i32>} : memref<4x1x200x64xf32, #tpu.memory_space<vmem>>, vector<1x1x1x16xf32>,
        %add3A_463 = arith.constant 2 : i32
        %add3A_464 = arith.addi %mul3A_340, %add3A_463 : i32
        %add3A_465 = arith.constant 1 : i32
        %add3A_466 = arith.addi %add3A_464, %add3A_465 : i32
        %get3A_467 = arith.index_cast %add3A_466 : i32 to index
        %get3A_468 = arith.constant 0 : index
        %get3A_469 = tpu.vector_load %arg6[%get3A_467, %get3A_468] {strides = array<i32>} : memref<256x64xf32, #tpu.memory_space<vmem>>, vector<1x16xf32>,
        %get3A_470 = vector.shape_cast %get3A_469 : vector<1x16xf32> to vector<16xf32>
        %swap3A_471 = arith.constant 0 : i32
        %swap3A_472 = arith.constant 0 : i32
        %swap3A_473 = arith.index_cast %swap3A_471 : i32 to index
        %swap3A_474 = arith.index_cast %swap3A_472 : i32 to index
        %swap3A_475 = arith.index_cast %add3A_464 : i32 to index
        %swap3A_476 = arith.constant 0 : index
        %swap3A_477 = tpu.vector_load %arg8[%swap3A_473, %swap3A_474, %swap3A_475, %swap3A_476] {strides = array<i32>} : memref<4x1x200x64xf32, #tpu.memory_space<vmem>>, vector<1x1x1x16xf32>,
        %swap3A_478 = vector.shape_cast %swap3A_477 : vector<1x1x1x16xf32> to vector<16xf32>
        %swap3A_479 = vector.shape_cast %get3A_470 : vector<16xf32> to vector<1x1x1x16xf32>
        tpu.vector_store %arg8[%swap3A_473, %swap3A_474, %swap3A_475, %swap3A_476], %swap3A_479 {add = true, strides = array<i32>} : memref<4x1x200x64xf32, #tpu.memory_space<vmem>>, vector<1x1x1x16xf32>,
        %add3A_480 = arith.constant 1 : i32
        %add3A_481 = arith.addi %add3A_464, %add3A_480 : i32
        %get3A_482 = arith.index_cast %add3A_481 : i32 to index
        %get3A_483 = arith.constant 16 : index
        %get3A_484 = tpu.vector_load %arg6[%get3A_482, %get3A_483] {strides = array<i32>} : memref<256x64xf32, #tpu.memory_space<vmem>>, vector<1x16xf32>,
        %get3A_485 = vector.shape_cast %get3A_484 : vector<1x16xf32> to vector<16xf32>
        %swap3A_486 = arith.constant 0 : i32
        %swap3A_487 = arith.constant 0 : i32
        %swap3A_488 = arith.index_cast %swap3A_486 : i32 to index
        %swap3A_489 = arith.index_cast %swap3A_487 : i32 to index
        %swap3A_490 = arith.index_cast %add3A_464 : i32 to index
        %swap3A_491 = arith.constant 16 : index
        %swap3A_492 = tpu.vector_load %arg8[%swap3A_488, %swap3A_489, %swap3A_490, %swap3A_491] {strides = array<i32>} : memref<4x1x200x64xf32, #tpu.memory_space<vmem>>, vector<1x1x1x16xf32>,
        %swap3A_493 = vector.shape_cast %swap3A_492 : vector<1x1x1x16xf32> to vector<16xf32>
        %swap3A_494 = vector.shape_cast %get3A_485 : vector<16xf32> to vector<1x1x1x16xf32>
        tpu.vector_store %arg8[%swap3A_488, %swap3A_489, %swap3A_490, %swap3A_491], %swap3A_494 {add = true, strides = array<i32>} : memref<4x1x200x64xf32, #tpu.memory_space<vmem>>, vector<1x1x1x16xf32>,
        %add3A_495 = arith.constant 1 : i32
        %add3A_496 = arith.addi %add3A_464, %add3A_495 : i32
        %get3A_497 = arith.index_cast %add3A_496 : i32 to index
        %get3A_498 = arith.constant 32 : index
        %get3A_499 = tpu.vector_load %arg6[%get3A_497, %get3A_498] {strides = array<i32>} : memref<256x64xf32, #tpu.memory_space<vmem>>, vector<1x16xf32>,
        %get3A_500 = vector.shape_cast %get3A_499 : vector<1x16xf32> to vector<16xf32>
        %swap3A_501 = arith.constant 0 : i32
        %swap3A_502 = arith.constant 0 : i32
        %swap3A_503 = arith.index_cast %swap3A_501 : i32 to index
        %swap3A_504 = arith.index_cast %swap3A_502 : i32 to index
        %swap3A_505 = arith.index_cast %add3A_464 : i32 to index
        %swap3A_506 = arith.constant 32 : index
        %swap3A_507 = tpu.vector_load %arg8[%swap3A_503, %swap3A_504, %swap3A_505, %swap3A_506] {strides = array<i32>} : memref<4x1x200x64xf32, #tpu.memory_space<vmem>>, vector<1x1x1x16xf32>,
        %swap3A_508 = vector.shape_cast %swap3A_507 : vector<1x1x1x16xf32> to vector<16xf32>
        %swap3A_509 = vector.shape_cast %get3A_500 : vector<16xf32> to vector<1x1x1x16xf32>
        tpu.vector_store %arg8[%swap3A_503, %swap3A_504, %swap3A_505, %swap3A_506], %swap3A_509 {add = true, strides = array<i32>} : memref<4x1x200x64xf32, #tpu.memory_space<vmem>>, vector<1x1x1x16xf32>,
        %add3A_510 = arith.constant 1 : i32
        %add3A_511 = arith.addi %add3A_464, %add3A_510 : i32
        %get3A_512 = arith.index_cast %add3A_511 : i32 to index
        %get3A_513 = arith.constant 48 : index
        %get3A_514 = tpu.vector_load %arg6[%get3A_512, %get3A_513] {strides = array<i32>} : memref<256x64xf32, #tpu.memory_space<vmem>>, vector<1x16xf32>,
        %get3A_515 = vector.shape_cast %get3A_514 : vector<1x16xf32> to vector<16xf32>
        %swap3A_516 = arith.constant 0 : i32
        %swap3A_517 = arith.constant 0 : i32
        %swap3A_518 = arith.index_cast %swap3A_516 : i32 to index
        %swap3A_519 = arith.index_cast %swap3A_517 : i32 to index
        %swap3A_520 = arith.index_cast %add3A_464 : i32 to index
        %swap3A_521 = arith.constant 48 : index
        %swap3A_522 = tpu.vector_load %arg8[%swap3A_518, %swap3A_519, %swap3A_520, %swap3A_521] {strides = array<i32>} : memref<4x1x200x64xf32, #tpu.memory_space<vmem>>, vector<1x1x1x16xf32>,
        %swap3A_523 = vector.shape_cast %swap3A_522 : vector<1x1x1x16xf32> to vector<16xf32>
        %swap3A_524 = vector.shape_cast %get3A_515 : vector<16xf32> to vector<1x1x1x16xf32>
        tpu.vector_store %arg8[%swap3A_518, %swap3A_519, %swap3A_520, %swap3A_521], %swap3A_524 {add = true, strides = array<i32>} : memref<4x1x200x64xf32, #tpu.memory_space<vmem>>, vector<1x1x1x16xf32>,
        %add3A_525 = arith.constant 3 : i32
        %add3A_526 = arith.addi %mul3A_340, %add3A_525 : i32
        %add3A_527 = arith.constant 1 : i32
        %add3A_528 = arith.addi %add3A_526, %add3A_527 : i32
        %get3A_529 = arith.index_cast %add3A_528 : i32 to index
        %get3A_530 = arith.constant 0 : index
        %get3A_531 = tpu.vector_load %arg6[%get3A_529, %get3A_530] {strides = array<i32>} : memref<256x64xf32, #tpu.memory_space<vmem>>, vector<1x16xf32>,
        %get3A_532 = vector.shape_cast %get3A_531 : vector<1x16xf32> to vector<16xf32>
        %swap3A_533 = arith.constant 0 : i32
        %swap3A_534 = arith.constant 0 : i32
        %swap3A_535 = arith.index_cast %swap3A_533 : i32 to index
        %swap3A_536 = arith.index_cast %swap3A_534 : i32 to index
        %swap3A_537 = arith.index_cast %add3A_526 : i32 to index
        %swap3A_538 = arith.constant 0 : index
        %swap3A_539 = tpu.vector_load %arg8[%swap3A_535, %swap3A_536, %swap3A_537, %swap3A_538] {strides = array<i32>} : memref<4x1x200x64xf32, #tpu.memory_space<vmem>>, vector<1x1x1x16xf32>,
        %swap3A_540 = vector.shape_cast %swap3A_539 : vector<1x1x1x16xf32> to vector<16xf32>
        %swap3A_541 = vector.shape_cast %get3A_532 : vector<16xf32> to vector<1x1x1x16xf32>
        tpu.vector_store %arg8[%swap3A_535, %swap3A_536, %swap3A_537, %swap3A_538], %swap3A_541 {add = true, strides = array<i32>} : memref<4x1x200x64xf32, #tpu.memory_space<vmem>>, vector<1x1x1x16xf32>,
        %add3A_542 = arith.constant 1 : i32
        %add3A_543 = arith.addi %add3A_526, %add3A_542 : i32
        %get3A_544 = arith.index_cast %add3A_543 : i32 to index
        %get3A_545 = arith.constant 16 : index
        %get3A_546 = tpu.vector_load %arg6[%get3A_544, %get3A_545] {strides = array<i32>} : memref<256x64xf32, #tpu.memory_space<vmem>>, vector<1x16xf32>,
        %get3A_547 = vector.shape_cast %get3A_546 : vector<1x16xf32> to vector<16xf32>
        %swap3A_548 = arith.constant 0 : i32
        %swap3A_549 = arith.constant 0 : i32
        %swap3A_550 = arith.index_cast %swap3A_548 : i32 to index
        %swap3A_551 = arith.index_cast %swap3A_549 : i32 to index
        %swap3A_552 = arith.index_cast %add3A_526 : i32 to index
        %swap3A_553 = arith.constant 16 : index
        %swap3A_554 = tpu.vector_load %arg8[%swap3A_550, %swap3A_551, %swap3A_552, %swap3A_553] {strides = array<i32>} : memref<4x1x200x64xf32, #tpu.memory_space<vmem>>, vector<1x1x1x16xf32>,
        %swap3A_555 = vector.shape_cast %swap3A_554 : vector<1x1x1x16xf32> to vector<16xf32>
        %swap3A_556 = vector.shape_cast %get3A_547 : vector<16xf32> to vector<1x1x1x16xf32>
        tpu.vector_store %arg8[%swap3A_550, %swap3A_551, %swap3A_552, %swap3A_553], %swap3A_556 {add = true, strides = array<i32>} : memref<4x1x200x64xf32, #tpu.memory_space<vmem>>, vector<1x1x1x16xf32>,
        %add3A_557 = arith.constant 1 : i32
        %add3A_558 = arith.addi %add3A_526, %add3A_557 : i32
        %get3A_559 = arith.index_cast %add3A_558 : i32 to index
        %get3A_560 = arith.constant 32 : index
        %get3A_561 = tpu.vector_load %arg6[%get3A_559, %get3A_560] {strides = array<i32>} : memref<256x64xf32, #tpu.memory_space<vmem>>, vector<1x16xf32>,
        %get3A_562 = vector.shape_cast %get3A_561 : vector<1x16xf32> to vector<16xf32>
        %swap3A_563 = arith.constant 0 : i32
        %swap3A_564 = arith.constant 0 : i32
        %swap3A_565 = arith.index_cast %swap3A_563 : i32 to index
        %swap3A_566 = arith.index_cast %swap3A_564 : i32 to index
        %swap3A_567 = arith.index_cast %add3A_526 : i32 to index
        %swap3A_568 = arith.constant 32 : index
        %swap3A_569 = tpu.vector_load %arg8[%swap3A_565, %swap3A_566, %swap3A_567, %swap3A_568] {strides = array<i32>} : memref<4x1x200x64xf32, #tpu.memory_space<vmem>>, vector<1x1x1x16xf32>,
        %swap3A_570 = vector.shape_cast %swap3A_569 : vector<1x1x1x16xf32> to vector<16xf32>
        %swap3A_571 = vector.shape_cast %get3A_562 : vector<16xf32> to vector<1x1x1x16xf32>
        tpu.vector_store %arg8[%swap3A_565, %swap3A_566, %swap3A_567, %swap3A_568], %swap3A_571 {add = true, strides = array<i32>} : memref<4x1x200x64xf32, #tpu.memory_space<vmem>>, vector<1x1x1x16xf32>,
        %add3A_572 = arith.constant 1 : i32
        %add3A_573 = arith.addi %add3A_526, %add3A_572 : i32
        %get3A_574 = arith.index_cast %add3A_573 : i32 to index
        %get3A_575 = arith.constant 48 : index
        %get3A_576 = tpu.vector_load %arg6[%get3A_574, %get3A_575] {strides = array<i32>} : memref<256x64xf32, #tpu.memory_space<vmem>>, vector<1x16xf32>,
        %get3A_577 = vector.shape_cast %get3A_576 : vector<1x16xf32> to vector<16xf32>
        %swap3A_578 = arith.constant 0 : i32
        %swap3A_579 = arith.constant 0 : i32
        %swap3A_580 = arith.index_cast %swap3A_578 : i32 to index
        %swap3A_581 = arith.index_cast %swap3A_579 : i32 to index
        %swap3A_582 = arith.index_cast %add3A_526 : i32 to index
        %swap3A_583 = arith.constant 48 : index
        %swap3A_584 = tpu.vector_load %arg8[%swap3A_580, %swap3A_581, %swap3A_582, %swap3A_583] {strides = array<i32>} : memref<4x1x200x64xf32, #tpu.memory_space<vmem>>, vector<1x1x1x16xf32>,
        %swap3A_585 = vector.shape_cast %swap3A_584 : vector<1x1x1x16xf32> to vector<16xf32>
        %swap3A_586 = vector.shape_cast %get3A_577 : vector<16xf32> to vector<1x1x1x16xf32>
        tpu.vector_store %arg8[%swap3A_580, %swap3A_581, %swap3A_582, %swap3A_583], %swap3A_586 {add = true, strides = array<i32>} : memref<4x1x200x64xf32, #tpu.memory_space<vmem>>, vector<1x1x1x16xf32>,
        %add3A_587 = arith.constant 4 : i32
        %add3A_588 = arith.addi %mul3A_340, %add3A_587 : i32
        %add3A_589 = arith.constant 1 : i32
        %add3A_590 = arith.addi %add3A_588, %add3A_589 : i32
        %get3A_591 = arith.index_cast %add3A_590 : i32 to index
        %get3A_592 = arith.constant 0 : index
        %get3A_593 = tpu.vector_load %arg6[%get3A_591, %get3A_592] {strides = array<i32>} : memref<256x64xf32, #tpu.memory_space<vmem>>, vector<1x16xf32>,
        %get3A_594 = vector.shape_cast %get3A_593 : vector<1x16xf32> to vector<16xf32>
        %swap3A_595 = arith.constant 0 : i32
        %swap3A_596 = arith.constant 0 : i32
        %swap3A_597 = arith.index_cast %swap3A_595 : i32 to index
        %swap3A_598 = arith.index_cast %swap3A_596 : i32 to index
        %swap3A_599 = arith.index_cast %add3A_588 : i32 to index
        %swap3A_600 = arith.constant 0 : index
        %swap3A_601 = tpu.vector_load %arg8[%swap3A_597, %swap3A_598, %swap3A_599, %swap3A_600] {strides = array<i32>} : memref<4x1x200x64xf32, #tpu.memory_space<vmem>>, vector<1x1x1x16xf32>,
        %swap3A_602 = vector.shape_cast %swap3A_601 : vector<1x1x1x16xf32> to vector<16xf32>
        %swap3A_603 = vector.shape_cast %get3A_594 : vector<16xf32> to vector<1x1x1x16xf32>
        tpu.vector_store %arg8[%swap3A_597, %swap3A_598, %swap3A_599, %swap3A_600], %swap3A_603 {add = true, strides = array<i32>} : memref<4x1x200x64xf32, #tpu.memory_space<vmem>>, vector<1x1x1x16xf32>,
        %add3A_604 = arith.constant 1 : i32
        %add3A_605 = arith.addi %add3A_588, %add3A_604 : i32
        %get3A_606 = arith.index_cast %add3A_605 : i32 to index
        %get3A_607 = arith.constant 16 : index
        %get3A_608 = tpu.vector_load %arg6[%get3A_606, %get3A_607] {strides = array<i32>} : memref<256x64xf32, #tpu.memory_space<vmem>>, vector<1x16xf32>,
        %get3A_609 = vector.shape_cast %get3A_608 : vector<1x16xf32> to vector<16xf32>
        %swap3A_610 = arith.constant 0 : i32
        %swap3A_611 = arith.constant 0 : i32
        %swap3A_612 = arith.index_cast %swap3A_610 : i32 to index
        %swap3A_613 = arith.index_cast %swap3A_611 : i32 to index
        %swap3A_614 = arith.index_cast %add3A_588 : i32 to index
        %swap3A_615 = arith.constant 16 : index
        %swap3A_616 = tpu.vector_load %arg8[%swap3A_612, %swap3A_613, %swap3A_614, %swap3A_615] {strides = array<i32>} : memref<4x1x200x64xf32, #tpu.memory_space<vmem>>, vector<1x1x1x16xf32>,
        %swap3A_617 = vector.shape_cast %swap3A_616 : vector<1x1x1x16xf32> to vector<16xf32>
        %swap3A_618 = vector.shape_cast %get3A_609 : vector<16xf32> to vector<1x1x1x16xf32>
        tpu.vector_store %arg8[%swap3A_612, %swap3A_613, %swap3A_614, %swap3A_615], %swap3A_618 {add = true, strides = array<i32>} : memref<4x1x200x64xf32, #tpu.memory_space<vmem>>, vector<1x1x1x16xf32>,
        %add3A_619 = arith.constant 1 : i32
        %add3A_620 = arith.addi %add3A_588, %add3A_619 : i32
        %get3A_621 = arith.index_cast %add3A_620 : i32 to index
        %get3A_622 = arith.constant 32 : index
        %get3A_623 = tpu.vector_load %arg6[%get3A_621, %get3A_622] {strides = array<i32>} : memref<256x64xf32, #tpu.memory_space<vmem>>, vector<1x16xf32>,
        %get3A_624 = vector.shape_cast %get3A_623 : vector<1x16xf32> to vector<16xf32>
        %swap3A_625 = arith.constant 0 : i32
        %swap3A_626 = arith.constant 0 : i32
        %swap3A_627 = arith.index_cast %swap3A_625 : i32 to index
        %swap3A_628 = arith.index_cast %swap3A_626 : i32 to index
        %swap3A_629 = arith.index_cast %add3A_588 : i32 to index
        %swap3A_630 = arith.constant 32 : index
        %swap3A_631 = tpu.vector_load %arg8[%swap3A_627, %swap3A_628, %swap3A_629, %swap3A_630] {strides = array<i32>} : memref<4x1x200x64xf32, #tpu.memory_space<vmem>>, vector<1x1x1x16xf32>,
        %swap3A_632 = vector.shape_cast %swap3A_631 : vector<1x1x1x16xf32> to vector<16xf32>
        %swap3A_633 = vector.shape_cast %get3A_624 : vector<16xf32> to vector<1x1x1x16xf32>
        tpu.vector_store %arg8[%swap3A_627, %swap3A_628, %swap3A_629, %swap3A_630], %swap3A_633 {add = true, strides = array<i32>} : memref<4x1x200x64xf32, #tpu.memory_space<vmem>>, vector<1x1x1x16xf32>,
        %add3A_634 = arith.constant 1 : i32
        %add3A_635 = arith.addi %add3A_588, %add3A_634 : i32
        %get3A_636 = arith.index_cast %add3A_635 : i32 to index
        %get3A_637 = arith.constant 48 : index
        %get3A_638 = tpu.vector_load %arg6[%get3A_636, %get3A_637] {strides = array<i32>} : memref<256x64xf32, #tpu.memory_space<vmem>>, vector<1x16xf32>,
        %get3A_639 = vector.shape_cast %get3A_638 : vector<1x16xf32> to vector<16xf32>
        %swap3A_640 = arith.constant 0 : i32
        %swap3A_641 = arith.constant 0 : i32
        %swap3A_642 = arith.index_cast %swap3A_640 : i32 to index
        %swap3A_643 = arith.index_cast %swap3A_641 : i32 to index
        %swap3A_644 = arith.index_cast %add3A_588 : i32 to index
        %swap3A_645 = arith.constant 48 : index
        %swap3A_646 = tpu.vector_load %arg8[%swap3A_642, %swap3A_643, %swap3A_644, %swap3A_645] {strides = array<i32>} : memref<4x1x200x64xf32, #tpu.memory_space<vmem>>, vector<1x1x1x16xf32>,
        %swap3A_647 = vector.shape_cast %swap3A_646 : vector<1x1x1x16xf32> to vector<16xf32>
        %swap3A_648 = vector.shape_cast %get3A_639 : vector<16xf32> to vector<1x1x1x16xf32>
        tpu.vector_store %arg8[%swap3A_642, %swap3A_643, %swap3A_644, %swap3A_645], %swap3A_648 {add = true, strides = array<i32>} : memref<4x1x200x64xf32, #tpu.memory_space<vmem>>, vector<1x1x1x16xf32>,
        %add3A_649 = arith.constant 5 : i32
        %add3A_650 = arith.addi %mul3A_340, %add3A_649 : i32
        %add3A_651 = arith.constant 1 : i32
        %add3A_652 = arith.addi %add3A_650, %add3A_651 : i32
        %get3A_653 = arith.index_cast %add3A_652 : i32 to index
        %get3A_654 = arith.constant 0 : index
        %get3A_655 = tpu.vector_load %arg6[%get3A_653, %get3A_654] {strides = array<i32>} : memref<256x64xf32, #tpu.memory_space<vmem>>, vector<1x16xf32>,
        %get3A_656 = vector.shape_cast %get3A_655 : vector<1x16xf32> to vector<16xf32>
        %swap3A_657 = arith.constant 0 : i32
        %swap3A_658 = arith.constant 0 : i32
        %swap3A_659 = arith.index_cast %swap3A_657 : i32 to index
        %swap3A_660 = arith.index_cast %swap3A_658 : i32 to index
        %swap3A_661 = arith.index_cast %add3A_650 : i32 to index
        %swap3A_662 = arith.constant 0 : index
        %swap3A_663 = tpu.vector_load %arg8[%swap3A_659, %swap3A_660, %swap3A_661, %swap3A_662] {strides = array<i32>} : memref<4x1x200x64xf32, #tpu.memory_space<vmem>>, vector<1x1x1x16xf32>,
        %swap3A_664 = vector.shape_cast %swap3A_663 : vector<1x1x1x16xf32> to vector<16xf32>
        %swap3A_665 = vector.shape_cast %get3A_656 : vector<16xf32> to vector<1x1x1x16xf32>
        tpu.vector_store %arg8[%swap3A_659, %swap3A_660, %swap3A_661, %swap3A_662], %swap3A_665 {add = true, strides = array<i32>} : memref<4x1x200x64xf32, #tpu.memory_space<vmem>>, vector<1x1x1x16xf32>,
        %add3A_666 = arith.constant 1 : i32
        %add3A_667 = arith.addi %add3A_650, %add3A_666 : i32
        %get3A_668 = arith.index_cast %add3A_667 : i32 to index
        %get3A_669 = arith.constant 16 : index
        %get3A_670 = tpu.vector_load %arg6[%get3A_668, %get3A_669] {strides = array<i32>} : memref<256x64xf32, #tpu.memory_space<vmem>>, vector<1x16xf32>,
        %get3A_671 = vector.shape_cast %get3A_670 : vector<1x16xf32> to vector<16xf32>
        %swap3A_672 = arith.constant 0 : i32
        %swap3A_673 = arith.constant 0 : i32
        %swap3A_674 = arith.index_cast %swap3A_672 : i32 to index
        %swap3A_675 = arith.index_cast %swap3A_673 : i32 to index
        %swap3A_676 = arith.index_cast %add3A_650 : i32 to index
        %swap3A_677 = arith.constant 16 : index
        %swap3A_678 = tpu.vector_load %arg8[%swap3A_674, %swap3A_675, %swap3A_676, %swap3A_677] {strides = array<i32>} : memref<4x1x200x64xf32, #tpu.memory_space<vmem>>, vector<1x1x1x16xf32>,
        %swap3A_679 = vector.shape_cast %swap3A_678 : vector<1x1x1x16xf32> to vector<16xf32>
        %swap3A_680 = vector.shape_cast %get3A_671 : vector<16xf32> to vector<1x1x1x16xf32>
        tpu.vector_store %arg8[%swap3A_674, %swap3A_675, %swap3A_676, %swap3A_677], %swap3A_680 {add = true, strides = array<i32>} : memref<4x1x200x64xf32, #tpu.memory_space<vmem>>, vector<1x1x1x16xf32>,
        %add3A_681 = arith.constant 1 : i32
        %add3A_682 = arith.addi %add3A_650, %add3A_681 : i32
        %get3A_683 = arith.index_cast %add3A_682 : i32 to index
        %get3A_684 = arith.constant 32 : index
        %get3A_685 = tpu.vector_load %arg6[%get3A_683, %get3A_684] {strides = array<i32>} : memref<256x64xf32, #tpu.memory_space<vmem>>, vector<1x16xf32>,
        %get3A_686 = vector.shape_cast %get3A_685 : vector<1x16xf32> to vector<16xf32>
        %swap3A_687 = arith.constant 0 : i32
        %swap3A_688 = arith.constant 0 : i32
        %swap3A_689 = arith.index_cast %swap3A_687 : i32 to index
        %swap3A_690 = arith.index_cast %swap3A_688 : i32 to index
        %swap3A_691 = arith.index_cast %add3A_650 : i32 to index
        %swap3A_692 = arith.constant 32 : index
        %swap3A_693 = tpu.vector_load %arg8[%swap3A_689, %swap3A_690, %swap3A_691, %swap3A_692] {strides = array<i32>} : memref<4x1x200x64xf32, #tpu.memory_space<vmem>>, vector<1x1x1x16xf32>,
        %swap3A_694 = vector.shape_cast %swap3A_693 : vector<1x1x1x16xf32> to vector<16xf32>
        %swap3A_695 = vector.shape_cast %get3A_686 : vector<16xf32> to vector<1x1x1x16xf32>
        tpu.vector_store %arg8[%swap3A_689, %swap3A_690, %swap3A_691, %swap3A_692], %swap3A_695 {add = true, strides = array<i32>} : memref<4x1x200x64xf32, #tpu.memory_space<vmem>>, vector<1x1x1x16xf32>,
        %add3A_696 = arith.constant 1 : i32
        %add3A_697 = arith.addi %add3A_650, %add3A_696 : i32
        %get3A_698 = arith.index_cast %add3A_697 : i32 to index
        %get3A_699 = arith.constant 48 : index
        %get3A_700 = tpu.vector_load %arg6[%get3A_698, %get3A_699] {strides = array<i32>} : memref<256x64xf32, #tpu.memory_space<vmem>>, vector<1x16xf32>,
        %get3A_701 = vector.shape_cast %get3A_700 : vector<1x16xf32> to vector<16xf32>
        %swap3A_702 = arith.constant 0 : i32
        %swap3A_703 = arith.constant 0 : i32
        %swap3A_704 = arith.index_cast %swap3A_702 : i32 to index
        %swap3A_705 = arith.index_cast %swap3A_703 : i32 to index
        %swap3A_706 = arith.index_cast %add3A_650 : i32 to index
        %swap3A_707 = arith.constant 48 : index
        %swap3A_708 = tpu.vector_load %arg8[%swap3A_704, %swap3A_705, %swap3A_706, %swap3A_707] {strides = array<i32>} : memref<4x1x200x64xf32, #tpu.memory_space<vmem>>, vector<1x1x1x16xf32>,
        %swap3A_709 = vector.shape_cast %swap3A_708 : vector<1x1x1x16xf32> to vector<16xf32>
        %swap3A_710 = vector.shape_cast %get3A_701 : vector<16xf32> to vector<1x1x1x16xf32>
        tpu.vector_store %arg8[%swap3A_704, %swap3A_705, %swap3A_706, %swap3A_707], %swap3A_710 {add = true, strides = array<i32>} : memref<4x1x200x64xf32, #tpu.memory_space<vmem>>, vector<1x1x1x16xf32>,
        %add3A_711 = arith.constant 6 : i32
        %add3A_712 = arith.addi %mul3A_340, %add3A_711 : i32
        %add3A_713 = arith.constant 1 : i32
        %add3A_714 = arith.addi %add3A_712, %add3A_713 : i32
        %get3A_715 = arith.index_cast %add3A_714 : i32 to index
        %get3A_716 = arith.constant 0 : index
        %get3A_717 = tpu.vector_load %arg6[%get3A_715, %get3A_716] {strides = array<i32>} : memref<256x64xf32, #tpu.memory_space<vmem>>, vector<1x16xf32>,
        %get3A_718 = vector.shape_cast %get3A_717 : vector<1x16xf32> to vector<16xf32>
        %swap3A_719 = arith.constant 0 : i32
        %swap3A_720 = arith.constant 0 : i32
        %swap3A_721 = arith.index_cast %swap3A_719 : i32 to index
        %swap3A_722 = arith.index_cast %swap3A_720 : i32 to index
        %swap3A_723 = arith.index_cast %add3A_712 : i32 to index
        %swap3A_724 = arith.constant 0 : index
        %swap3A_725 = tpu.vector_load %arg8[%swap3A_721, %swap3A_722, %swap3A_723, %swap3A_724] {strides = array<i32>} : memref<4x1x200x64xf32, #tpu.memory_space<vmem>>, vector<1x1x1x16xf32>,
        %swap3A_726 = vector.shape_cast %swap3A_725 : vector<1x1x1x16xf32> to vector<16xf32>
        %swap3A_727 = vector.shape_cast %get3A_718 : vector<16xf32> to vector<1x1x1x16xf32>
        tpu.vector_store %arg8[%swap3A_721, %swap3A_722, %swap3A_723, %swap3A_724], %swap3A_727 {add = true, strides = array<i32>} : memref<4x1x200x64xf32, #tpu.memory_space<vmem>>, vector<1x1x1x16xf32>,
        %add3A_728 = arith.constant 1 : i32
        %add3A_729 = arith.addi %add3A_712, %add3A_728 : i32
        %get3A_730 = arith.index_cast %add3A_729 : i32 to index
        %get3A_731 = arith.constant 16 : index
        %get3A_732 = tpu.vector_load %arg6[%get3A_730, %get3A_731] {strides = array<i32>} : memref<256x64xf32, #tpu.memory_space<vmem>>, vector<1x16xf32>,
        %get3A_733 = vector.shape_cast %get3A_732 : vector<1x16xf32> to vector<16xf32>
        %swap3A_734 = arith.constant 0 : i32
        %swap3A_735 = arith.constant 0 : i32
        %swap3A_736 = arith.index_cast %swap3A_734 : i32 to index
        %swap3A_737 = arith.index_cast %swap3A_735 : i32 to index
        %swap3A_738 = arith.index_cast %add3A_712 : i32 to index
        %swap3A_739 = arith.constant 16 : index
        %swap3A_740 = tpu.vector_load %arg8[%swap3A_736, %swap3A_737, %swap3A_738, %swap3A_739] {strides = array<i32>} : memref<4x1x200x64xf32, #tpu.memory_space<vmem>>, vector<1x1x1x16xf32>,
        %swap3A_741 = vector.shape_cast %swap3A_740 : vector<1x1x1x16xf32> to vector<16xf32>
        %swap3A_742 = vector.shape_cast %get3A_733 : vector<16xf32> to vector<1x1x1x16xf32>
        tpu.vector_store %arg8[%swap3A_736, %swap3A_737, %swap3A_738, %swap3A_739], %swap3A_742 {add = true, strides = array<i32>} : memref<4x1x200x64xf32, #tpu.memory_space<vmem>>, vector<1x1x1x16xf32>,
        %add3A_743 = arith.constant 1 : i32
        %add3A_744 = arith.addi %add3A_712, %add3A_743 : i32
        %get3A_745 = arith.index_cast %add3A_744 : i32 to index
        %get3A_746 = arith.constant 32 : index
        %get3A_747 = tpu.vector_load %arg6[%get3A_745, %get3A_746] {strides = array<i32>} : memref<256x64xf32, #tpu.memory_space<vmem>>, vector<1x16xf32>,
        %get3A_748 = vector.shape_cast %get3A_747 : vector<1x16xf32> to vector<16xf32>
        %swap3A_749 = arith.constant 0 : i32
        %swap3A_750 = arith.constant 0 : i32
        %swap3A_751 = arith.index_cast %swap3A_749 : i32 to index
        %swap3A_752 = arith.index_cast %swap3A_750 : i32 to index
        %swap3A_753 = arith.index_cast %add3A_712 : i32 to index
        %swap3A_754 = arith.constant 32 : index
        %swap3A_755 = tpu.vector_load %arg8[%swap3A_751, %swap3A_752, %swap3A_753, %swap3A_754] {strides = array<i32>} : memref<4x1x200x64xf32, #tpu.memory_space<vmem>>, vector<1x1x1x16xf32>,
        %swap3A_756 = vector.shape_cast %swap3A_755 : vector<1x1x1x16xf32> to vector<16xf32>
        %swap3A_757 = vector.shape_cast %get3A_748 : vector<16xf32> to vector<1x1x1x16xf32>
        tpu.vector_store %arg8[%swap3A_751, %swap3A_752, %swap3A_753, %swap3A_754], %swap3A_757 {add = true, strides = array<i32>} : memref<4x1x200x64xf32, #tpu.memory_space<vmem>>, vector<1x1x1x16xf32>,
        %add3A_758 = arith.constant 1 : i32
        %add3A_759 = arith.addi %add3A_712, %add3A_758 : i32
        %get3A_760 = arith.index_cast %add3A_759 : i32 to index
        %get3A_761 = arith.constant 48 : index
        %get3A_762 = tpu.vector_load %arg6[%get3A_760, %get3A_761] {strides = array<i32>} : memref<256x64xf32, #tpu.memory_space<vmem>>, vector<1x16xf32>,
        %get3A_763 = vector.shape_cast %get3A_762 : vector<1x16xf32> to vector<16xf32>
        %swap3A_764 = arith.constant 0 : i32
        %swap3A_765 = arith.constant 0 : i32
        %swap3A_766 = arith.index_cast %swap3A_764 : i32 to index
        %swap3A_767 = arith.index_cast %swap3A_765 : i32 to index
        %swap3A_768 = arith.index_cast %add3A_712 : i32 to index
        %swap3A_769 = arith.constant 48 : index
        %swap3A_770 = tpu.vector_load %arg8[%swap3A_766, %swap3A_767, %swap3A_768, %swap3A_769] {strides = array<i32>} : memref<4x1x200x64xf32, #tpu.memory_space<vmem>>, vector<1x1x1x16xf32>,
        %swap3A_771 = vector.shape_cast %swap3A_770 : vector<1x1x1x16xf32> to vector<16xf32>
        %swap3A_772 = vector.shape_cast %get3A_763 : vector<16xf32> to vector<1x1x1x16xf32>
        tpu.vector_store %arg8[%swap3A_766, %swap3A_767, %swap3A_768, %swap3A_769], %swap3A_772 {add = true, strides = array<i32>} : memref<4x1x200x64xf32, #tpu.memory_space<vmem>>, vector<1x1x1x16xf32>,
        %add3A_773 = arith.constant 7 : i32
        %add3A_774 = arith.addi %mul3A_340, %add3A_773 : i32
        %add3A_775 = arith.constant 1 : i32
        %add3A_776 = arith.addi %add3A_774, %add3A_775 : i32
        %get3A_777 = arith.index_cast %add3A_776 : i32 to index
        %get3A_778 = arith.constant 0 : index
        %get3A_779 = tpu.vector_load %arg6[%get3A_777, %get3A_778] {strides = array<i32>} : memref<256x64xf32, #tpu.memory_space<vmem>>, vector<1x16xf32>,
        %get3A_780 = vector.shape_cast %get3A_779 : vector<1x16xf32> to vector<16xf32>
        %swap3A_781 = arith.constant 0 : i32
        %swap3A_782 = arith.constant 0 : i32
        %swap3A_783 = arith.index_cast %swap3A_781 : i32 to index
        %swap3A_784 = arith.index_cast %swap3A_782 : i32 to index
        %swap3A_785 = arith.index_cast %add3A_774 : i32 to index
        %swap3A_786 = arith.constant 0 : index
        %swap3A_787 = tpu.vector_load %arg8[%swap3A_783, %swap3A_784, %swap3A_785, %swap3A_786] {strides = array<i32>} : memref<4x1x200x64xf32, #tpu.memory_space<vmem>>, vector<1x1x1x16xf32>,
        %swap3A_788 = vector.shape_cast %swap3A_787 : vector<1x1x1x16xf32> to vector<16xf32>
        %swap3A_789 = vector.shape_cast %get3A_780 : vector<16xf32> to vector<1x1x1x16xf32>
        tpu.vector_store %arg8[%swap3A_783, %swap3A_784, %swap3A_785, %swap3A_786], %swap3A_789 {add = true, strides = array<i32>} : memref<4x1x200x64xf32, #tpu.memory_space<vmem>>, vector<1x1x1x16xf32>,
        %add3A_790 = arith.constant 1 : i32
        %add3A_791 = arith.addi %add3A_774, %add3A_790 : i32
        %get3A_792 = arith.index_cast %add3A_791 : i32 to index
        %get3A_793 = arith.constant 16 : index
        %get3A_794 = tpu.vector_load %arg6[%get3A_792, %get3A_793] {strides = array<i32>} : memref<256x64xf32, #tpu.memory_space<vmem>>, vector<1x16xf32>,
        %get3A_795 = vector.shape_cast %get3A_794 : vector<1x16xf32> to vector<16xf32>
        %swap3A_796 = arith.constant 0 : i32
        %swap3A_797 = arith.constant 0 : i32
        %swap3A_798 = arith.index_cast %swap3A_796 : i32 to index
        %swap3A_799 = arith.index_cast %swap3A_797 : i32 to index
        %swap3A_800 = arith.index_cast %add3A_774 : i32 to index
        %swap3A_801 = arith.constant 16 : index
        %swap3A_802 = tpu.vector_load %arg8[%swap3A_798, %swap3A_799, %swap3A_800, %swap3A_801] {strides = array<i32>} : memref<4x1x200x64xf32, #tpu.memory_space<vmem>>, vector<1x1x1x16xf32>,
        %swap3A_803 = vector.shape_cast %swap3A_802 : vector<1x1x1x16xf32> to vector<16xf32>
        %swap3A_804 = vector.shape_cast %get3A_795 : vector<16xf32> to vector<1x1x1x16xf32>
        tpu.vector_store %arg8[%swap3A_798, %swap3A_799, %swap3A_800, %swap3A_801], %swap3A_804 {add = true, strides = array<i32>} : memref<4x1x200x64xf32, #tpu.memory_space<vmem>>, vector<1x1x1x16xf32>,
        %add3A_805 = arith.constant 1 : i32
        %add3A_806 = arith.addi %add3A_774, %add3A_805 : i32
        %get3A_807 = arith.index_cast %add3A_806 : i32 to index
        %get3A_808 = arith.constant 32 : index
        %get3A_809 = tpu.vector_load %arg6[%get3A_807, %get3A_808] {strides = array<i32>} : memref<256x64xf32, #tpu.memory_space<vmem>>, vector<1x16xf32>,
        %get3A_810 = vector.shape_cast %get3A_809 : vector<1x16xf32> to vector<16xf32>
        %swap3A_811 = arith.constant 0 : i32
        %swap3A_812 = arith.constant 0 : i32
        %swap3A_813 = arith.index_cast %swap3A_811 : i32 to index
        %swap3A_814 = arith.index_cast %swap3A_812 : i32 to index
        %swap3A_815 = arith.index_cast %add3A_774 : i32 to index
        %swap3A_816 = arith.constant 32 : index
        %swap3A_817 = tpu.vector_load %arg8[%swap3A_813, %swap3A_814, %swap3A_815, %swap3A_816] {strides = array<i32>} : memref<4x1x200x64xf32, #tpu.memory_space<vmem>>, vector<1x1x1x16xf32>,
        %swap3A_818 = vector.shape_cast %swap3A_817 : vector<1x1x1x16xf32> to vector<16xf32>
        %swap3A_819 = vector.shape_cast %get3A_810 : vector<16xf32> to vector<1x1x1x16xf32>
        tpu.vector_store %arg8[%swap3A_813, %swap3A_814, %swap3A_815, %swap3A_816], %swap3A_819 {add = true, strides = array<i32>} : memref<4x1x200x64xf32, #tpu.memory_space<vmem>>, vector<1x1x1x16xf32>,
        %add3A_820 = arith.constant 1 : i32
        %add3A_821 = arith.addi %add3A_774, %add3A_820 : i32
        %get3A_822 = arith.index_cast %add3A_821 : i32 to index
        %get3A_823 = arith.constant 48 : index
        %get3A_824 = tpu.vector_load %arg6[%get3A_822, %get3A_823] {strides = array<i32>} : memref<256x64xf32, #tpu.memory_space<vmem>>, vector<1x16xf32>,
        %get3A_825 = vector.shape_cast %get3A_824 : vector<1x16xf32> to vector<16xf32>
        %swap3A_826 = arith.constant 0 : i32
        %swap3A_827 = arith.constant 0 : i32
        %swap3A_828 = arith.index_cast %swap3A_826 : i32 to index
        %swap3A_829 = arith.index_cast %swap3A_827 : i32 to index
        %swap3A_830 = arith.index_cast %add3A_774 : i32 to index
        %swap3A_831 = arith.constant 48 : index
        %swap3A_832 = tpu.vector_load %arg8[%swap3A_828, %swap3A_829, %swap3A_830, %swap3A_831] {strides = array<i32>} : memref<4x1x200x64xf32, #tpu.memory_space<vmem>>, vector<1x1x1x16xf32>,
        %swap3A_833 = vector.shape_cast %swap3A_832 : vector<1x1x1x16xf32> to vector<16xf32>
        %swap3A_834 = vector.shape_cast %get3A_825 : vector<16xf32> to vector<1x1x1x16xf32>
        tpu.vector_store %arg8[%swap3A_828, %swap3A_829, %swap3A_830, %swap3A_831], %swap3A_834 {add = true, strides = array<i32>} : memref<4x1x200x64xf32, #tpu.memory_space<vmem>>, vector<1x1x1x16xf32>,
      }
      %scan3A_152 = arith.constant 25 : i32
      %mul3A_153 = arith.constant 1 : i32
      %mul3A_154 = arith.muli %add3A_125, %mul3A_153 : i32
      %add3A_155 = arith.addi %mul3A_2, %mul3A_154 : i32
      %dma_start3A_156 = arith.constant 0 : i32
      %dma_start3A_157 = arith.constant 0 : i32
      %dma_start3A_158 = arith.constant 0 : i32
      %dma_start3A_159 = arith.constant 0 : i32
      %dma_start3A_160 = tpu.memref_slice %arg8[%dma_start3A_156, %dma_start3A_157, %dma_start3A_158, %dma_start3A_159] : memref<4x1x200x64xf32, #tpu.memory_space<vmem>> -> memref<1x1x200x64xf32, #tpu.memory_space<vmem>>
      %dma_start3A_161 = tpu.memref_squeeze %dma_start3A_160 : memref<1x1x200x64xf32, #tpu.memory_space<vmem>> -> memref<1x200x64xf32, #tpu.memory_space<vmem>>
      %dma_start3A_162 = arith.constant 0 : i32
      %dma_start3A_163 = arith.constant 0 : i32
      %dma_start3A_164 = tpu.memref_slice %arg5[%add3A_155, %dma_start3A_162, %dma_start3A_163] : memref<4096x200x64xf32, #tpu.memory_space<hbm>> -> memref<1x200x64xf32, #tpu.memory_space<hbm>>
      %dma_start3A_165 = arith.constant 0 : i32
      %dma_start3A_166 = arith.constant 0 : i32
      %dma_start3A_167 = tpu.memref_slice %arg5[%add3A_155, %dma_start3A_165, %dma_start3A_166] : memref<4096x200x64xf32, #tpu.memory_space<hbm>> -> memref<1x200x64xf32, #tpu.memory_space<hbm>>
      %dma_start3A_168 = arith.constant 0 : i32
      %dma_start3A_169 = arith.constant 0 : i32
      %dma_start3A_170 = arith.constant 0 : i32
      %dma_start3A_171 = tpu.memref_slice %arg8[%dma_start3A_156, %dma_start3A_168, %dma_start3A_169, %dma_start3A_170] : memref<4x1x200x64xf32, #tpu.memory_space<vmem>> -> memref<1x1x200x64xf32, #tpu.memory_space<vmem>>
      %dma_start3A_172 = tpu.memref_squeeze %dma_start3A_171 : memref<1x1x200x64xf32, #tpu.memory_space<vmem>> -> memref<1x200x64xf32, #tpu.memory_space<vmem>>
      tpu.enqueue_dma source(%dma_start3A_172 : memref<1x200x64xf32, #tpu.memory_space<vmem>>) target(%dma_start3A_167 : memref<1x200x64xf32, #tpu.memory_space<hbm>>) target_semaphore(%arg13 : memref<!tpu.dma_semaphore, #tpu.memory_space<semaphore_mem>>)
      %mul3A_173 = arith.constant 4 : i32
      %mul3A_174 = arith.muli %mul3A_173, %scan3A_121 : i32
      %add3A_175 = arith.constant 1 : i32
      %add3A_176 = arith.addi %mul3A_174, %add3A_175 : i32
      %add3A_177 = arith.constant 4 : i32
      %add3A_178 = arith.addi %add3A_176, %add3A_177 : i32
      %sub3A_179 = arith.constant 1 : i32
      %sub3A_180 = arith.subi %add3A_178, %sub3A_179 : i32
      %lt3A_181 = arith.constant 128 : i32
      %lt3A_182 = arith.cmpi slt, %sub3A_180, %lt3A_181 : i32
      %convert_element_type3A_183 = arith.extui %lt3A_182 : i1 to i32
      %cond3A_184 = arith.constant 0 : i32
      %cond3A_185 = arith.cmpi ne, %convert_element_type3A_183, %cond3A_184 : i32
      scf.if %cond3A_185 {
        %ge3A = arith.constant 1 : i32
        %ge3A_338 = arith.cmpi sge, %add3A_176, %ge3A : i32
        %convert_element_type3A_339 = arith.extui %ge3A_338 : i1 to i32
        %cond3A_340 = arith.constant 0 : i32
        %cond3A_341 = arith.cmpi ne, %convert_element_type3A_339, %cond3A_340 : i32
        scf.if %cond3A_341 {
          %sub3A_362 = arith.constant 1 : i32
          %sub3A_363 = arith.subi %add3A_176, %sub3A_362 : i32
          %mul3A_364 = arith.constant 1 : i32
          %mul3A_365 = arith.muli %sub3A_363, %mul3A_364 : i32
          %add3A_366 = arith.addi %mul3A_2, %mul3A_365 : i32
          %dma_wait3A_367 = arith.constant 0 : i32
          %dma_wait3A_368 = arith.constant 0 : i32
          %dma_wait3A_369 = arith.constant 0 : i32
          %dma_wait3A_370 = arith.constant 0 : i32
          %dma_wait3A_371 = tpu.memref_slice %arg8[%dma_wait3A_367, %dma_wait3A_368, %dma_wait3A_369, %dma_wait3A_370] : memref<4x1x200x64xf32, #tpu.memory_space<vmem>> -> memref<1x1x200x64xf32, #tpu.memory_space<vmem>>
          %dma_wait3A_372 = tpu.memref_squeeze %dma_wait3A_371 : memref<1x1x200x64xf32, #tpu.memory_space<vmem>> -> memref<1x200x64xf32, #tpu.memory_space<vmem>>
          %dma_wait3A_373 = arith.constant 0 : i32
          %dma_wait3A_374 = arith.constant 0 : i32
          %dma_wait3A_375 = tpu.memref_slice %arg5[%add3A_366, %dma_wait3A_373, %dma_wait3A_374] : memref<4096x200x64xf32, #tpu.memory_space<hbm>> -> memref<1x200x64xf32, #tpu.memory_space<hbm>>
          %dma_wait3A_376 = arith.constant 0 : i32
          %dma_wait3A_377 = arith.constant 0 : i32
          %dma_wait3A_378 = tpu.memref_slice %arg5[%add3A_366, %dma_wait3A_376, %dma_wait3A_377] : memref<4096x200x64xf32, #tpu.memory_space<hbm>> -> memref<1x200x64xf32, #tpu.memory_space<hbm>>
          %dma_wait3A_379 = arith.constant 0 : i32
          %dma_wait3A_380 = arith.constant 0 : i32
          %dma_wait3A_381 = arith.constant 0 : i32
          %dma_wait3A_382 = tpu.memref_slice %arg8[%dma_wait3A_367, %dma_wait3A_379, %dma_wait3A_380, %dma_wait3A_381] : memref<4x1x200x64xf32, #tpu.memory_space<vmem>> -> memref<1x1x200x64xf32, #tpu.memory_space<vmem>>
          %dma_wait3A_383 = tpu.memref_squeeze %dma_wait3A_382 : memref<1x1x200x64xf32, #tpu.memory_space<vmem>> -> memref<1x200x64xf32, #tpu.memory_space<vmem>>
          tpu.wait_dma2 semaphore(%arg13 : memref<!tpu.dma_semaphore, #tpu.memory_space<semaphore_mem>>) src(%dma_wait3A_383 : memref<1x200x64xf32, #tpu.memory_space<vmem>>) dst(%dma_wait3A_378 : memref<1x200x64xf32, #tpu.memory_space<hbm>>)
        } else {
        }
        %add3A_342 = arith.constant 4 : i32
        %add3A_343 = arith.addi %add3A_176, %add3A_342 : i32
        %sub3A_344 = arith.constant 1 : i32
        %sub3A_345 = arith.subi %add3A_343, %sub3A_344 : i32
        %mul3A_346 = arith.constant 1 : i32
        %mul3A_347 = arith.muli %sub3A_345, %mul3A_346 : i32
        %add3A_348 = arith.constant 0 : i32
        %add3A_349 = arith.addi %mul3A_347, %add3A_348 : i32
        %dma_start3A_350 = arith.constant 0 : i32
        %dma_start3A_351 = arith.constant 0 : i32
        %dma_start3A_352 = arith.constant 0 : i32
        %dma_start3A_353 = arith.constant 0 : i32
        %dma_start3A_354 = tpu.memref_slice %arg8[%dma_start3A_350, %dma_start3A_351, %dma_start3A_352, %dma_start3A_353] : memref<4x1x200x64xf32, #tpu.memory_space<vmem>> -> memref<1x1x200x64xf32, #tpu.memory_space<vmem>>
        %dma_start3A_355 = tpu.memref_squeeze %dma_start3A_354 : memref<1x1x200x64xf32, #tpu.memory_space<vmem>> -> memref<200x64xf32, #tpu.memory_space<vmem>>
        %dma_start3A_356 = arith.constant 0 : i32
        %dma_start3A_357 = tpu.memref_slice %arg7[%add3A_349, %dma_start3A_356] : memref<128x200xi32, #tpu.memory_space<vmem>> -> memref<1x200xi32, #tpu.memory_space<vmem>>
        %dma_start3A_358 = tpu.memref_squeeze %dma_start3A_357 : memref<1x200xi32, #tpu.memory_space<vmem>> -> memref<200xi32, #tpu.memory_space<vmem>>
        %dma_start3A_359 = arith.constant 0 : i32
        %dma_start3A_360 = arith.constant 0 : i32
        %dma_start3A_361 = tpu.memref_slice %arg3[%dma_start3A_359, %dma_start3A_360] : memref<1000000x64xf32, #tpu.memory_space<hbm>> -> memref<1000000x64xf32, #tpu.memory_space<hbm>>
        tpu.enqueue_indirect_dma source(%dma_start3A_361 : memref<1000000x64xf32, #tpu.memory_space<hbm>>) target(%dma_start3A_355 : memref<200x64xf32, #tpu.memory_space<vmem>>) offsets(%dma_start3A_358 : memref<200xi32, #tpu.memory_space<vmem>>) semaphore(%arg9 : memref<!tpu.dma_semaphore, #tpu.memory_space<semaphore_mem>>)
      } else {
      }
      %mul3A_186 = arith.constant 1 : i32
      %mul3A_187 = arith.muli %add3A_176, %mul3A_186 : i32
      %add3A_188 = arith.constant 0 : i32
      %add3A_189 = arith.addi %mul3A_187, %add3A_188 : i32
      %dma_wait3A_190 = arith.constant 1 : i32
      %dma_wait3A_191 = arith.constant 0 : i32
      %dma_wait3A_192 = arith.constant 0 : i32
      %dma_wait3A_193 = arith.constant 0 : i32
      %dma_wait3A_194 = tpu.memref_slice %arg8[%dma_wait3A_190, %dma_wait3A_191, %dma_wait3A_192, %dma_wait3A_193] : memref<4x1x200x64xf32, #tpu.memory_space<vmem>> -> memref<1x1x200x64xf32, #tpu.memory_space<vmem>>
      %dma_wait3A_195 = tpu.memref_squeeze %dma_wait3A_194 : memref<1x1x200x64xf32, #tpu.memory_space<vmem>> -> memref<200x64xf32, #tpu.memory_space<vmem>>
      %dma_wait3A_196 = arith.constant 0 : i32
      %dma_wait3A_197 = tpu.memref_slice %arg7[%add3A_189, %dma_wait3A_196] : memref<128x200xi32, #tpu.memory_space<vmem>> -> memref<1x200xi32, #tpu.memory_space<vmem>>
      %dma_wait3A_198 = tpu.memref_squeeze %dma_wait3A_197 : memref<1x200xi32, #tpu.memory_space<vmem>> -> memref<200xi32, #tpu.memory_space<vmem>>
      %dma_wait3A_199 = arith.constant 0 : i32
      %dma_wait3A_200 = arith.constant 0 : i32
      %dma_wait3A_201 = tpu.memref_slice %arg3[%dma_wait3A_199, %dma_wait3A_200] : memref<1000000x64xf32, #tpu.memory_space<hbm>> -> memref<1000000x64xf32, #tpu.memory_space<hbm>>
      tpu.wait_indirect_dma semaphore(%arg10 : memref<!tpu.dma_semaphore, #tpu.memory_space<semaphore_mem>>) src(%dma_wait3A_201 : memref<1000000x64xf32, #tpu.memory_space<hbm>>) dst(%dma_wait3A_195 : memref<200x64xf32, #tpu.memory_space<vmem>>)
      %scan3A_202 = arith.constant 0 : i32
      %scan3A_203 = arith.constant 0 : i32
      %scan3A_204 = arith.constant 25 : i32
      %scan3A_205 = arith.addi %scan3A_203, %scan3A_204 : i32
      %scan3A_206 = arith.constant 1 : i32
      scf.for %scan3A_338 = %scan3A_203 to %scan3A_205 step %scan3A_206  : i32 {
        %mul3A_339 = arith.constant 8 : i32
        %mul3A_340 = arith.muli %scan3A_338, %mul3A_339 : i32
        %add3A_341 = arith.constant 0 : i32
        %add3A_342 = arith.addi %mul3A_340, %add3A_341 : i32
        %add3A_343 = arith.constant 1 : i32
        %add3A_344 = arith.addi %add3A_342, %add3A_343 : i32
        %get3A = arith.index_cast %add3A_344 : i32 to index
        %get3A_345 = arith.constant 0 : index
        %get3A_346 = tpu.vector_load %arg6[%get3A, %get3A_345] {strides = array<i32>} : memref<256x64xf32, #tpu.memory_space<vmem>>, vector<1x16xf32>,
        %get3A_347 = vector.shape_cast %get3A_346 : vector<1x16xf32> to vector<16xf32>
        %swap3A = arith.constant 1 : i32
        %swap3A_348 = arith.constant 0 : i32
        %swap3A_349 = arith.index_cast %swap3A : i32 to index
        %swap3A_350 = arith.index_cast %swap3A_348 : i32 to index
        %swap3A_351 = arith.index_cast %add3A_342 : i32 to index
        %swap3A_352 = arith.constant 0 : index
        %swap3A_353 = tpu.vector_load %arg8[%swap3A_349, %swap3A_350, %swap3A_351, %swap3A_352] {strides = array<i32>} : memref<4x1x200x64xf32, #tpu.memory_space<vmem>>, vector<1x1x1x16xf32>,
        %swap3A_354 = vector.shape_cast %swap3A_353 : vector<1x1x1x16xf32> to vector<16xf32>
        %swap3A_355 = vector.shape_cast %get3A_347 : vector<16xf32> to vector<1x1x1x16xf32>
        tpu.vector_store %arg8[%swap3A_349, %swap3A_350, %swap3A_351, %swap3A_352], %swap3A_355 {add = true, strides = array<i32>} : memref<4x1x200x64xf32, #tpu.memory_space<vmem>>, vector<1x1x1x16xf32>,
        %add3A_356 = arith.constant 1 : i32
        %add3A_357 = arith.addi %add3A_342, %add3A_356 : i32
        %get3A_358 = arith.index_cast %add3A_357 : i32 to index
        %get3A_359 = arith.constant 16 : index
        %get3A_360 = tpu.vector_load %arg6[%get3A_358, %get3A_359] {strides = array<i32>} : memref<256x64xf32, #tpu.memory_space<vmem>>, vector<1x16xf32>,
        %get3A_361 = vector.shape_cast %get3A_360 : vector<1x16xf32> to vector<16xf32>
        %swap3A_362 = arith.constant 1 : i32
        %swap3A_363 = arith.constant 0 : i32
        %swap3A_364 = arith.index_cast %swap3A_362 : i32 to index
        %swap3A_365 = arith.index_cast %swap3A_363 : i32 to index
        %swap3A_366 = arith.index_cast %add3A_342 : i32 to index
        %swap3A_367 = arith.constant 16 : index
        %swap3A_368 = tpu.vector_load %arg8[%swap3A_364, %swap3A_365, %swap3A_366, %swap3A_367] {strides = array<i32>} : memref<4x1x200x64xf32, #tpu.memory_space<vmem>>, vector<1x1x1x16xf32>,
        %swap3A_369 = vector.shape_cast %swap3A_368 : vector<1x1x1x16xf32> to vector<16xf32>
        %swap3A_370 = vector.shape_cast %get3A_361 : vector<16xf32> to vector<1x1x1x16xf32>
        tpu.vector_store %arg8[%swap3A_364, %swap3A_365, %swap3A_366, %swap3A_367], %swap3A_370 {add = true, strides = array<i32>} : memref<4x1x200x64xf32, #tpu.memory_space<vmem>>, vector<1x1x1x16xf32>,
        %add3A_371 = arith.constant 1 : i32
        %add3A_372 = arith.addi %add3A_342, %add3A_371 : i32
        %get3A_373 = arith.index_cast %add3A_372 : i32 to index
        %get3A_374 = arith.constant 32 : index
        %get3A_375 = tpu.vector_load %arg6[%get3A_373, %get3A_374] {strides = array<i32>} : memref<256x64xf32, #tpu.memory_space<vmem>>, vector<1x16xf32>,
        %get3A_376 = vector.shape_cast %get3A_375 : vector<1x16xf32> to vector<16xf32>
        %swap3A_377 = arith.constant 1 : i32
        %swap3A_378 = arith.constant 0 : i32
        %swap3A_379 = arith.index_cast %swap3A_377 : i32 to index
        %swap3A_380 = arith.index_cast %swap3A_378 : i32 to index
        %swap3A_381 = arith.index_cast %add3A_342 : i32 to index
        %swap3A_382 = arith.constant 32 : index
        %swap3A_383 = tpu.vector_load %arg8[%swap3A_379, %swap3A_380, %swap3A_381, %swap3A_382] {strides = array<i32>} : memref<4x1x200x64xf32, #tpu.memory_space<vmem>>, vector<1x1x1x16xf32>,
        %swap3A_384 = vector.shape_cast %swap3A_383 : vector<1x1x1x16xf32> to vector<16xf32>
        %swap3A_385 = vector.shape_cast %get3A_376 : vector<16xf32> to vector<1x1x1x16xf32>
        tpu.vector_store %arg8[%swap3A_379, %swap3A_380, %swap3A_381, %swap3A_382], %swap3A_385 {add = true, strides = array<i32>} : memref<4x1x200x64xf32, #tpu.memory_space<vmem>>, vector<1x1x1x16xf32>,
        %add3A_386 = arith.constant 1 : i32
        %add3A_387 = arith.addi %add3A_342, %add3A_386 : i32
        %get3A_388 = arith.index_cast %add3A_387 : i32 to index
        %get3A_389 = arith.constant 48 : index
        %get3A_390 = tpu.vector_load %arg6[%get3A_388, %get3A_389] {strides = array<i32>} : memref<256x64xf32, #tpu.memory_space<vmem>>, vector<1x16xf32>,
        %get3A_391 = vector.shape_cast %get3A_390 : vector<1x16xf32> to vector<16xf32>
        %swap3A_392 = arith.constant 1 : i32
        %swap3A_393 = arith.constant 0 : i32
        %swap3A_394 = arith.index_cast %swap3A_392 : i32 to index
        %swap3A_395 = arith.index_cast %swap3A_393 : i32 to index
        %swap3A_396 = arith.index_cast %add3A_342 : i32 to index
        %swap3A_397 = arith.constant 48 : index
        %swap3A_398 = tpu.vector_load %arg8[%swap3A_394, %swap3A_395, %swap3A_396, %swap3A_397] {strides = array<i32>} : memref<4x1x200x64xf32, #tpu.memory_space<vmem>>, vector<1x1x1x16xf32>,
        %swap3A_399 = vector.shape_cast %swap3A_398 : vector<1x1x1x16xf32> to vector<16xf32>
        %swap3A_400 = vector.shape_cast %get3A_391 : vector<16xf32> to vector<1x1x1x16xf32>
        tpu.vector_store %arg8[%swap3A_394, %swap3A_395, %swap3A_396, %swap3A_397], %swap3A_400 {add = true, strides = array<i32>} : memref<4x1x200x64xf32, #tpu.memory_space<vmem>>, vector<1x1x1x16xf32>,
        %add3A_401 = arith.constant 1 : i32
        %add3A_402 = arith.addi %mul3A_340, %add3A_401 : i32
        %add3A_403 = arith.constant 1 : i32
        %add3A_404 = arith.addi %add3A_402, %add3A_403 : i32
        %get3A_405 = arith.index_cast %add3A_404 : i32 to index
        %get3A_406 = arith.constant 0 : index
        %get3A_407 = tpu.vector_load %arg6[%get3A_405, %get3A_406] {strides = array<i32>} : memref<256x64xf32, #tpu.memory_space<vmem>>, vector<1x16xf32>,
        %get3A_408 = vector.shape_cast %get3A_407 : vector<1x16xf32> to vector<16xf32>
        %swap3A_409 = arith.constant 1 : i32
        %swap3A_410 = arith.constant 0 : i32
        %swap3A_411 = arith.index_cast %swap3A_409 : i32 to index
        %swap3A_412 = arith.index_cast %swap3A_410 : i32 to index
        %swap3A_413 = arith.index_cast %add3A_402 : i32 to index
        %swap3A_414 = arith.constant 0 : index
        %swap3A_415 = tpu.vector_load %arg8[%swap3A_411, %swap3A_412, %swap3A_413, %swap3A_414] {strides = array<i32>} : memref<4x1x200x64xf32, #tpu.memory_space<vmem>>, vector<1x1x1x16xf32>,
        %swap3A_416 = vector.shape_cast %swap3A_415 : vector<1x1x1x16xf32> to vector<16xf32>
        %swap3A_417 = vector.shape_cast %get3A_408 : vector<16xf32> to vector<1x1x1x16xf32>
        tpu.vector_store %arg8[%swap3A_411, %swap3A_412, %swap3A_413, %swap3A_414], %swap3A_417 {add = true, strides = array<i32>} : memref<4x1x200x64xf32, #tpu.memory_space<vmem>>, vector<1x1x1x16xf32>,
        %add3A_418 = arith.constant 1 : i32
        %add3A_419 = arith.addi %add3A_402, %add3A_418 : i32
        %get3A_420 = arith.index_cast %add3A_419 : i32 to index
        %get3A_421 = arith.constant 16 : index
        %get3A_422 = tpu.vector_load %arg6[%get3A_420, %get3A_421] {strides = array<i32>} : memref<256x64xf32, #tpu.memory_space<vmem>>, vector<1x16xf32>,
        %get3A_423 = vector.shape_cast %get3A_422 : vector<1x16xf32> to vector<16xf32>
        %swap3A_424 = arith.constant 1 : i32
        %swap3A_425 = arith.constant 0 : i32
        %swap3A_426 = arith.index_cast %swap3A_424 : i32 to index
        %swap3A_427 = arith.index_cast %swap3A_425 : i32 to index
        %swap3A_428 = arith.index_cast %add3A_402 : i32 to index
        %swap3A_429 = arith.constant 16 : index
        %swap3A_430 = tpu.vector_load %arg8[%swap3A_426, %swap3A_427, %swap3A_428, %swap3A_429] {strides = array<i32>} : memref<4x1x200x64xf32, #tpu.memory_space<vmem>>, vector<1x1x1x16xf32>,
        %swap3A_431 = vector.shape_cast %swap3A_430 : vector<1x1x1x16xf32> to vector<16xf32>
        %swap3A_432 = vector.shape_cast %get3A_423 : vector<16xf32> to vector<1x1x1x16xf32>
        tpu.vector_store %arg8[%swap3A_426, %swap3A_427, %swap3A_428, %swap3A_429], %swap3A_432 {add = true, strides = array<i32>} : memref<4x1x200x64xf32, #tpu.memory_space<vmem>>, vector<1x1x1x16xf32>,
        %add3A_433 = arith.constant 1 : i32
        %add3A_434 = arith.addi %add3A_402, %add3A_433 : i32
        %get3A_435 = arith.index_cast %add3A_434 : i32 to index
        %get3A_436 = arith.constant 32 : index
        %get3A_437 = tpu.vector_load %arg6[%get3A_435, %get3A_436] {strides = array<i32>} : memref<256x64xf32, #tpu.memory_space<vmem>>, vector<1x16xf32>,
        %get3A_438 = vector.shape_cast %get3A_437 : vector<1x16xf32> to vector<16xf32>
        %swap3A_439 = arith.constant 1 : i32
        %swap3A_440 = arith.constant 0 : i32
        %swap3A_441 = arith.index_cast %swap3A_439 : i32 to index
        %swap3A_442 = arith.index_cast %swap3A_440 : i32 to index
        %swap3A_443 = arith.index_cast %add3A_402 : i32 to index
        %swap3A_444 = arith.constant 32 : index
        %swap3A_445 = tpu.vector_load %arg8[%swap3A_441, %swap3A_442, %swap3A_443, %swap3A_444] {strides = array<i32>} : memref<4x1x200x64xf32, #tpu.memory_space<vmem>>, vector<1x1x1x16xf32>,
        %swap3A_446 = vector.shape_cast %swap3A_445 : vector<1x1x1x16xf32> to vector<16xf32>
        %swap3A_447 = vector.shape_cast %get3A_438 : vector<16xf32> to vector<1x1x1x16xf32>
        tpu.vector_store %arg8[%swap3A_441, %swap3A_442, %swap3A_443, %swap3A_444], %swap3A_447 {add = true, strides = array<i32>} : memref<4x1x200x64xf32, #tpu.memory_space<vmem>>, vector<1x1x1x16xf32>,
        %add3A_448 = arith.constant 1 : i32
        %add3A_449 = arith.addi %add3A_402, %add3A_448 : i32
        %get3A_450 = arith.index_cast %add3A_449 : i32 to index
        %get3A_451 = arith.constant 48 : index
        %get3A_452 = tpu.vector_load %arg6[%get3A_450, %get3A_451] {strides = array<i32>} : memref<256x64xf32, #tpu.memory_space<vmem>>, vector<1x16xf32>,
        %get3A_453 = vector.shape_cast %get3A_452 : vector<1x16xf32> to vector<16xf32>
        %swap3A_454 = arith.constant 1 : i32
        %swap3A_455 = arith.constant 0 : i32
        %swap3A_456 = arith.index_cast %swap3A_454 : i32 to index
        %swap3A_457 = arith.index_cast %swap3A_455 : i32 to index
        %swap3A_458 = arith.index_cast %add3A_402 : i32 to index
        %swap3A_459 = arith.constant 48 : index
        %swap3A_460 = tpu.vector_load %arg8[%swap3A_456, %swap3A_457, %swap3A_458, %swap3A_459] {strides = array<i32>} : memref<4x1x200x64xf32, #tpu.memory_space<vmem>>, vector<1x1x1x16xf32>,
        %swap3A_461 = vector.shape_cast %swap3A_460 : vector<1x1x1x16xf32> to vector<16xf32>
        %swap3A_462 = vector.shape_cast %get3A_453 : vector<16xf32> to vector<1x1x1x16xf32>
        tpu.vector_store %arg8[%swap3A_456, %swap3A_457, %swap3A_458, %swap3A_459], %swap3A_462 {add = true, strides = array<i32>} : memref<4x1x200x64xf32, #tpu.memory_space<vmem>>, vector<1x1x1x16xf32>,
        %add3A_463 = arith.constant 2 : i32
        %add3A_464 = arith.addi %mul3A_340, %add3A_463 : i32
        %add3A_465 = arith.constant 1 : i32
        %add3A_466 = arith.addi %add3A_464, %add3A_465 : i32
        %get3A_467 = arith.index_cast %add3A_466 : i32 to index
        %get3A_468 = arith.constant 0 : index
        %get3A_469 = tpu.vector_load %arg6[%get3A_467, %get3A_468] {strides = array<i32>} : memref<256x64xf32, #tpu.memory_space<vmem>>, vector<1x16xf32>,
        %get3A_470 = vector.shape_cast %get3A_469 : vector<1x16xf32> to vector<16xf32>
        %swap3A_471 = arith.constant 1 : i32
        %swap3A_472 = arith.constant 0 : i32
        %swap3A_473 = arith.index_cast %swap3A_471 : i32 to index
        %swap3A_474 = arith.index_cast %swap3A_472 : i32 to index
        %swap3A_475 = arith.index_cast %add3A_464 : i32 to index
        %swap3A_476 = arith.constant 0 : index
        %swap3A_477 = tpu.vector_load %arg8[%swap3A_473, %swap3A_474, %swap3A_475, %swap3A_476] {strides = array<i32>} : memref<4x1x200x64xf32, #tpu.memory_space<vmem>>, vector<1x1x1x16xf32>,
        %swap3A_478 = vector.shape_cast %swap3A_477 : vector<1x1x1x16xf32> to vector<16xf32>
        %swap3A_479 = vector.shape_cast %get3A_470 : vector<16xf32> to vector<1x1x1x16xf32>
        tpu.vector_store %arg8[%swap3A_473, %swap3A_474, %swap3A_475, %swap3A_476], %swap3A_479 {add = true, strides = array<i32>} : memref<4x1x200x64xf32, #tpu.memory_space<vmem>>, vector<1x1x1x16xf32>,
        %add3A_480 = arith.constant 1 : i32
        %add3A_481 = arith.addi %add3A_464, %add3A_480 : i32
        %get3A_482 = arith.index_cast %add3A_481 : i32 to index
        %get3A_483 = arith.constant 16 : index
        %get3A_484 = tpu.vector_load %arg6[%get3A_482, %get3A_483] {strides = array<i32>} : memref<256x64xf32, #tpu.memory_space<vmem>>, vector<1x16xf32>,
        %get3A_485 = vector.shape_cast %get3A_484 : vector<1x16xf32> to vector<16xf32>
        %swap3A_486 = arith.constant 1 : i32
        %swap3A_487 = arith.constant 0 : i32
        %swap3A_488 = arith.index_cast %swap3A_486 : i32 to index
        %swap3A_489 = arith.index_cast %swap3A_487 : i32 to index
        %swap3A_490 = arith.index_cast %add3A_464 : i32 to index
        %swap3A_491 = arith.constant 16 : index
        %swap3A_492 = tpu.vector_load %arg8[%swap3A_488, %swap3A_489, %swap3A_490, %swap3A_491] {strides = array<i32>} : memref<4x1x200x64xf32, #tpu.memory_space<vmem>>, vector<1x1x1x16xf32>,
        %swap3A_493 = vector.shape_cast %swap3A_492 : vector<1x1x1x16xf32> to vector<16xf32>
        %swap3A_494 = vector.shape_cast %get3A_485 : vector<16xf32> to vector<1x1x1x16xf32>
        tpu.vector_store %arg8[%swap3A_488, %swap3A_489, %swap3A_490, %swap3A_491], %swap3A_494 {add = true, strides = array<i32>} : memref<4x1x200x64xf32, #tpu.memory_space<vmem>>, vector<1x1x1x16xf32>,
        %add3A_495 = arith.constant 1 : i32
        %add3A_496 = arith.addi %add3A_464, %add3A_495 : i32
        %get3A_497 = arith.index_cast %add3A_496 : i32 to index
        %get3A_498 = arith.constant 32 : index
        %get3A_499 = tpu.vector_load %arg6[%get3A_497, %get3A_498] {strides = array<i32>} : memref<256x64xf32, #tpu.memory_space<vmem>>, vector<1x16xf32>,
        %get3A_500 = vector.shape_cast %get3A_499 : vector<1x16xf32> to vector<16xf32>
        %swap3A_501 = arith.constant 1 : i32
        %swap3A_502 = arith.constant 0 : i32
        %swap3A_503 = arith.index_cast %swap3A_501 : i32 to index
        %swap3A_504 = arith.index_cast %swap3A_502 : i32 to index
        %swap3A_505 = arith.index_cast %add3A_464 : i32 to index
        %swap3A_506 = arith.constant 32 : index
        %swap3A_507 = tpu.vector_load %arg8[%swap3A_503, %swap3A_504, %swap3A_505, %swap3A_506] {strides = array<i32>} : memref<4x1x200x64xf32, #tpu.memory_space<vmem>>, vector<1x1x1x16xf32>,
        %swap3A_508 = vector.shape_cast %swap3A_507 : vector<1x1x1x16xf32> to vector<16xf32>
        %swap3A_509 = vector.shape_cast %get3A_500 : vector<16xf32> to vector<1x1x1x16xf32>
        tpu.vector_store %arg8[%swap3A_503, %swap3A_504, %swap3A_505, %swap3A_506], %swap3A_509 {add = true, strides = array<i32>} : memref<4x1x200x64xf32, #tpu.memory_space<vmem>>, vector<1x1x1x16xf32>,
        %add3A_510 = arith.constant 1 : i32
        %add3A_511 = arith.addi %add3A_464, %add3A_510 : i32
        %get3A_512 = arith.index_cast %add3A_511 : i32 to index
        %get3A_513 = arith.constant 48 : index
        %get3A_514 = tpu.vector_load %arg6[%get3A_512, %get3A_513] {strides = array<i32>} : memref<256x64xf32, #tpu.memory_space<vmem>>, vector<1x16xf32>,
        %get3A_515 = vector.shape_cast %get3A_514 : vector<1x16xf32> to vector<16xf32>
        %swap3A_516 = arith.constant 1 : i32
        %swap3A_517 = arith.constant 0 : i32
        %swap3A_518 = arith.index_cast %swap3A_516 : i32 to index
        %swap3A_519 = arith.index_cast %swap3A_517 : i32 to index
        %swap3A_520 = arith.index_cast %add3A_464 : i32 to index
        %swap3A_521 = arith.constant 48 : index
        %swap3A_522 = tpu.vector_load %arg8[%swap3A_518, %swap3A_519, %swap3A_520, %swap3A_521] {strides = array<i32>} : memref<4x1x200x64xf32, #tpu.memory_space<vmem>>, vector<1x1x1x16xf32>,
        %swap3A_523 = vector.shape_cast %swap3A_522 : vector<1x1x1x16xf32> to vector<16xf32>
        %swap3A_524 = vector.shape_cast %get3A_515 : vector<16xf32> to vector<1x1x1x16xf32>
        tpu.vector_store %arg8[%swap3A_518, %swap3A_519, %swap3A_520, %swap3A_521], %swap3A_524 {add = true, strides = array<i32>} : memref<4x1x200x64xf32, #tpu.memory_space<vmem>>, vector<1x1x1x16xf32>,
        %add3A_525 = arith.constant 3 : i32
        %add3A_526 = arith.addi %mul3A_340, %add3A_525 : i32
        %add3A_527 = arith.constant 1 : i32
        %add3A_528 = arith.addi %add3A_526, %add3A_527 : i32
        %get3A_529 = arith.index_cast %add3A_528 : i32 to index
        %get3A_530 = arith.constant 0 : index
        %get3A_531 = tpu.vector_load %arg6[%get3A_529, %get3A_530] {strides = array<i32>} : memref<256x64xf32, #tpu.memory_space<vmem>>, vector<1x16xf32>,
        %get3A_532 = vector.shape_cast %get3A_531 : vector<1x16xf32> to vector<16xf32>
        %swap3A_533 = arith.constant 1 : i32
        %swap3A_534 = arith.constant 0 : i32
        %swap3A_535 = arith.index_cast %swap3A_533 : i32 to index
        %swap3A_536 = arith.index_cast %swap3A_534 : i32 to index
        %swap3A_537 = arith.index_cast %add3A_526 : i32 to index
        %swap3A_538 = arith.constant 0 : index
        %swap3A_539 = tpu.vector_load %arg8[%swap3A_535, %swap3A_536, %swap3A_537, %swap3A_538] {strides = array<i32>} : memref<4x1x200x64xf32, #tpu.memory_space<vmem>>, vector<1x1x1x16xf32>,
        %swap3A_540 = vector.shape_cast %swap3A_539 : vector<1x1x1x16xf32> to vector<16xf32>
        %swap3A_541 = vector.shape_cast %get3A_532 : vector<16xf32> to vector<1x1x1x16xf32>
        tpu.vector_store %arg8[%swap3A_535, %swap3A_536, %swap3A_537, %swap3A_538], %swap3A_541 {add = true, strides = array<i32>} : memref<4x1x200x64xf32, #tpu.memory_space<vmem>>, vector<1x1x1x16xf32>,
        %add3A_542 = arith.constant 1 : i32
        %add3A_543 = arith.addi %add3A_526, %add3A_542 : i32
        %get3A_544 = arith.index_cast %add3A_543 : i32 to index
        %get3A_545 = arith.constant 16 : index
        %get3A_546 = tpu.vector_load %arg6[%get3A_544, %get3A_545] {strides = array<i32>} : memref<256x64xf32, #tpu.memory_space<vmem>>, vector<1x16xf32>,
        %get3A_547 = vector.shape_cast %get3A_546 : vector<1x16xf32> to vector<16xf32>
        %swap3A_548 = arith.constant 1 : i32
        %swap3A_549 = arith.constant 0 : i32
        %swap3A_550 = arith.index_cast %swap3A_548 : i32 to index
        %swap3A_551 = arith.index_cast %swap3A_549 : i32 to index
        %swap3A_552 = arith.index_cast %add3A_526 : i32 to index
        %swap3A_553 = arith.constant 16 : index
        %swap3A_554 = tpu.vector_load %arg8[%swap3A_550, %swap3A_551, %swap3A_552, %swap3A_553] {strides = array<i32>} : memref<4x1x200x64xf32, #tpu.memory_space<vmem>>, vector<1x1x1x16xf32>,
        %swap3A_555 = vector.shape_cast %swap3A_554 : vector<1x1x1x16xf32> to vector<16xf32>
        %swap3A_556 = vector.shape_cast %get3A_547 : vector<16xf32> to vector<1x1x1x16xf32>
        tpu.vector_store %arg8[%swap3A_550, %swap3A_551, %swap3A_552, %swap3A_553], %swap3A_556 {add = true, strides = array<i32>} : memref<4x1x200x64xf32, #tpu.memory_space<vmem>>, vector<1x1x1x16xf32>,
        %add3A_557 = arith.constant 1 : i32
        %add3A_558 = arith.addi %add3A_526, %add3A_557 : i32
        %get3A_559 = arith.index_cast %add3A_558 : i32 to index
        %get3A_560 = arith.constant 32 : index
        %get3A_561 = tpu.vector_load %arg6[%get3A_559, %get3A_560] {strides = array<i32>} : memref<256x64xf32, #tpu.memory_space<vmem>>, vector<1x16xf32>,
        %get3A_562 = vector.shape_cast %get3A_561 : vector<1x16xf32> to vector<16xf32>
        %swap3A_563 = arith.constant 1 : i32
        %swap3A_564 = arith.constant 0 : i32
        %swap3A_565 = arith.index_cast %swap3A_563 : i32 to index
        %swap3A_566 = arith.index_cast %swap3A_564 : i32 to index
        %swap3A_567 = arith.index_cast %add3A_526 : i32 to index
        %swap3A_568 = arith.constant 32 : index
        %swap3A_569 = tpu.vector_load %arg8[%swap3A_565, %swap3A_566, %swap3A_567, %swap3A_568] {strides = array<i32>} : memref<4x1x200x64xf32, #tpu.memory_space<vmem>>, vector<1x1x1x16xf32>,
        %swap3A_570 = vector.shape_cast %swap3A_569 : vector<1x1x1x16xf32> to vector<16xf32>
        %swap3A_571 = vector.shape_cast %get3A_562 : vector<16xf32> to vector<1x1x1x16xf32>
        tpu.vector_store %arg8[%swap3A_565, %swap3A_566, %swap3A_567, %swap3A_568], %swap3A_571 {add = true, strides = array<i32>} : memref<4x1x200x64xf32, #tpu.memory_space<vmem>>, vector<1x1x1x16xf32>,
        %add3A_572 = arith.constant 1 : i32
        %add3A_573 = arith.addi %add3A_526, %add3A_572 : i32
        %get3A_574 = arith.index_cast %add3A_573 : i32 to index
        %get3A_575 = arith.constant 48 : index
        %get3A_576 = tpu.vector_load %arg6[%get3A_574, %get3A_575] {strides = array<i32>} : memref<256x64xf32, #tpu.memory_space<vmem>>, vector<1x16xf32>,
        %get3A_577 = vector.shape_cast %get3A_576 : vector<1x16xf32> to vector<16xf32>
        %swap3A_578 = arith.constant 1 : i32
        %swap3A_579 = arith.constant 0 : i32
        %swap3A_580 = arith.index_cast %swap3A_578 : i32 to index
        %swap3A_581 = arith.index_cast %swap3A_579 : i32 to index
        %swap3A_582 = arith.index_cast %add3A_526 : i32 to index
        %swap3A_583 = arith.constant 48 : index
        %swap3A_584 = tpu.vector_load %arg8[%swap3A_580, %swap3A_581, %swap3A_582, %swap3A_583] {strides = array<i32>} : memref<4x1x200x64xf32, #tpu.memory_space<vmem>>, vector<1x1x1x16xf32>,
        %swap3A_585 = vector.shape_cast %swap3A_584 : vector<1x1x1x16xf32> to vector<16xf32>
        %swap3A_586 = vector.shape_cast %get3A_577 : vector<16xf32> to vector<1x1x1x16xf32>
        tpu.vector_store %arg8[%swap3A_580, %swap3A_581, %swap3A_582, %swap3A_583], %swap3A_586 {add = true, strides = array<i32>} : memref<4x1x200x64xf32, #tpu.memory_space<vmem>>, vector<1x1x1x16xf32>,
        %add3A_587 = arith.constant 4 : i32
        %add3A_588 = arith.addi %mul3A_340, %add3A_587 : i32
        %add3A_589 = arith.constant 1 : i32
        %add3A_590 = arith.addi %add3A_588, %add3A_589 : i32
        %get3A_591 = arith.index_cast %add3A_590 : i32 to index
        %get3A_592 = arith.constant 0 : index
        %get3A_593 = tpu.vector_load %arg6[%get3A_591, %get3A_592] {strides = array<i32>} : memref<256x64xf32, #tpu.memory_space<vmem>>, vector<1x16xf32>,
        %get3A_594 = vector.shape_cast %get3A_593 : vector<1x16xf32> to vector<16xf32>
        %swap3A_595 = arith.constant 1 : i32
        %swap3A_596 = arith.constant 0 : i32
        %swap3A_597 = arith.index_cast %swap3A_595 : i32 to index
        %swap3A_598 = arith.index_cast %swap3A_596 : i32 to index
        %swap3A_599 = arith.index_cast %add3A_588 : i32 to index
        %swap3A_600 = arith.constant 0 : index
        %swap3A_601 = tpu.vector_load %arg8[%swap3A_597, %swap3A_598, %swap3A_599, %swap3A_600] {strides = array<i32>} : memref<4x1x200x64xf32, #tpu.memory_space<vmem>>, vector<1x1x1x16xf32>,
        %swap3A_602 = vector.shape_cast %swap3A_601 : vector<1x1x1x16xf32> to vector<16xf32>
        %swap3A_603 = vector.shape_cast %get3A_594 : vector<16xf32> to vector<1x1x1x16xf32>
        tpu.vector_store %arg8[%swap3A_597, %swap3A_598, %swap3A_599, %swap3A_600], %swap3A_603 {add = true, strides = array<i32>} : memref<4x1x200x64xf32, #tpu.memory_space<vmem>>, vector<1x1x1x16xf32>,
        %add3A_604 = arith.constant 1 : i32
        %add3A_605 = arith.addi %add3A_588, %add3A_604 : i32
        %get3A_606 = arith.index_cast %add3A_605 : i32 to index
        %get3A_607 = arith.constant 16 : index
        %get3A_608 = tpu.vector_load %arg6[%get3A_606, %get3A_607] {strides = array<i32>} : memref<256x64xf32, #tpu.memory_space<vmem>>, vector<1x16xf32>,
        %get3A_609 = vector.shape_cast %get3A_608 : vector<1x16xf32> to vector<16xf32>
        %swap3A_610 = arith.constant 1 : i32
        %swap3A_611 = arith.constant 0 : i32
        %swap3A_612 = arith.index_cast %swap3A_610 : i32 to index
        %swap3A_613 = arith.index_cast %swap3A_611 : i32 to index
        %swap3A_614 = arith.index_cast %add3A_588 : i32 to index
        %swap3A_615 = arith.constant 16 : index
        %swap3A_616 = tpu.vector_load %arg8[%swap3A_612, %swap3A_613, %swap3A_614, %swap3A_615] {strides = array<i32>} : memref<4x1x200x64xf32, #tpu.memory_space<vmem>>, vector<1x1x1x16xf32>,
        %swap3A_617 = vector.shape_cast %swap3A_616 : vector<1x1x1x16xf32> to vector<16xf32>
        %swap3A_618 = vector.shape_cast %get3A_609 : vector<16xf32> to vector<1x1x1x16xf32>
        tpu.vector_store %arg8[%swap3A_612, %swap3A_613, %swap3A_614, %swap3A_615], %swap3A_618 {add = true, strides = array<i32>} : memref<4x1x200x64xf32, #tpu.memory_space<vmem>>, vector<1x1x1x16xf32>,
        %add3A_619 = arith.constant 1 : i32
        %add3A_620 = arith.addi %add3A_588, %add3A_619 : i32
        %get3A_621 = arith.index_cast %add3A_620 : i32 to index
        %get3A_622 = arith.constant 32 : index
        %get3A_623 = tpu.vector_load %arg6[%get3A_621, %get3A_622] {strides = array<i32>} : memref<256x64xf32, #tpu.memory_space<vmem>>, vector<1x16xf32>,
        %get3A_624 = vector.shape_cast %get3A_623 : vector<1x16xf32> to vector<16xf32>
        %swap3A_625 = arith.constant 1 : i32
        %swap3A_626 = arith.constant 0 : i32
        %swap3A_627 = arith.index_cast %swap3A_625 : i32 to index
        %swap3A_628 = arith.index_cast %swap3A_626 : i32 to index
        %swap3A_629 = arith.index_cast %add3A_588 : i32 to index
        %swap3A_630 = arith.constant 32 : index
        %swap3A_631 = tpu.vector_load %arg8[%swap3A_627, %swap3A_628, %swap3A_629, %swap3A_630] {strides = array<i32>} : memref<4x1x200x64xf32, #tpu.memory_space<vmem>>, vector<1x1x1x16xf32>,
        %swap3A_632 = vector.shape_cast %swap3A_631 : vector<1x1x1x16xf32> to vector<16xf32>
        %swap3A_633 = vector.shape_cast %get3A_624 : vector<16xf32> to vector<1x1x1x16xf32>
        tpu.vector_store %arg8[%swap3A_627, %swap3A_628, %swap3A_629, %swap3A_630], %swap3A_633 {add = true, strides = array<i32>} : memref<4x1x200x64xf32, #tpu.memory_space<vmem>>, vector<1x1x1x16xf32>,
        %add3A_634 = arith.constant 1 : i32
        %add3A_635 = arith.addi %add3A_588, %add3A_634 : i32
        %get3A_636 = arith.index_cast %add3A_635 : i32 to index
        %get3A_637 = arith.constant 48 : index
        %get3A_638 = tpu.vector_load %arg6[%get3A_636, %get3A_637] {strides = array<i32>} : memref<256x64xf32, #tpu.memory_space<vmem>>, vector<1x16xf32>,
        %get3A_639 = vector.shape_cast %get3A_638 : vector<1x16xf32> to vector<16xf32>
        %swap3A_640 = arith.constant 1 : i32
        %swap3A_641 = arith.constant 0 : i32
        %swap3A_642 = arith.index_cast %swap3A_640 : i32 to index
        %swap3A_643 = arith.index_cast %swap3A_641 : i32 to index
        %swap3A_644 = arith.index_cast %add3A_588 : i32 to index
        %swap3A_645 = arith.constant 48 : index
        %swap3A_646 = tpu.vector_load %arg8[%swap3A_642, %swap3A_643, %swap3A_644, %swap3A_645] {strides = array<i32>} : memref<4x1x200x64xf32, #tpu.memory_space<vmem>>, vector<1x1x1x16xf32>,
        %swap3A_647 = vector.shape_cast %swap3A_646 : vector<1x1x1x16xf32> to vector<16xf32>
        %swap3A_648 = vector.shape_cast %get3A_639 : vector<16xf32> to vector<1x1x1x16xf32>
        tpu.vector_store %arg8[%swap3A_642, %swap3A_643, %swap3A_644, %swap3A_645], %swap3A_648 {add = true, strides = array<i32>} : memref<4x1x200x64xf32, #tpu.memory_space<vmem>>, vector<1x1x1x16xf32>,
        %add3A_649 = arith.constant 5 : i32
        %add3A_650 = arith.addi %mul3A_340, %add3A_649 : i32
        %add3A_651 = arith.constant 1 : i32
        %add3A_652 = arith.addi %add3A_650, %add3A_651 : i32
        %get3A_653 = arith.index_cast %add3A_652 : i32 to index
        %get3A_654 = arith.constant 0 : index
        %get3A_655 = tpu.vector_load %arg6[%get3A_653, %get3A_654] {strides = array<i32>} : memref<256x64xf32, #tpu.memory_space<vmem>>, vector<1x16xf32>,
        %get3A_656 = vector.shape_cast %get3A_655 : vector<1x16xf32> to vector<16xf32>
        %swap3A_657 = arith.constant 1 : i32
        %swap3A_658 = arith.constant 0 : i32
        %swap3A_659 = arith.index_cast %swap3A_657 : i32 to index
        %swap3A_660 = arith.index_cast %swap3A_658 : i32 to index
        %swap3A_661 = arith.index_cast %add3A_650 : i32 to index
        %swap3A_662 = arith.constant 0 : index
        %swap3A_663 = tpu.vector_load %arg8[%swap3A_659, %swap3A_660, %swap3A_661, %swap3A_662] {strides = array<i32>} : memref<4x1x200x64xf32, #tpu.memory_space<vmem>>, vector<1x1x1x16xf32>,
        %swap3A_664 = vector.shape_cast %swap3A_663 : vector<1x1x1x16xf32> to vector<16xf32>
        %swap3A_665 = vector.shape_cast %get3A_656 : vector<16xf32> to vector<1x1x1x16xf32>
        tpu.vector_store %arg8[%swap3A_659, %swap3A_660, %swap3A_661, %swap3A_662], %swap3A_665 {add = true, strides = array<i32>} : memref<4x1x200x64xf32, #tpu.memory_space<vmem>>, vector<1x1x1x16xf32>,
        %add3A_666 = arith.constant 1 : i32
        %add3A_667 = arith.addi %add3A_650, %add3A_666 : i32
        %get3A_668 = arith.index_cast %add3A_667 : i32 to index
        %get3A_669 = arith.constant 16 : index
        %get3A_670 = tpu.vector_load %arg6[%get3A_668, %get3A_669] {strides = array<i32>} : memref<256x64xf32, #tpu.memory_space<vmem>>, vector<1x16xf32>,
        %get3A_671 = vector.shape_cast %get3A_670 : vector<1x16xf32> to vector<16xf32>
        %swap3A_672 = arith.constant 1 : i32
        %swap3A_673 = arith.constant 0 : i32
        %swap3A_674 = arith.index_cast %swap3A_672 : i32 to index
        %swap3A_675 = arith.index_cast %swap3A_673 : i32 to index
        %swap3A_676 = arith.index_cast %add3A_650 : i32 to index
        %swap3A_677 = arith.constant 16 : index
        %swap3A_678 = tpu.vector_load %arg8[%swap3A_674, %swap3A_675, %swap3A_676, %swap3A_677] {strides = array<i32>} : memref<4x1x200x64xf32, #tpu.memory_space<vmem>>, vector<1x1x1x16xf32>,
        %swap3A_679 = vector.shape_cast %swap3A_678 : vector<1x1x1x16xf32> to vector<16xf32>
        %swap3A_680 = vector.shape_cast %get3A_671 : vector<16xf32> to vector<1x1x1x16xf32>
        tpu.vector_store %arg8[%swap3A_674, %swap3A_675, %swap3A_676, %swap3A_677], %swap3A_680 {add = true, strides = array<i32>} : memref<4x1x200x64xf32, #tpu.memory_space<vmem>>, vector<1x1x1x16xf32>,
        %add3A_681 = arith.constant 1 : i32
        %add3A_682 = arith.addi %add3A_650, %add3A_681 : i32
        %get3A_683 = arith.index_cast %add3A_682 : i32 to index
        %get3A_684 = arith.constant 32 : index
        %get3A_685 = tpu.vector_load %arg6[%get3A_683, %get3A_684] {strides = array<i32>} : memref<256x64xf32, #tpu.memory_space<vmem>>, vector<1x16xf32>,
        %get3A_686 = vector.shape_cast %get3A_685 : vector<1x16xf32> to vector<16xf32>
        %swap3A_687 = arith.constant 1 : i32
        %swap3A_688 = arith.constant 0 : i32
        %swap3A_689 = arith.index_cast %swap3A_687 : i32 to index
        %swap3A_690 = arith.index_cast %swap3A_688 : i32 to index
        %swap3A_691 = arith.index_cast %add3A_650 : i32 to index
        %swap3A_692 = arith.constant 32 : index
        %swap3A_693 = tpu.vector_load %arg8[%swap3A_689, %swap3A_690, %swap3A_691, %swap3A_692] {strides = array<i32>} : memref<4x1x200x64xf32, #tpu.memory_space<vmem>>, vector<1x1x1x16xf32>,
        %swap3A_694 = vector.shape_cast %swap3A_693 : vector<1x1x1x16xf32> to vector<16xf32>
        %swap3A_695 = vector.shape_cast %get3A_686 : vector<16xf32> to vector<1x1x1x16xf32>
        tpu.vector_store %arg8[%swap3A_689, %swap3A_690, %swap3A_691, %swap3A_692], %swap3A_695 {add = true, strides = array<i32>} : memref<4x1x200x64xf32, #tpu.memory_space<vmem>>, vector<1x1x1x16xf32>,
        %add3A_696 = arith.constant 1 : i32
        %add3A_697 = arith.addi %add3A_650, %add3A_696 : i32
        %get3A_698 = arith.index_cast %add3A_697 : i32 to index
        %get3A_699 = arith.constant 48 : index
        %get3A_700 = tpu.vector_load %arg6[%get3A_698, %get3A_699] {strides = array<i32>} : memref<256x64xf32, #tpu.memory_space<vmem>>, vector<1x16xf32>,
        %get3A_701 = vector.shape_cast %get3A_700 : vector<1x16xf32> to vector<16xf32>
        %swap3A_702 = arith.constant 1 : i32
        %swap3A_703 = arith.constant 0 : i32
        %swap3A_704 = arith.index_cast %swap3A_702 : i32 to index
        %swap3A_705 = arith.index_cast %swap3A_703 : i32 to index
        %swap3A_706 = arith.index_cast %add3A_650 : i32 to index
        %swap3A_707 = arith.constant 48 : index
        %swap3A_708 = tpu.vector_load %arg8[%swap3A_704, %swap3A_705, %swap3A_706, %swap3A_707] {strides = array<i32>} : memref<4x1x200x64xf32, #tpu.memory_space<vmem>>, vector<1x1x1x16xf32>,
        %swap3A_709 = vector.shape_cast %swap3A_708 : vector<1x1x1x16xf32> to vector<16xf32>
        %swap3A_710 = vector.shape_cast %get3A_701 : vector<16xf32> to vector<1x1x1x16xf32>
        tpu.vector_store %arg8[%swap3A_704, %swap3A_705, %swap3A_706, %swap3A_707], %swap3A_710 {add = true, strides = array<i32>} : memref<4x1x200x64xf32, #tpu.memory_space<vmem>>, vector<1x1x1x16xf32>,
        %add3A_711 = arith.constant 6 : i32
        %add3A_712 = arith.addi %mul3A_340, %add3A_711 : i32
        %add3A_713 = arith.constant 1 : i32
        %add3A_714 = arith.addi %add3A_712, %add3A_713 : i32
        %get3A_715 = arith.index_cast %add3A_714 : i32 to index
        %get3A_716 = arith.constant 0 : index
        %get3A_717 = tpu.vector_load %arg6[%get3A_715, %get3A_716] {strides = array<i32>} : memref<256x64xf32, #tpu.memory_space<vmem>>, vector<1x16xf32>,
        %get3A_718 = vector.shape_cast %get3A_717 : vector<1x16xf32> to vector<16xf32>
        %swap3A_719 = arith.constant 1 : i32
        %swap3A_720 = arith.constant 0 : i32
        %swap3A_721 = arith.index_cast %swap3A_719 : i32 to index
        %swap3A_722 = arith.index_cast %swap3A_720 : i32 to index
        %swap3A_723 = arith.index_cast %add3A_712 : i32 to index
        %swap3A_724 = arith.constant 0 : index
        %swap3A_725 = tpu.vector_load %arg8[%swap3A_721, %swap3A_722, %swap3A_723, %swap3A_724] {strides = array<i32>} : memref<4x1x200x64xf32, #tpu.memory_space<vmem>>, vector<1x1x1x16xf32>,
        %swap3A_726 = vector.shape_cast %swap3A_725 : vector<1x1x1x16xf32> to vector<16xf32>
        %swap3A_727 = vector.shape_cast %get3A_718 : vector<16xf32> to vector<1x1x1x16xf32>
        tpu.vector_store %arg8[%swap3A_721, %swap3A_722, %swap3A_723, %swap3A_724], %swap3A_727 {add = true, strides = array<i32>} : memref<4x1x200x64xf32, #tpu.memory_space<vmem>>, vector<1x1x1x16xf32>,
        %add3A_728 = arith.constant 1 : i32
        %add3A_729 = arith.addi %add3A_712, %add3A_728 : i32
        %get3A_730 = arith.index_cast %add3A_729 : i32 to index
        %get3A_731 = arith.constant 16 : index
        %get3A_732 = tpu.vector_load %arg6[%get3A_730, %get3A_731] {strides = array<i32>} : memref<256x64xf32, #tpu.memory_space<vmem>>, vector<1x16xf32>,
        %get3A_733 = vector.shape_cast %get3A_732 : vector<1x16xf32> to vector<16xf32>
        %swap3A_734 = arith.constant 1 : i32
        %swap3A_735 = arith.constant 0 : i32
        %swap3A_736 = arith.index_cast %swap3A_734 : i32 to index
        %swap3A_737 = arith.index_cast %swap3A_735 : i32 to index
        %swap3A_738 = arith.index_cast %add3A_712 : i32 to index
        %swap3A_739 = arith.constant 16 : index
        %swap3A_740 = tpu.vector_load %arg8[%swap3A_736, %swap3A_737, %swap3A_738, %swap3A_739] {strides = array<i32>} : memref<4x1x200x64xf32, #tpu.memory_space<vmem>>, vector<1x1x1x16xf32>,
        %swap3A_741 = vector.shape_cast %swap3A_740 : vector<1x1x1x16xf32> to vector<16xf32>
        %swap3A_742 = vector.shape_cast %get3A_733 : vector<16xf32> to vector<1x1x1x16xf32>
        tpu.vector_store %arg8[%swap3A_736, %swap3A_737, %swap3A_738, %swap3A_739], %swap3A_742 {add = true, strides = array<i32>} : memref<4x1x200x64xf32, #tpu.memory_space<vmem>>, vector<1x1x1x16xf32>,
        %add3A_743 = arith.constant 1 : i32
        %add3A_744 = arith.addi %add3A_712, %add3A_743 : i32
        %get3A_745 = arith.index_cast %add3A_744 : i32 to index
        %get3A_746 = arith.constant 32 : index
        %get3A_747 = tpu.vector_load %arg6[%get3A_745, %get3A_746] {strides = array<i32>} : memref<256x64xf32, #tpu.memory_space<vmem>>, vector<1x16xf32>,
        %get3A_748 = vector.shape_cast %get3A_747 : vector<1x16xf32> to vector<16xf32>
        %swap3A_749 = arith.constant 1 : i32
        %swap3A_750 = arith.constant 0 : i32
        %swap3A_751 = arith.index_cast %swap3A_749 : i32 to index
        %swap3A_752 = arith.index_cast %swap3A_750 : i32 to index
        %swap3A_753 = arith.index_cast %add3A_712 : i32 to index
        %swap3A_754 = arith.constant 32 : index
        %swap3A_755 = tpu.vector_load %arg8[%swap3A_751, %swap3A_752, %swap3A_753, %swap3A_754] {strides = array<i32>} : memref<4x1x200x64xf32, #tpu.memory_space<vmem>>, vector<1x1x1x16xf32>,
        %swap3A_756 = vector.shape_cast %swap3A_755 : vector<1x1x1x16xf32> to vector<16xf32>
        %swap3A_757 = vector.shape_cast %get3A_748 : vector<16xf32> to vector<1x1x1x16xf32>
        tpu.vector_store %arg8[%swap3A_751, %swap3A_752, %swap3A_753, %swap3A_754], %swap3A_757 {add = true, strides = array<i32>} : memref<4x1x200x64xf32, #tpu.memory_space<vmem>>, vector<1x1x1x16xf32>,
        %add3A_758 = arith.constant 1 : i32
        %add3A_759 = arith.addi %add3A_712, %add3A_758 : i32
        %get3A_760 = arith.index_cast %add3A_759 : i32 to index
        %get3A_761 = arith.constant 48 : index
        %get3A_762 = tpu.vector_load %arg6[%get3A_760, %get3A_761] {strides = array<i32>} : memref<256x64xf32, #tpu.memory_space<vmem>>, vector<1x16xf32>,
        %get3A_763 = vector.shape_cast %get3A_762 : vector<1x16xf32> to vector<16xf32>
        %swap3A_764 = arith.constant 1 : i32
        %swap3A_765 = arith.constant 0 : i32
        %swap3A_766 = arith.index_cast %swap3A_764 : i32 to index
        %swap3A_767 = arith.index_cast %swap3A_765 : i32 to index
        %swap3A_768 = arith.index_cast %add3A_712 : i32 to index
        %swap3A_769 = arith.constant 48 : index
        %swap3A_770 = tpu.vector_load %arg8[%swap3A_766, %swap3A_767, %swap3A_768, %swap3A_769] {strides = array<i32>} : memref<4x1x200x64xf32, #tpu.memory_space<vmem>>, vector<1x1x1x16xf32>,
        %swap3A_771 = vector.shape_cast %swap3A_770 : vector<1x1x1x16xf32> to vector<16xf32>
        %swap3A_772 = vector.shape_cast %get3A_763 : vector<16xf32> to vector<1x1x1x16xf32>
        tpu.vector_store %arg8[%swap3A_766, %swap3A_767, %swap3A_768, %swap3A_769], %swap3A_772 {add = true, strides = array<i32>} : memref<4x1x200x64xf32, #tpu.memory_space<vmem>>, vector<1x1x1x16xf32>,
        %add3A_773 = arith.constant 7 : i32
        %add3A_774 = arith.addi %mul3A_340, %add3A_773 : i32
        %add3A_775 = arith.constant 1 : i32
        %add3A_776 = arith.addi %add3A_774, %add3A_775 : i32
        %get3A_777 = arith.index_cast %add3A_776 : i32 to index
        %get3A_778 = arith.constant 0 : index
        %get3A_779 = tpu.vector_load %arg6[%get3A_777, %get3A_778] {strides = array<i32>} : memref<256x64xf32, #tpu.memory_space<vmem>>, vector<1x16xf32>,
        %get3A_780 = vector.shape_cast %get3A_779 : vector<1x16xf32> to vector<16xf32>
        %swap3A_781 = arith.constant 1 : i32
        %swap3A_782 = arith.constant 0 : i32
        %swap3A_783 = arith.index_cast %swap3A_781 : i32 to index
        %swap3A_784 = arith.index_cast %swap3A_782 : i32 to index
        %swap3A_785 = arith.index_cast %add3A_774 : i32 to index
        %swap3A_786 = arith.constant 0 : index
        %swap3A_787 = tpu.vector_load %arg8[%swap3A_783, %swap3A_784, %swap3A_785, %swap3A_786] {strides = array<i32>} : memref<4x1x200x64xf32, #tpu.memory_space<vmem>>, vector<1x1x1x16xf32>,
        %swap3A_788 = vector.shape_cast %swap3A_787 : vector<1x1x1x16xf32> to vector<16xf32>
        %swap3A_789 = vector.shape_cast %get3A_780 : vector<16xf32> to vector<1x1x1x16xf32>
        tpu.vector_store %arg8[%swap3A_783, %swap3A_784, %swap3A_785, %swap3A_786], %swap3A_789 {add = true, strides = array<i32>} : memref<4x1x200x64xf32, #tpu.memory_space<vmem>>, vector<1x1x1x16xf32>,
        %add3A_790 = arith.constant 1 : i32
        %add3A_791 = arith.addi %add3A_774, %add3A_790 : i32
        %get3A_792 = arith.index_cast %add3A_791 : i32 to index
        %get3A_793 = arith.constant 16 : index
        %get3A_794 = tpu.vector_load %arg6[%get3A_792, %get3A_793] {strides = array<i32>} : memref<256x64xf32, #tpu.memory_space<vmem>>, vector<1x16xf32>,
        %get3A_795 = vector.shape_cast %get3A_794 : vector<1x16xf32> to vector<16xf32>
        %swap3A_796 = arith.constant 1 : i32
        %swap3A_797 = arith.constant 0 : i32
        %swap3A_798 = arith.index_cast %swap3A_796 : i32 to index
        %swap3A_799 = arith.index_cast %swap3A_797 : i32 to index
        %swap3A_800 = arith.index_cast %add3A_774 : i32 to index
        %swap3A_801 = arith.constant 16 : index
        %swap3A_802 = tpu.vector_load %arg8[%swap3A_798, %swap3A_799, %swap3A_800, %swap3A_801] {strides = array<i32>} : memref<4x1x200x64xf32, #tpu.memory_space<vmem>>, vector<1x1x1x16xf32>,
        %swap3A_803 = vector.shape_cast %swap3A_802 : vector<1x1x1x16xf32> to vector<16xf32>
        %swap3A_804 = vector.shape_cast %get3A_795 : vector<16xf32> to vector<1x1x1x16xf32>
        tpu.vector_store %arg8[%swap3A_798, %swap3A_799, %swap3A_800, %swap3A_801], %swap3A_804 {add = true, strides = array<i32>} : memref<4x1x200x64xf32, #tpu.memory_space<vmem>>, vector<1x1x1x16xf32>,
        %add3A_805 = arith.constant 1 : i32
        %add3A_806 = arith.addi %add3A_774, %add3A_805 : i32
        %get3A_807 = arith.index_cast %add3A_806 : i32 to index
        %get3A_808 = arith.constant 32 : index
        %get3A_809 = tpu.vector_load %arg6[%get3A_807, %get3A_808] {strides = array<i32>} : memref<256x64xf32, #tpu.memory_space<vmem>>, vector<1x16xf32>,
        %get3A_810 = vector.shape_cast %get3A_809 : vector<1x16xf32> to vector<16xf32>
        %swap3A_811 = arith.constant 1 : i32
        %swap3A_812 = arith.constant 0 : i32
        %swap3A_813 = arith.index_cast %swap3A_811 : i32 to index
        %swap3A_814 = arith.index_cast %swap3A_812 : i32 to index
        %swap3A_815 = arith.index_cast %add3A_774 : i32 to index
        %swap3A_816 = arith.constant 32 : index
        %swap3A_817 = tpu.vector_load %arg8[%swap3A_813, %swap3A_814, %swap3A_815, %swap3A_816] {strides = array<i32>} : memref<4x1x200x64xf32, #tpu.memory_space<vmem>>, vector<1x1x1x16xf32>,
        %swap3A_818 = vector.shape_cast %swap3A_817 : vector<1x1x1x16xf32> to vector<16xf32>
        %swap3A_819 = vector.shape_cast %get3A_810 : vector<16xf32> to vector<1x1x1x16xf32>
        tpu.vector_store %arg8[%swap3A_813, %swap3A_814, %swap3A_815, %swap3A_816], %swap3A_819 {add = true, strides = array<i32>} : memref<4x1x200x64xf32, #tpu.memory_space<vmem>>, vector<1x1x1x16xf32>,
        %add3A_820 = arith.constant 1 : i32
        %add3A_821 = arith.addi %add3A_774, %add3A_820 : i32
        %get3A_822 = arith.index_cast %add3A_821 : i32 to index
        %get3A_823 = arith.constant 48 : index
        %get3A_824 = tpu.vector_load %arg6[%get3A_822, %get3A_823] {strides = array<i32>} : memref<256x64xf32, #tpu.memory_space<vmem>>, vector<1x16xf32>,
        %get3A_825 = vector.shape_cast %get3A_824 : vector<1x16xf32> to vector<16xf32>
        %swap3A_826 = arith.constant 1 : i32
        %swap3A_827 = arith.constant 0 : i32
        %swap3A_828 = arith.index_cast %swap3A_826 : i32 to index
        %swap3A_829 = arith.index_cast %swap3A_827 : i32 to index
        %swap3A_830 = arith.index_cast %add3A_774 : i32 to index
        %swap3A_831 = arith.constant 48 : index
        %swap3A_832 = tpu.vector_load %arg8[%swap3A_828, %swap3A_829, %swap3A_830, %swap3A_831] {strides = array<i32>} : memref<4x1x200x64xf32, #tpu.memory_space<vmem>>, vector<1x1x1x16xf32>,
        %swap3A_833 = vector.shape_cast %swap3A_832 : vector<1x1x1x16xf32> to vector<16xf32>
        %swap3A_834 = vector.shape_cast %get3A_825 : vector<16xf32> to vector<1x1x1x16xf32>
        tpu.vector_store %arg8[%swap3A_828, %swap3A_829, %swap3A_830, %swap3A_831], %swap3A_834 {add = true, strides = array<i32>} : memref<4x1x200x64xf32, #tpu.memory_space<vmem>>, vector<1x1x1x16xf32>,
      }
      %scan3A_207 = arith.constant 25 : i32
      %mul3A_208 = arith.constant 1 : i32
      %mul3A_209 = arith.muli %add3A_176, %mul3A_208 : i32
      %add3A_210 = arith.addi %mul3A_2, %mul3A_209 : i32
      %dma_start3A_211 = arith.constant 1 : i32
      %dma_start3A_212 = arith.constant 0 : i32
      %dma_start3A_213 = arith.constant 0 : i32
      %dma_start3A_214 = arith.constant 0 : i32
      %dma_start3A_215 = tpu.memref_slice %arg8[%dma_start3A_211, %dma_start3A_212, %dma_start3A_213, %dma_start3A_214] : memref<4x1x200x64xf32, #tpu.memory_space<vmem>> -> memref<1x1x200x64xf32, #tpu.memory_space<vmem>>
      %dma_start3A_216 = tpu.memref_squeeze %dma_start3A_215 : memref<1x1x200x64xf32, #tpu.memory_space<vmem>> -> memref<1x200x64xf32, #tpu.memory_space<vmem>>
      %dma_start3A_217 = arith.constant 0 : i32
      %dma_start3A_218 = arith.constant 0 : i32
      %dma_start3A_219 = tpu.memref_slice %arg5[%add3A_210, %dma_start3A_217, %dma_start3A_218] : memref<4096x200x64xf32, #tpu.memory_space<hbm>> -> memref<1x200x64xf32, #tpu.memory_space<hbm>>
      %dma_start3A_220 = arith.constant 0 : i32
      %dma_start3A_221 = arith.constant 0 : i32
      %dma_start3A_222 = tpu.memref_slice %arg5[%add3A_210, %dma_start3A_220, %dma_start3A_221] : memref<4096x200x64xf32, #tpu.memory_space<hbm>> -> memref<1x200x64xf32, #tpu.memory_space<hbm>>
      %dma_start3A_223 = arith.constant 0 : i32
      %dma_start3A_224 = arith.constant 0 : i32
      %dma_start3A_225 = arith.constant 0 : i32
      %dma_start3A_226 = tpu.memref_slice %arg8[%dma_start3A_211, %dma_start3A_223, %dma_start3A_224, %dma_start3A_225] : memref<4x1x200x64xf32, #tpu.memory_space<vmem>> -> memref<1x1x200x64xf32, #tpu.memory_space<vmem>>
      %dma_start3A_227 = tpu.memref_squeeze %dma_start3A_226 : memref<1x1x200x64xf32, #tpu.memory_space<vmem>> -> memref<1x200x64xf32, #tpu.memory_space<vmem>>
      tpu.enqueue_dma source(%dma_start3A_227 : memref<1x200x64xf32, #tpu.memory_space<vmem>>) target(%dma_start3A_222 : memref<1x200x64xf32, #tpu.memory_space<hbm>>) target_semaphore(%arg14 : memref<!tpu.dma_semaphore, #tpu.memory_space<semaphore_mem>>)
      %mul3A_228 = arith.constant 4 : i32
      %mul3A_229 = arith.muli %mul3A_228, %scan3A_121 : i32
      %add3A_230 = arith.constant 2 : i32
      %add3A_231 = arith.addi %mul3A_229, %add3A_230 : i32
      %add3A_232 = arith.constant 4 : i32
      %add3A_233 = arith.addi %add3A_231, %add3A_232 : i32
      %sub3A_234 = arith.constant 1 : i32
      %sub3A_235 = arith.subi %add3A_233, %sub3A_234 : i32
      %lt3A_236 = arith.constant 128 : i32
      %lt3A_237 = arith.cmpi slt, %sub3A_235, %lt3A_236 : i32
      %convert_element_type3A_238 = arith.extui %lt3A_237 : i1 to i32
      %cond3A_239 = arith.constant 0 : i32
      %cond3A_240 = arith.cmpi ne, %convert_element_type3A_238, %cond3A_239 : i32
      scf.if %cond3A_240 {
        %ge3A = arith.constant 1 : i32
        %ge3A_338 = arith.cmpi sge, %add3A_231, %ge3A : i32
        %convert_element_type3A_339 = arith.extui %ge3A_338 : i1 to i32
        %cond3A_340 = arith.constant 0 : i32
        %cond3A_341 = arith.cmpi ne, %convert_element_type3A_339, %cond3A_340 : i32
        scf.if %cond3A_341 {
          %sub3A_362 = arith.constant 1 : i32
          %sub3A_363 = arith.subi %add3A_231, %sub3A_362 : i32
          %mul3A_364 = arith.constant 1 : i32
          %mul3A_365 = arith.muli %sub3A_363, %mul3A_364 : i32
          %add3A_366 = arith.addi %mul3A_2, %mul3A_365 : i32
          %dma_wait3A_367 = arith.constant 1 : i32
          %dma_wait3A_368 = arith.constant 0 : i32
          %dma_wait3A_369 = arith.constant 0 : i32
          %dma_wait3A_370 = arith.constant 0 : i32
          %dma_wait3A_371 = tpu.memref_slice %arg8[%dma_wait3A_367, %dma_wait3A_368, %dma_wait3A_369, %dma_wait3A_370] : memref<4x1x200x64xf32, #tpu.memory_space<vmem>> -> memref<1x1x200x64xf32, #tpu.memory_space<vmem>>
          %dma_wait3A_372 = tpu.memref_squeeze %dma_wait3A_371 : memref<1x1x200x64xf32, #tpu.memory_space<vmem>> -> memref<1x200x64xf32, #tpu.memory_space<vmem>>
          %dma_wait3A_373 = arith.constant 0 : i32
          %dma_wait3A_374 = arith.constant 0 : i32
          %dma_wait3A_375 = tpu.memref_slice %arg5[%add3A_366, %dma_wait3A_373, %dma_wait3A_374] : memref<4096x200x64xf32, #tpu.memory_space<hbm>> -> memref<1x200x64xf32, #tpu.memory_space<hbm>>
          %dma_wait3A_376 = arith.constant 0 : i32
          %dma_wait3A_377 = arith.constant 0 : i32
          %dma_wait3A_378 = tpu.memref_slice %arg5[%add3A_366, %dma_wait3A_376, %dma_wait3A_377] : memref<4096x200x64xf32, #tpu.memory_space<hbm>> -> memref<1x200x64xf32, #tpu.memory_space<hbm>>
          %dma_wait3A_379 = arith.constant 0 : i32
          %dma_wait3A_380 = arith.constant 0 : i32
          %dma_wait3A_381 = arith.constant 0 : i32
          %dma_wait3A_382 = tpu.memref_slice %arg8[%dma_wait3A_367, %dma_wait3A_379, %dma_wait3A_380, %dma_wait3A_381] : memref<4x1x200x64xf32, #tpu.memory_space<vmem>> -> memref<1x1x200x64xf32, #tpu.memory_space<vmem>>
          %dma_wait3A_383 = tpu.memref_squeeze %dma_wait3A_382 : memref<1x1x200x64xf32, #tpu.memory_space<vmem>> -> memref<1x200x64xf32, #tpu.memory_space<vmem>>
          tpu.wait_dma2 semaphore(%arg14 : memref<!tpu.dma_semaphore, #tpu.memory_space<semaphore_mem>>) src(%dma_wait3A_383 : memref<1x200x64xf32, #tpu.memory_space<vmem>>) dst(%dma_wait3A_378 : memref<1x200x64xf32, #tpu.memory_space<hbm>>)
        } else {
        }
        %add3A_342 = arith.constant 4 : i32
        %add3A_343 = arith.addi %add3A_231, %add3A_342 : i32
        %sub3A_344 = arith.constant 1 : i32
        %sub3A_345 = arith.subi %add3A_343, %sub3A_344 : i32
        %mul3A_346 = arith.constant 1 : i32
        %mul3A_347 = arith.muli %sub3A_345, %mul3A_346 : i32
        %add3A_348 = arith.constant 0 : i32
        %add3A_349 = arith.addi %mul3A_347, %add3A_348 : i32
        %dma_start3A_350 = arith.constant 1 : i32
        %dma_start3A_351 = arith.constant 0 : i32
        %dma_start3A_352 = arith.constant 0 : i32
        %dma_start3A_353 = arith.constant 0 : i32
        %dma_start3A_354 = tpu.memref_slice %arg8[%dma_start3A_350, %dma_start3A_351, %dma_start3A_352, %dma_start3A_353] : memref<4x1x200x64xf32, #tpu.memory_space<vmem>> -> memref<1x1x200x64xf32, #tpu.memory_space<vmem>>
        %dma_start3A_355 = tpu.memref_squeeze %dma_start3A_354 : memref<1x1x200x64xf32, #tpu.memory_space<vmem>> -> memref<200x64xf32, #tpu.memory_space<vmem>>
        %dma_start3A_356 = arith.constant 0 : i32
        %dma_start3A_357 = tpu.memref_slice %arg7[%add3A_349, %dma_start3A_356] : memref<128x200xi32, #tpu.memory_space<vmem>> -> memref<1x200xi32, #tpu.memory_space<vmem>>
        %dma_start3A_358 = tpu.memref_squeeze %dma_start3A_357 : memref<1x200xi32, #tpu.memory_space<vmem>> -> memref<200xi32, #tpu.memory_space<vmem>>
        %dma_start3A_359 = arith.constant 0 : i32
        %dma_start3A_360 = arith.constant 0 : i32
        %dma_start3A_361 = tpu.memref_slice %arg3[%dma_start3A_359, %dma_start3A_360] : memref<1000000x64xf32, #tpu.memory_space<hbm>> -> memref<1000000x64xf32, #tpu.memory_space<hbm>>
        tpu.enqueue_indirect_dma source(%dma_start3A_361 : memref<1000000x64xf32, #tpu.memory_space<hbm>>) target(%dma_start3A_355 : memref<200x64xf32, #tpu.memory_space<vmem>>) offsets(%dma_start3A_358 : memref<200xi32, #tpu.memory_space<vmem>>) semaphore(%arg10 : memref<!tpu.dma_semaphore, #tpu.memory_space<semaphore_mem>>)
      } else {
      }
      %mul3A_241 = arith.constant 1 : i32
      %mul3A_242 = arith.muli %add3A_231, %mul3A_241 : i32
      %add3A_243 = arith.constant 0 : i32
      %add3A_244 = arith.addi %mul3A_242, %add3A_243 : i32
      %dma_wait3A_245 = arith.constant 2 : i32
      %dma_wait3A_246 = arith.constant 0 : i32
      %dma_wait3A_247 = arith.constant 0 : i32
      %dma_wait3A_248 = arith.constant 0 : i32
      %dma_wait3A_249 = tpu.memref_slice %arg8[%dma_wait3A_245, %dma_wait3A_246, %dma_wait3A_247, %dma_wait3A_248] : memref<4x1x200x64xf32, #tpu.memory_space<vmem>> -> memref<1x1x200x64xf32, #tpu.memory_space<vmem>>
      %dma_wait3A_250 = tpu.memref_squeeze %dma_wait3A_249 : memref<1x1x200x64xf32, #tpu.memory_space<vmem>> -> memref<200x64xf32, #tpu.memory_space<vmem>>
      %dma_wait3A_251 = arith.constant 0 : i32
      %dma_wait3A_252 = tpu.memref_slice %arg7[%add3A_244, %dma_wait3A_251] : memref<128x200xi32, #tpu.memory_space<vmem>> -> memref<1x200xi32, #tpu.memory_space<vmem>>
      %dma_wait3A_253 = tpu.memref_squeeze %dma_wait3A_252 : memref<1x200xi32, #tpu.memory_space<vmem>> -> memref<200xi32, #tpu.memory_space<vmem>>
      %dma_wait3A_254 = arith.constant 0 : i32
      %dma_wait3A_255 = arith.constant 0 : i32
      %dma_wait3A_256 = tpu.memref_slice %arg3[%dma_wait3A_254, %dma_wait3A_255] : memref<1000000x64xf32, #tpu.memory_space<hbm>> -> memref<1000000x64xf32, #tpu.memory_space<hbm>>
      tpu.wait_indirect_dma semaphore(%arg11 : memref<!tpu.dma_semaphore, #tpu.memory_space<semaphore_mem>>) src(%dma_wait3A_256 : memref<1000000x64xf32, #tpu.memory_space<hbm>>) dst(%dma_wait3A_250 : memref<200x64xf32, #tpu.memory_space<vmem>>)
      %scan3A_257 = arith.constant 0 : i32
      %scan3A_258 = arith.constant 0 : i32
      %scan3A_259 = arith.constant 25 : i32
      %scan3A_260 = arith.addi %scan3A_258, %scan3A_259 : i32
      %scan3A_261 = arith.constant 1 : i32
      scf.for %scan3A_338 = %scan3A_258 to %scan3A_260 step %scan3A_261  : i32 {
        %mul3A_339 = arith.constant 8 : i32
        %mul3A_340 = arith.muli %scan3A_338, %mul3A_339 : i32
        %add3A_341 = arith.constant 0 : i32
        %add3A_342 = arith.addi %mul3A_340, %add3A_341 : i32
        %add3A_343 = arith.constant 1 : i32
        %add3A_344 = arith.addi %add3A_342, %add3A_343 : i32
        %get3A = arith.index_cast %add3A_344 : i32 to index
        %get3A_345 = arith.constant 0 : index
        %get3A_346 = tpu.vector_load %arg6[%get3A, %get3A_345] {strides = array<i32>} : memref<256x64xf32, #tpu.memory_space<vmem>>, vector<1x16xf32>,
        %get3A_347 = vector.shape_cast %get3A_346 : vector<1x16xf32> to vector<16xf32>
        %swap3A = arith.constant 2 : i32
        %swap3A_348 = arith.constant 0 : i32
        %swap3A_349 = arith.index_cast %swap3A : i32 to index
        %swap3A_350 = arith.index_cast %swap3A_348 : i32 to index
        %swap3A_351 = arith.index_cast %add3A_342 : i32 to index
        %swap3A_352 = arith.constant 0 : index
        %swap3A_353 = tpu.vector_load %arg8[%swap3A_349, %swap3A_350, %swap3A_351, %swap3A_352] {strides = array<i32>} : memref<4x1x200x64xf32, #tpu.memory_space<vmem>>, vector<1x1x1x16xf32>,
        %swap3A_354 = vector.shape_cast %swap3A_353 : vector<1x1x1x16xf32> to vector<16xf32>
        %swap3A_355 = vector.shape_cast %get3A_347 : vector<16xf32> to vector<1x1x1x16xf32>
        tpu.vector_store %arg8[%swap3A_349, %swap3A_350, %swap3A_351, %swap3A_352], %swap3A_355 {add = true, strides = array<i32>} : memref<4x1x200x64xf32, #tpu.memory_space<vmem>>, vector<1x1x1x16xf32>,
        %add3A_356 = arith.constant 1 : i32
        %add3A_357 = arith.addi %add3A_342, %add3A_356 : i32
        %get3A_358 = arith.index_cast %add3A_357 : i32 to index
        %get3A_359 = arith.constant 16 : index
        %get3A_360 = tpu.vector_load %arg6[%get3A_358, %get3A_359] {strides = array<i32>} : memref<256x64xf32, #tpu.memory_space<vmem>>, vector<1x16xf32>,
        %get3A_361 = vector.shape_cast %get3A_360 : vector<1x16xf32> to vector<16xf32>
        %swap3A_362 = arith.constant 2 : i32
        %swap3A_363 = arith.constant 0 : i32
        %swap3A_364 = arith.index_cast %swap3A_362 : i32 to index
        %swap3A_365 = arith.index_cast %swap3A_363 : i32 to index
        %swap3A_366 = arith.index_cast %add3A_342 : i32 to index
        %swap3A_367 = arith.constant 16 : index
        %swap3A_368 = tpu.vector_load %arg8[%swap3A_364, %swap3A_365, %swap3A_366, %swap3A_367] {strides = array<i32>} : memref<4x1x200x64xf32, #tpu.memory_space<vmem>>, vector<1x1x1x16xf32>,
        %swap3A_369 = vector.shape_cast %swap3A_368 : vector<1x1x1x16xf32> to vector<16xf32>
        %swap3A_370 = vector.shape_cast %get3A_361 : vector<16xf32> to vector<1x1x1x16xf32>
        tpu.vector_store %arg8[%swap3A_364, %swap3A_365, %swap3A_366, %swap3A_367], %swap3A_370 {add = true, strides = array<i32>} : memref<4x1x200x64xf32, #tpu.memory_space<vmem>>, vector<1x1x1x16xf32>,
        %add3A_371 = arith.constant 1 : i32
        %add3A_372 = arith.addi %add3A_342, %add3A_371 : i32
        %get3A_373 = arith.index_cast %add3A_372 : i32 to index
        %get3A_374 = arith.constant 32 : index
        %get3A_375 = tpu.vector_load %arg6[%get3A_373, %get3A_374] {strides = array<i32>} : memref<256x64xf32, #tpu.memory_space<vmem>>, vector<1x16xf32>,
        %get3A_376 = vector.shape_cast %get3A_375 : vector<1x16xf32> to vector<16xf32>
        %swap3A_377 = arith.constant 2 : i32
        %swap3A_378 = arith.constant 0 : i32
        %swap3A_379 = arith.index_cast %swap3A_377 : i32 to index
        %swap3A_380 = arith.index_cast %swap3A_378 : i32 to index
        %swap3A_381 = arith.index_cast %add3A_342 : i32 to index
        %swap3A_382 = arith.constant 32 : index
        %swap3A_383 = tpu.vector_load %arg8[%swap3A_379, %swap3A_380, %swap3A_381, %swap3A_382] {strides = array<i32>} : memref<4x1x200x64xf32, #tpu.memory_space<vmem>>, vector<1x1x1x16xf32>,
        %swap3A_384 = vector.shape_cast %swap3A_383 : vector<1x1x1x16xf32> to vector<16xf32>
        %swap3A_385 = vector.shape_cast %get3A_376 : vector<16xf32> to vector<1x1x1x16xf32>
        tpu.vector_store %arg8[%swap3A_379, %swap3A_380, %swap3A_381, %swap3A_382], %swap3A_385 {add = true, strides = array<i32>} : memref<4x1x200x64xf32, #tpu.memory_space<vmem>>, vector<1x1x1x16xf32>,
        %add3A_386 = arith.constant 1 : i32
        %add3A_387 = arith.addi %add3A_342, %add3A_386 : i32
        %get3A_388 = arith.index_cast %add3A_387 : i32 to index
        %get3A_389 = arith.constant 48 : index
        %get3A_390 = tpu.vector_load %arg6[%get3A_388, %get3A_389] {strides = array<i32>} : memref<256x64xf32, #tpu.memory_space<vmem>>, vector<1x16xf32>,
        %get3A_391 = vector.shape_cast %get3A_390 : vector<1x16xf32> to vector<16xf32>
        %swap3A_392 = arith.constant 2 : i32
        %swap3A_393 = arith.constant 0 : i32
        %swap3A_394 = arith.index_cast %swap3A_392 : i32 to index
        %swap3A_395 = arith.index_cast %swap3A_393 : i32 to index
        %swap3A_396 = arith.index_cast %add3A_342 : i32 to index
        %swap3A_397 = arith.constant 48 : index
        %swap3A_398 = tpu.vector_load %arg8[%swap3A_394, %swap3A_395, %swap3A_396, %swap3A_397] {strides = array<i32>} : memref<4x1x200x64xf32, #tpu.memory_space<vmem>>, vector<1x1x1x16xf32>,
        %swap3A_399 = vector.shape_cast %swap3A_398 : vector<1x1x1x16xf32> to vector<16xf32>
        %swap3A_400 = vector.shape_cast %get3A_391 : vector<16xf32> to vector<1x1x1x16xf32>
        tpu.vector_store %arg8[%swap3A_394, %swap3A_395, %swap3A_396, %swap3A_397], %swap3A_400 {add = true, strides = array<i32>} : memref<4x1x200x64xf32, #tpu.memory_space<vmem>>, vector<1x1x1x16xf32>,
        %add3A_401 = arith.constant 1 : i32
        %add3A_402 = arith.addi %mul3A_340, %add3A_401 : i32
        %add3A_403 = arith.constant 1 : i32
        %add3A_404 = arith.addi %add3A_402, %add3A_403 : i32
        %get3A_405 = arith.index_cast %add3A_404 : i32 to index
        %get3A_406 = arith.constant 0 : index
        %get3A_407 = tpu.vector_load %arg6[%get3A_405, %get3A_406] {strides = array<i32>} : memref<256x64xf32, #tpu.memory_space<vmem>>, vector<1x16xf32>,
        %get3A_408 = vector.shape_cast %get3A_407 : vector<1x16xf32> to vector<16xf32>
        %swap3A_409 = arith.constant 2 : i32
        %swap3A_410 = arith.constant 0 : i32
        %swap3A_411 = arith.index_cast %swap3A_409 : i32 to index
        %swap3A_412 = arith.index_cast %swap3A_410 : i32 to index
        %swap3A_413 = arith.index_cast %add3A_402 : i32 to index
        %swap3A_414 = arith.constant 0 : index
        %swap3A_415 = tpu.vector_load %arg8[%swap3A_411, %swap3A_412, %swap3A_413, %swap3A_414] {strides = array<i32>} : memref<4x1x200x64xf32, #tpu.memory_space<vmem>>, vector<1x1x1x16xf32>,
        %swap3A_416 = vector.shape_cast %swap3A_415 : vector<1x1x1x16xf32> to vector<16xf32>
        %swap3A_417 = vector.shape_cast %get3A_408 : vector<16xf32> to vector<1x1x1x16xf32>
        tpu.vector_store %arg8[%swap3A_411, %swap3A_412, %swap3A_413, %swap3A_414], %swap3A_417 {add = true, strides = array<i32>} : memref<4x1x200x64xf32, #tpu.memory_space<vmem>>, vector<1x1x1x16xf32>,
        %add3A_418 = arith.constant 1 : i32
        %add3A_419 = arith.addi %add3A_402, %add3A_418 : i32
        %get3A_420 = arith.index_cast %add3A_419 : i32 to index
        %get3A_421 = arith.constant 16 : index
        %get3A_422 = tpu.vector_load %arg6[%get3A_420, %get3A_421] {strides = array<i32>} : memref<256x64xf32, #tpu.memory_space<vmem>>, vector<1x16xf32>,
        %get3A_423 = vector.shape_cast %get3A_422 : vector<1x16xf32> to vector<16xf32>
        %swap3A_424 = arith.constant 2 : i32
        %swap3A_425 = arith.constant 0 : i32
        %swap3A_426 = arith.index_cast %swap3A_424 : i32 to index
        %swap3A_427 = arith.index_cast %swap3A_425 : i32 to index
        %swap3A_428 = arith.index_cast %add3A_402 : i32 to index
        %swap3A_429 = arith.constant 16 : index
        %swap3A_430 = tpu.vector_load %arg8[%swap3A_426, %swap3A_427, %swap3A_428, %swap3A_429] {strides = array<i32>} : memref<4x1x200x64xf32, #tpu.memory_space<vmem>>, vector<1x1x1x16xf32>,
        %swap3A_431 = vector.shape_cast %swap3A_430 : vector<1x1x1x16xf32> to vector<16xf32>
        %swap3A_432 = vector.shape_cast %get3A_423 : vector<16xf32> to vector<1x1x1x16xf32>
        tpu.vector_store %arg8[%swap3A_426, %swap3A_427, %swap3A_428, %swap3A_429], %swap3A_432 {add = true, strides = array<i32>} : memref<4x1x200x64xf32, #tpu.memory_space<vmem>>, vector<1x1x1x16xf32>,
        %add3A_433 = arith.constant 1 : i32
        %add3A_434 = arith.addi %add3A_402, %add3A_433 : i32
        %get3A_435 = arith.index_cast %add3A_434 : i32 to index
        %get3A_436 = arith.constant 32 : index
        %get3A_437 = tpu.vector_load %arg6[%get3A_435, %get3A_436] {strides = array<i32>} : memref<256x64xf32, #tpu.memory_space<vmem>>, vector<1x16xf32>,
        %get3A_438 = vector.shape_cast %get3A_437 : vector<1x16xf32> to vector<16xf32>
        %swap3A_439 = arith.constant 2 : i32
        %swap3A_440 = arith.constant 0 : i32
        %swap3A_441 = arith.index_cast %swap3A_439 : i32 to index
        %swap3A_442 = arith.index_cast %swap3A_440 : i32 to index
        %swap3A_443 = arith.index_cast %add3A_402 : i32 to index
        %swap3A_444 = arith.constant 32 : index
        %swap3A_445 = tpu.vector_load %arg8[%swap3A_441, %swap3A_442, %swap3A_443, %swap3A_444] {strides = array<i32>} : memref<4x1x200x64xf32, #tpu.memory_space<vmem>>, vector<1x1x1x16xf32>,
        %swap3A_446 = vector.shape_cast %swap3A_445 : vector<1x1x1x16xf32> to vector<16xf32>
        %swap3A_447 = vector.shape_cast %get3A_438 : vector<16xf32> to vector<1x1x1x16xf32>
        tpu.vector_store %arg8[%swap3A_441, %swap3A_442, %swap3A_443, %swap3A_444], %swap3A_447 {add = true, strides = array<i32>} : memref<4x1x200x64xf32, #tpu.memory_space<vmem>>, vector<1x1x1x16xf32>,
        %add3A_448 = arith.constant 1 : i32
        %add3A_449 = arith.addi %add3A_402, %add3A_448 : i32
        %get3A_450 = arith.index_cast %add3A_449 : i32 to index
        %get3A_451 = arith.constant 48 : index
        %get3A_452 = tpu.vector_load %arg6[%get3A_450, %get3A_451] {strides = array<i32>} : memref<256x64xf32, #tpu.memory_space<vmem>>, vector<1x16xf32>,
        %get3A_453 = vector.shape_cast %get3A_452 : vector<1x16xf32> to vector<16xf32>
        %swap3A_454 = arith.constant 2 : i32
        %swap3A_455 = arith.constant 0 : i32
        %swap3A_456 = arith.index_cast %swap3A_454 : i32 to index
        %swap3A_457 = arith.index_cast %swap3A_455 : i32 to index
        %swap3A_458 = arith.index_cast %add3A_402 : i32 to index
        %swap3A_459 = arith.constant 48 : index
        %swap3A_460 = tpu.vector_load %arg8[%swap3A_456, %swap3A_457, %swap3A_458, %swap3A_459] {strides = array<i32>} : memref<4x1x200x64xf32, #tpu.memory_space<vmem>>, vector<1x1x1x16xf32>,
        %swap3A_461 = vector.shape_cast %swap3A_460 : vector<1x1x1x16xf32> to vector<16xf32>
        %swap3A_462 = vector.shape_cast %get3A_453 : vector<16xf32> to vector<1x1x1x16xf32>
        tpu.vector_store %arg8[%swap3A_456, %swap3A_457, %swap3A_458, %swap3A_459], %swap3A_462 {add = true, strides = array<i32>} : memref<4x1x200x64xf32, #tpu.memory_space<vmem>>, vector<1x1x1x16xf32>,
        %add3A_463 = arith.constant 2 : i32
        %add3A_464 = arith.addi %mul3A_340, %add3A_463 : i32
        %add3A_465 = arith.constant 1 : i32
        %add3A_466 = arith.addi %add3A_464, %add3A_465 : i32
        %get3A_467 = arith.index_cast %add3A_466 : i32 to index
        %get3A_468 = arith.constant 0 : index
        %get3A_469 = tpu.vector_load %arg6[%get3A_467, %get3A_468] {strides = array<i32>} : memref<256x64xf32, #tpu.memory_space<vmem>>, vector<1x16xf32>,
        %get3A_470 = vector.shape_cast %get3A_469 : vector<1x16xf32> to vector<16xf32>
        %swap3A_471 = arith.constant 2 : i32
        %swap3A_472 = arith.constant 0 : i32
        %swap3A_473 = arith.index_cast %swap3A_471 : i32 to index
        %swap3A_474 = arith.index_cast %swap3A_472 : i32 to index
        %swap3A_475 = arith.index_cast %add3A_464 : i32 to index
        %swap3A_476 = arith.constant 0 : index
        %swap3A_477 = tpu.vector_load %arg8[%swap3A_473, %swap3A_474, %swap3A_475, %swap3A_476] {strides = array<i32>} : memref<4x1x200x64xf32, #tpu.memory_space<vmem>>, vector<1x1x1x16xf32>,
        %swap3A_478 = vector.shape_cast %swap3A_477 : vector<1x1x1x16xf32> to vector<16xf32>
        %swap3A_479 = vector.shape_cast %get3A_470 : vector<16xf32> to vector<1x1x1x16xf32>
        tpu.vector_store %arg8[%swap3A_473, %swap3A_474, %swap3A_475, %swap3A_476], %swap3A_479 {add = true, strides = array<i32>} : memref<4x1x200x64xf32, #tpu.memory_space<vmem>>, vector<1x1x1x16xf32>,
        %add3A_480 = arith.constant 1 : i32
        %add3A_481 = arith.addi %add3A_464, %add3A_480 : i32
        %get3A_482 = arith.index_cast %add3A_481 : i32 to index
        %get3A_483 = arith.constant 16 : index
        %get3A_484 = tpu.vector_load %arg6[%get3A_482, %get3A_483] {strides = array<i32>} : memref<256x64xf32, #tpu.memory_space<vmem>>, vector<1x16xf32>,
        %get3A_485 = vector.shape_cast %get3A_484 : vector<1x16xf32> to vector<16xf32>
        %swap3A_486 = arith.constant 2 : i32
        %swap3A_487 = arith.constant 0 : i32
        %swap3A_488 = arith.index_cast %swap3A_486 : i32 to index
        %swap3A_489 = arith.index_cast %swap3A_487 : i32 to index
        %swap3A_490 = arith.index_cast %add3A_464 : i32 to index
        %swap3A_491 = arith.constant 16 : index
        %swap3A_492 = tpu.vector_load %arg8[%swap3A_488, %swap3A_489, %swap3A_490, %swap3A_491] {strides = array<i32>} : memref<4x1x200x64xf32, #tpu.memory_space<vmem>>, vector<1x1x1x16xf32>,
        %swap3A_493 = vector.shape_cast %swap3A_492 : vector<1x1x1x16xf32> to vector<16xf32>
        %swap3A_494 = vector.shape_cast %get3A_485 : vector<16xf32> to vector<1x1x1x16xf32>
        tpu.vector_store %arg8[%swap3A_488, %swap3A_489, %swap3A_490, %swap3A_491], %swap3A_494 {add = true, strides = array<i32>} : memref<4x1x200x64xf32, #tpu.memory_space<vmem>>, vector<1x1x1x16xf32>,
        %add3A_495 = arith.constant 1 : i32
        %add3A_496 = arith.addi %add3A_464, %add3A_495 : i32
        %get3A_497 = arith.index_cast %add3A_496 : i32 to index
        %get3A_498 = arith.constant 32 : index
        %get3A_499 = tpu.vector_load %arg6[%get3A_497, %get3A_498] {strides = array<i32>} : memref<256x64xf32, #tpu.memory_space<vmem>>, vector<1x16xf32>,
        %get3A_500 = vector.shape_cast %get3A_499 : vector<1x16xf32> to vector<16xf32>
        %swap3A_501 = arith.constant 2 : i32
        %swap3A_502 = arith.constant 0 : i32
        %swap3A_503 = arith.index_cast %swap3A_501 : i32 to index
        %swap3A_504 = arith.index_cast %swap3A_502 : i32 to index
        %swap3A_505 = arith.index_cast %add3A_464 : i32 to index
        %swap3A_506 = arith.constant 32 : index
        %swap3A_507 = tpu.vector_load %arg8[%swap3A_503, %swap3A_504, %swap3A_505, %swap3A_506] {strides = array<i32>} : memref<4x1x200x64xf32, #tpu.memory_space<vmem>>, vector<1x1x1x16xf32>,
        %swap3A_508 = vector.shape_cast %swap3A_507 : vector<1x1x1x16xf32> to vector<16xf32>
        %swap3A_509 = vector.shape_cast %get3A_500 : vector<16xf32> to vector<1x1x1x16xf32>
        tpu.vector_store %arg8[%swap3A_503, %swap3A_504, %swap3A_505, %swap3A_506], %swap3A_509 {add = true, strides = array<i32>} : memref<4x1x200x64xf32, #tpu.memory_space<vmem>>, vector<1x1x1x16xf32>,
        %add3A_510 = arith.constant 1 : i32
        %add3A_511 = arith.addi %add3A_464, %add3A_510 : i32
        %get3A_512 = arith.index_cast %add3A_511 : i32 to index
        %get3A_513 = arith.constant 48 : index
        %get3A_514 = tpu.vector_load %arg6[%get3A_512, %get3A_513] {strides = array<i32>} : memref<256x64xf32, #tpu.memory_space<vmem>>, vector<1x16xf32>,
        %get3A_515 = vector.shape_cast %get3A_514 : vector<1x16xf32> to vector<16xf32>
        %swap3A_516 = arith.constant 2 : i32
        %swap3A_517 = arith.constant 0 : i32
        %swap3A_518 = arith.index_cast %swap3A_516 : i32 to index
        %swap3A_519 = arith.index_cast %swap3A_517 : i32 to index
        %swap3A_520 = arith.index_cast %add3A_464 : i32 to index
        %swap3A_521 = arith.constant 48 : index
        %swap3A_522 = tpu.vector_load %arg8[%swap3A_518, %swap3A_519, %swap3A_520, %swap3A_521] {strides = array<i32>} : memref<4x1x200x64xf32, #tpu.memory_space<vmem>>, vector<1x1x1x16xf32>,
        %swap3A_523 = vector.shape_cast %swap3A_522 : vector<1x1x1x16xf32> to vector<16xf32>
        %swap3A_524 = vector.shape_cast %get3A_515 : vector<16xf32> to vector<1x1x1x16xf32>
        tpu.vector_store %arg8[%swap3A_518, %swap3A_519, %swap3A_520, %swap3A_521], %swap3A_524 {add = true, strides = array<i32>} : memref<4x1x200x64xf32, #tpu.memory_space<vmem>>, vector<1x1x1x16xf32>,
        %add3A_525 = arith.constant 3 : i32
        %add3A_526 = arith.addi %mul3A_340, %add3A_525 : i32
        %add3A_527 = arith.constant 1 : i32
        %add3A_528 = arith.addi %add3A_526, %add3A_527 : i32
        %get3A_529 = arith.index_cast %add3A_528 : i32 to index
        %get3A_530 = arith.constant 0 : index
        %get3A_531 = tpu.vector_load %arg6[%get3A_529, %get3A_530] {strides = array<i32>} : memref<256x64xf32, #tpu.memory_space<vmem>>, vector<1x16xf32>,
        %get3A_532 = vector.shape_cast %get3A_531 : vector<1x16xf32> to vector<16xf32>
        %swap3A_533 = arith.constant 2 : i32
        %swap3A_534 = arith.constant 0 : i32
        %swap3A_535 = arith.index_cast %swap3A_533 : i32 to index
        %swap3A_536 = arith.index_cast %swap3A_534 : i32 to index
        %swap3A_537 = arith.index_cast %add3A_526 : i32 to index
        %swap3A_538 = arith.constant 0 : index
        %swap3A_539 = tpu.vector_load %arg8[%swap3A_535, %swap3A_536, %swap3A_537, %swap3A_538] {strides = array<i32>} : memref<4x1x200x64xf32, #tpu.memory_space<vmem>>, vector<1x1x1x16xf32>,
        %swap3A_540 = vector.shape_cast %swap3A_539 : vector<1x1x1x16xf32> to vector<16xf32>
        %swap3A_541 = vector.shape_cast %get3A_532 : vector<16xf32> to vector<1x1x1x16xf32>
        tpu.vector_store %arg8[%swap3A_535, %swap3A_536, %swap3A_537, %swap3A_538], %swap3A_541 {add = true, strides = array<i32>} : memref<4x1x200x64xf32, #tpu.memory_space<vmem>>, vector<1x1x1x16xf32>,
        %add3A_542 = arith.constant 1 : i32
        %add3A_543 = arith.addi %add3A_526, %add3A_542 : i32
        %get3A_544 = arith.index_cast %add3A_543 : i32 to index
        %get3A_545 = arith.constant 16 : index
        %get3A_546 = tpu.vector_load %arg6[%get3A_544, %get3A_545] {strides = array<i32>} : memref<256x64xf32, #tpu.memory_space<vmem>>, vector<1x16xf32>,
        %get3A_547 = vector.shape_cast %get3A_546 : vector<1x16xf32> to vector<16xf32>
        %swap3A_548 = arith.constant 2 : i32
        %swap3A_549 = arith.constant 0 : i32
        %swap3A_550 = arith.index_cast %swap3A_548 : i32 to index
        %swap3A_551 = arith.index_cast %swap3A_549 : i32 to index
        %swap3A_552 = arith.index_cast %add3A_526 : i32 to index
        %swap3A_553 = arith.constant 16 : index
        %swap3A_554 = tpu.vector_load %arg8[%swap3A_550, %swap3A_551, %swap3A_552, %swap3A_553] {strides = array<i32>} : memref<4x1x200x64xf32, #tpu.memory_space<vmem>>, vector<1x1x1x16xf32>,
        %swap3A_555 = vector.shape_cast %swap3A_554 : vector<1x1x1x16xf32> to vector<16xf32>
        %swap3A_556 = vector.shape_cast %get3A_547 : vector<16xf32> to vector<1x1x1x16xf32>
        tpu.vector_store %arg8[%swap3A_550, %swap3A_551, %swap3A_552, %swap3A_553], %swap3A_556 {add = true, strides = array<i32>} : memref<4x1x200x64xf32, #tpu.memory_space<vmem>>, vector<1x1x1x16xf32>,
        %add3A_557 = arith.constant 1 : i32
        %add3A_558 = arith.addi %add3A_526, %add3A_557 : i32
        %get3A_559 = arith.index_cast %add3A_558 : i32 to index
        %get3A_560 = arith.constant 32 : index
        %get3A_561 = tpu.vector_load %arg6[%get3A_559, %get3A_560] {strides = array<i32>} : memref<256x64xf32, #tpu.memory_space<vmem>>, vector<1x16xf32>,
        %get3A_562 = vector.shape_cast %get3A_561 : vector<1x16xf32> to vector<16xf32>
        %swap3A_563 = arith.constant 2 : i32
        %swap3A_564 = arith.constant 0 : i32
        %swap3A_565 = arith.index_cast %swap3A_563 : i32 to index
        %swap3A_566 = arith.index_cast %swap3A_564 : i32 to index
        %swap3A_567 = arith.index_cast %add3A_526 : i32 to index
        %swap3A_568 = arith.constant 32 : index
        %swap3A_569 = tpu.vector_load %arg8[%swap3A_565, %swap3A_566, %swap3A_567, %swap3A_568] {strides = array<i32>} : memref<4x1x200x64xf32, #tpu.memory_space<vmem>>, vector<1x1x1x16xf32>,
        %swap3A_570 = vector.shape_cast %swap3A_569 : vector<1x1x1x16xf32> to vector<16xf32>
        %swap3A_571 = vector.shape_cast %get3A_562 : vector<16xf32> to vector<1x1x1x16xf32>
        tpu.vector_store %arg8[%swap3A_565, %swap3A_566, %swap3A_567, %swap3A_568], %swap3A_571 {add = true, strides = array<i32>} : memref<4x1x200x64xf32, #tpu.memory_space<vmem>>, vector<1x1x1x16xf32>,
        %add3A_572 = arith.constant 1 : i32
        %add3A_573 = arith.addi %add3A_526, %add3A_572 : i32
        %get3A_574 = arith.index_cast %add3A_573 : i32 to index
        %get3A_575 = arith.constant 48 : index
        %get3A_576 = tpu.vector_load %arg6[%get3A_574, %get3A_575] {strides = array<i32>} : memref<256x64xf32, #tpu.memory_space<vmem>>, vector<1x16xf32>,
        %get3A_577 = vector.shape_cast %get3A_576 : vector<1x16xf32> to vector<16xf32>
        %swap3A_578 = arith.constant 2 : i32
        %swap3A_579 = arith.constant 0 : i32
        %swap3A_580 = arith.index_cast %swap3A_578 : i32 to index
        %swap3A_581 = arith.index_cast %swap3A_579 : i32 to index
        %swap3A_582 = arith.index_cast %add3A_526 : i32 to index
        %swap3A_583 = arith.constant 48 : index
        %swap3A_584 = tpu.vector_load %arg8[%swap3A_580, %swap3A_581, %swap3A_582, %swap3A_583] {strides = array<i32>} : memref<4x1x200x64xf32, #tpu.memory_space<vmem>>, vector<1x1x1x16xf32>,
        %swap3A_585 = vector.shape_cast %swap3A_584 : vector<1x1x1x16xf32> to vector<16xf32>
        %swap3A_586 = vector.shape_cast %get3A_577 : vector<16xf32> to vector<1x1x1x16xf32>
        tpu.vector_store %arg8[%swap3A_580, %swap3A_581, %swap3A_582, %swap3A_583], %swap3A_586 {add = true, strides = array<i32>} : memref<4x1x200x64xf32, #tpu.memory_space<vmem>>, vector<1x1x1x16xf32>,
        %add3A_587 = arith.constant 4 : i32
        %add3A_588 = arith.addi %mul3A_340, %add3A_587 : i32
        %add3A_589 = arith.constant 1 : i32
        %add3A_590 = arith.addi %add3A_588, %add3A_589 : i32
        %get3A_591 = arith.index_cast %add3A_590 : i32 to index
        %get3A_592 = arith.constant 0 : index
        %get3A_593 = tpu.vector_load %arg6[%get3A_591, %get3A_592] {strides = array<i32>} : memref<256x64xf32, #tpu.memory_space<vmem>>, vector<1x16xf32>,
        %get3A_594 = vector.shape_cast %get3A_593 : vector<1x16xf32> to vector<16xf32>
        %swap3A_595 = arith.constant 2 : i32
        %swap3A_596 = arith.constant 0 : i32
        %swap3A_597 = arith.index_cast %swap3A_595 : i32 to index
        %swap3A_598 = arith.index_cast %swap3A_596 : i32 to index
        %swap3A_599 = arith.index_cast %add3A_588 : i32 to index
        %swap3A_600 = arith.constant 0 : index
        %swap3A_601 = tpu.vector_load %arg8[%swap3A_597, %swap3A_598, %swap3A_599, %swap3A_600] {strides = array<i32>} : memref<4x1x200x64xf32, #tpu.memory_space<vmem>>, vector<1x1x1x16xf32>,
        %swap3A_602 = vector.shape_cast %swap3A_601 : vector<1x1x1x16xf32> to vector<16xf32>
        %swap3A_603 = vector.shape_cast %get3A_594 : vector<16xf32> to vector<1x1x1x16xf32>
        tpu.vector_store %arg8[%swap3A_597, %swap3A_598, %swap3A_599, %swap3A_600], %swap3A_603 {add = true, strides = array<i32>} : memref<4x1x200x64xf32, #tpu.memory_space<vmem>>, vector<1x1x1x16xf32>,
        %add3A_604 = arith.constant 1 : i32
        %add3A_605 = arith.addi %add3A_588, %add3A_604 : i32
        %get3A_606 = arith.index_cast %add3A_605 : i32 to index
        %get3A_607 = arith.constant 16 : index
        %get3A_608 = tpu.vector_load %arg6[%get3A_606, %get3A_607] {strides = array<i32>} : memref<256x64xf32, #tpu.memory_space<vmem>>, vector<1x16xf32>,
        %get3A_609 = vector.shape_cast %get3A_608 : vector<1x16xf32> to vector<16xf32>
        %swap3A_610 = arith.constant 2 : i32
        %swap3A_611 = arith.constant 0 : i32
        %swap3A_612 = arith.index_cast %swap3A_610 : i32 to index
        %swap3A_613 = arith.index_cast %swap3A_611 : i32 to index
        %swap3A_614 = arith.index_cast %add3A_588 : i32 to index
        %swap3A_615 = arith.constant 16 : index
        %swap3A_616 = tpu.vector_load %arg8[%swap3A_612, %swap3A_613, %swap3A_614, %swap3A_615] {strides = array<i32>} : memref<4x1x200x64xf32, #tpu.memory_space<vmem>>, vector<1x1x1x16xf32>,
        %swap3A_617 = vector.shape_cast %swap3A_616 : vector<1x1x1x16xf32> to vector<16xf32>
        %swap3A_618 = vector.shape_cast %get3A_609 : vector<16xf32> to vector<1x1x1x16xf32>
        tpu.vector_store %arg8[%swap3A_612, %swap3A_613, %swap3A_614, %swap3A_615], %swap3A_618 {add = true, strides = array<i32>} : memref<4x1x200x64xf32, #tpu.memory_space<vmem>>, vector<1x1x1x16xf32>,
        %add3A_619 = arith.constant 1 : i32
        %add3A_620 = arith.addi %add3A_588, %add3A_619 : i32
        %get3A_621 = arith.index_cast %add3A_620 : i32 to index
        %get3A_622 = arith.constant 32 : index
        %get3A_623 = tpu.vector_load %arg6[%get3A_621, %get3A_622] {strides = array<i32>} : memref<256x64xf32, #tpu.memory_space<vmem>>, vector<1x16xf32>,
        %get3A_624 = vector.shape_cast %get3A_623 : vector<1x16xf32> to vector<16xf32>
        %swap3A_625 = arith.constant 2 : i32
        %swap3A_626 = arith.constant 0 : i32
        %swap3A_627 = arith.index_cast %swap3A_625 : i32 to index
        %swap3A_628 = arith.index_cast %swap3A_626 : i32 to index
        %swap3A_629 = arith.index_cast %add3A_588 : i32 to index
        %swap3A_630 = arith.constant 32 : index
        %swap3A_631 = tpu.vector_load %arg8[%swap3A_627, %swap3A_628, %swap3A_629, %swap3A_630] {strides = array<i32>} : memref<4x1x200x64xf32, #tpu.memory_space<vmem>>, vector<1x1x1x16xf32>,
        %swap3A_632 = vector.shape_cast %swap3A_631 : vector<1x1x1x16xf32> to vector<16xf32>
        %swap3A_633 = vector.shape_cast %get3A_624 : vector<16xf32> to vector<1x1x1x16xf32>
        tpu.vector_store %arg8[%swap3A_627, %swap3A_628, %swap3A_629, %swap3A_630], %swap3A_633 {add = true, strides = array<i32>} : memref<4x1x200x64xf32, #tpu.memory_space<vmem>>, vector<1x1x1x16xf32>,
        %add3A_634 = arith.constant 1 : i32
        %add3A_635 = arith.addi %add3A_588, %add3A_634 : i32
        %get3A_636 = arith.index_cast %add3A_635 : i32 to index
        %get3A_637 = arith.constant 48 : index
        %get3A_638 = tpu.vector_load %arg6[%get3A_636, %get3A_637] {strides = array<i32>} : memref<256x64xf32, #tpu.memory_space<vmem>>, vector<1x16xf32>,
        %get3A_639 = vector.shape_cast %get3A_638 : vector<1x16xf32> to vector<16xf32>
        %swap3A_640 = arith.constant 2 : i32
        %swap3A_641 = arith.constant 0 : i32
        %swap3A_642 = arith.index_cast %swap3A_640 : i32 to index
        %swap3A_643 = arith.index_cast %swap3A_641 : i32 to index
        %swap3A_644 = arith.index_cast %add3A_588 : i32 to index
        %swap3A_645 = arith.constant 48 : index
        %swap3A_646 = tpu.vector_load %arg8[%swap3A_642, %swap3A_643, %swap3A_644, %swap3A_645] {strides = array<i32>} : memref<4x1x200x64xf32, #tpu.memory_space<vmem>>, vector<1x1x1x16xf32>,
        %swap3A_647 = vector.shape_cast %swap3A_646 : vector<1x1x1x16xf32> to vector<16xf32>
        %swap3A_648 = vector.shape_cast %get3A_639 : vector<16xf32> to vector<1x1x1x16xf32>
        tpu.vector_store %arg8[%swap3A_642, %swap3A_643, %swap3A_644, %swap3A_645], %swap3A_648 {add = true, strides = array<i32>} : memref<4x1x200x64xf32, #tpu.memory_space<vmem>>, vector<1x1x1x16xf32>,
        %add3A_649 = arith.constant 5 : i32
        %add3A_650 = arith.addi %mul3A_340, %add3A_649 : i32
        %add3A_651 = arith.constant 1 : i32
        %add3A_652 = arith.addi %add3A_650, %add3A_651 : i32
        %get3A_653 = arith.index_cast %add3A_652 : i32 to index
        %get3A_654 = arith.constant 0 : index
        %get3A_655 = tpu.vector_load %arg6[%get3A_653, %get3A_654] {strides = array<i32>} : memref<256x64xf32, #tpu.memory_space<vmem>>, vector<1x16xf32>,
        %get3A_656 = vector.shape_cast %get3A_655 : vector<1x16xf32> to vector<16xf32>
        %swap3A_657 = arith.constant 2 : i32
        %swap3A_658 = arith.constant 0 : i32
        %swap3A_659 = arith.index_cast %swap3A_657 : i32 to index
        %swap3A_660 = arith.index_cast %swap3A_658 : i32 to index
        %swap3A_661 = arith.index_cast %add3A_650 : i32 to index
        %swap3A_662 = arith.constant 0 : index
        %swap3A_663 = tpu.vector_load %arg8[%swap3A_659, %swap3A_660, %swap3A_661, %swap3A_662] {strides = array<i32>} : memref<4x1x200x64xf32, #tpu.memory_space<vmem>>, vector<1x1x1x16xf32>,
        %swap3A_664 = vector.shape_cast %swap3A_663 : vector<1x1x1x16xf32> to vector<16xf32>
        %swap3A_665 = vector.shape_cast %get3A_656 : vector<16xf32> to vector<1x1x1x16xf32>
        tpu.vector_store %arg8[%swap3A_659, %swap3A_660, %swap3A_661, %swap3A_662], %swap3A_665 {add = true, strides = array<i32>} : memref<4x1x200x64xf32, #tpu.memory_space<vmem>>, vector<1x1x1x16xf32>,
        %add3A_666 = arith.constant 1 : i32
        %add3A_667 = arith.addi %add3A_650, %add3A_666 : i32
        %get3A_668 = arith.index_cast %add3A_667 : i32 to index
        %get3A_669 = arith.constant 16 : index
        %get3A_670 = tpu.vector_load %arg6[%get3A_668, %get3A_669] {strides = array<i32>} : memref<256x64xf32, #tpu.memory_space<vmem>>, vector<1x16xf32>,
        %get3A_671 = vector.shape_cast %get3A_670 : vector<1x16xf32> to vector<16xf32>
        %swap3A_672 = arith.constant 2 : i32
        %swap3A_673 = arith.constant 0 : i32
        %swap3A_674 = arith.index_cast %swap3A_672 : i32 to index
        %swap3A_675 = arith.index_cast %swap3A_673 : i32 to index
        %swap3A_676 = arith.index_cast %add3A_650 : i32 to index
        %swap3A_677 = arith.constant 16 : index
        %swap3A_678 = tpu.vector_load %arg8[%swap3A_674, %swap3A_675, %swap3A_676, %swap3A_677] {strides = array<i32>} : memref<4x1x200x64xf32, #tpu.memory_space<vmem>>, vector<1x1x1x16xf32>,
        %swap3A_679 = vector.shape_cast %swap3A_678 : vector<1x1x1x16xf32> to vector<16xf32>
        %swap3A_680 = vector.shape_cast %get3A_671 : vector<16xf32> to vector<1x1x1x16xf32>
        tpu.vector_store %arg8[%swap3A_674, %swap3A_675, %swap3A_676, %swap3A_677], %swap3A_680 {add = true, strides = array<i32>} : memref<4x1x200x64xf32, #tpu.memory_space<vmem>>, vector<1x1x1x16xf32>,
        %add3A_681 = arith.constant 1 : i32
        %add3A_682 = arith.addi %add3A_650, %add3A_681 : i32
        %get3A_683 = arith.index_cast %add3A_682 : i32 to index
        %get3A_684 = arith.constant 32 : index
        %get3A_685 = tpu.vector_load %arg6[%get3A_683, %get3A_684] {strides = array<i32>} : memref<256x64xf32, #tpu.memory_space<vmem>>, vector<1x16xf32>,
        %get3A_686 = vector.shape_cast %get3A_685 : vector<1x16xf32> to vector<16xf32>
        %swap3A_687 = arith.constant 2 : i32
        %swap3A_688 = arith.constant 0 : i32
        %swap3A_689 = arith.index_cast %swap3A_687 : i32 to index
        %swap3A_690 = arith.index_cast %swap3A_688 : i32 to index
        %swap3A_691 = arith.index_cast %add3A_650 : i32 to index
        %swap3A_692 = arith.constant 32 : index
        %swap3A_693 = tpu.vector_load %arg8[%swap3A_689, %swap3A_690, %swap3A_691, %swap3A_692] {strides = array<i32>} : memref<4x1x200x64xf32, #tpu.memory_space<vmem>>, vector<1x1x1x16xf32>,
        %swap3A_694 = vector.shape_cast %swap3A_693 : vector<1x1x1x16xf32> to vector<16xf32>
        %swap3A_695 = vector.shape_cast %get3A_686 : vector<16xf32> to vector<1x1x1x16xf32>
        tpu.vector_store %arg8[%swap3A_689, %swap3A_690, %swap3A_691, %swap3A_692], %swap3A_695 {add = true, strides = array<i32>} : memref<4x1x200x64xf32, #tpu.memory_space<vmem>>, vector<1x1x1x16xf32>,
        %add3A_696 = arith.constant 1 : i32
        %add3A_697 = arith.addi %add3A_650, %add3A_696 : i32
        %get3A_698 = arith.index_cast %add3A_697 : i32 to index
        %get3A_699 = arith.constant 48 : index
        %get3A_700 = tpu.vector_load %arg6[%get3A_698, %get3A_699] {strides = array<i32>} : memref<256x64xf32, #tpu.memory_space<vmem>>, vector<1x16xf32>,
        %get3A_701 = vector.shape_cast %get3A_700 : vector<1x16xf32> to vector<16xf32>
        %swap3A_702 = arith.constant 2 : i32
        %swap3A_703 = arith.constant 0 : i32
        %swap3A_704 = arith.index_cast %swap3A_702 : i32 to index
        %swap3A_705 = arith.index_cast %swap3A_703 : i32 to index
        %swap3A_706 = arith.index_cast %add3A_650 : i32 to index
        %swap3A_707 = arith.constant 48 : index
        %swap3A_708 = tpu.vector_load %arg8[%swap3A_704, %swap3A_705, %swap3A_706, %swap3A_707] {strides = array<i32>} : memref<4x1x200x64xf32, #tpu.memory_space<vmem>>, vector<1x1x1x16xf32>,
        %swap3A_709 = vector.shape_cast %swap3A_708 : vector<1x1x1x16xf32> to vector<16xf32>
        %swap3A_710 = vector.shape_cast %get3A_701 : vector<16xf32> to vector<1x1x1x16xf32>
        tpu.vector_store %arg8[%swap3A_704, %swap3A_705, %swap3A_706, %swap3A_707], %swap3A_710 {add = true, strides = array<i32>} : memref<4x1x200x64xf32, #tpu.memory_space<vmem>>, vector<1x1x1x16xf32>,
        %add3A_711 = arith.constant 6 : i32
        %add3A_712 = arith.addi %mul3A_340, %add3A_711 : i32
        %add3A_713 = arith.constant 1 : i32
        %add3A_714 = arith.addi %add3A_712, %add3A_713 : i32
        %get3A_715 = arith.index_cast %add3A_714 : i32 to index
        %get3A_716 = arith.constant 0 : index
        %get3A_717 = tpu.vector_load %arg6[%get3A_715, %get3A_716] {strides = array<i32>} : memref<256x64xf32, #tpu.memory_space<vmem>>, vector<1x16xf32>,
        %get3A_718 = vector.shape_cast %get3A_717 : vector<1x16xf32> to vector<16xf32>
        %swap3A_719 = arith.constant 2 : i32
        %swap3A_720 = arith.constant 0 : i32
        %swap3A_721 = arith.index_cast %swap3A_719 : i32 to index
        %swap3A_722 = arith.index_cast %swap3A_720 : i32 to index
        %swap3A_723 = arith.index_cast %add3A_712 : i32 to index
        %swap3A_724 = arith.constant 0 : index
        %swap3A_725 = tpu.vector_load %arg8[%swap3A_721, %swap3A_722, %swap3A_723, %swap3A_724] {strides = array<i32>} : memref<4x1x200x64xf32, #tpu.memory_space<vmem>>, vector<1x1x1x16xf32>,
        %swap3A_726 = vector.shape_cast %swap3A_725 : vector<1x1x1x16xf32> to vector<16xf32>
        %swap3A_727 = vector.shape_cast %get3A_718 : vector<16xf32> to vector<1x1x1x16xf32>
        tpu.vector_store %arg8[%swap3A_721, %swap3A_722, %swap3A_723, %swap3A_724], %swap3A_727 {add = true, strides = array<i32>} : memref<4x1x200x64xf32, #tpu.memory_space<vmem>>, vector<1x1x1x16xf32>,
        %add3A_728 = arith.constant 1 : i32
        %add3A_729 = arith.addi %add3A_712, %add3A_728 : i32
        %get3A_730 = arith.index_cast %add3A_729 : i32 to index
        %get3A_731 = arith.constant 16 : index
        %get3A_732 = tpu.vector_load %arg6[%get3A_730, %get3A_731] {strides = array<i32>} : memref<256x64xf32, #tpu.memory_space<vmem>>, vector<1x16xf32>,
        %get3A_733 = vector.shape_cast %get3A_732 : vector<1x16xf32> to vector<16xf32>
        %swap3A_734 = arith.constant 2 : i32
        %swap3A_735 = arith.constant 0 : i32
        %swap3A_736 = arith.index_cast %swap3A_734 : i32 to index
        %swap3A_737 = arith.index_cast %swap3A_735 : i32 to index
        %swap3A_738 = arith.index_cast %add3A_712 : i32 to index
        %swap3A_739 = arith.constant 16 : index
        %swap3A_740 = tpu.vector_load %arg8[%swap3A_736, %swap3A_737, %swap3A_738, %swap3A_739] {strides = array<i32>} : memref<4x1x200x64xf32, #tpu.memory_space<vmem>>, vector<1x1x1x16xf32>,
        %swap3A_741 = vector.shape_cast %swap3A_740 : vector<1x1x1x16xf32> to vector<16xf32>
        %swap3A_742 = vector.shape_cast %get3A_733 : vector<16xf32> to vector<1x1x1x16xf32>
        tpu.vector_store %arg8[%swap3A_736, %swap3A_737, %swap3A_738, %swap3A_739], %swap3A_742 {add = true, strides = array<i32>} : memref<4x1x200x64xf32, #tpu.memory_space<vmem>>, vector<1x1x1x16xf32>,
        %add3A_743 = arith.constant 1 : i32
        %add3A_744 = arith.addi %add3A_712, %add3A_743 : i32
        %get3A_745 = arith.index_cast %add3A_744 : i32 to index
        %get3A_746 = arith.constant 32 : index
        %get3A_747 = tpu.vector_load %arg6[%get3A_745, %get3A_746] {strides = array<i32>} : memref<256x64xf32, #tpu.memory_space<vmem>>, vector<1x16xf32>,
        %get3A_748 = vector.shape_cast %get3A_747 : vector<1x16xf32> to vector<16xf32>
        %swap3A_749 = arith.constant 2 : i32
        %swap3A_750 = arith.constant 0 : i32
        %swap3A_751 = arith.index_cast %swap3A_749 : i32 to index
        %swap3A_752 = arith.index_cast %swap3A_750 : i32 to index
        %swap3A_753 = arith.index_cast %add3A_712 : i32 to index
        %swap3A_754 = arith.constant 32 : index
        %swap3A_755 = tpu.vector_load %arg8[%swap3A_751, %swap3A_752, %swap3A_753, %swap3A_754] {strides = array<i32>} : memref<4x1x200x64xf32, #tpu.memory_space<vmem>>, vector<1x1x1x16xf32>,
        %swap3A_756 = vector.shape_cast %swap3A_755 : vector<1x1x1x16xf32> to vector<16xf32>
        %swap3A_757 = vector.shape_cast %get3A_748 : vector<16xf32> to vector<1x1x1x16xf32>
        tpu.vector_store %arg8[%swap3A_751, %swap3A_752, %swap3A_753, %swap3A_754], %swap3A_757 {add = true, strides = array<i32>} : memref<4x1x200x64xf32, #tpu.memory_space<vmem>>, vector<1x1x1x16xf32>,
        %add3A_758 = arith.constant 1 : i32
        %add3A_759 = arith.addi %add3A_712, %add3A_758 : i32
        %get3A_760 = arith.index_cast %add3A_759 : i32 to index
        %get3A_761 = arith.constant 48 : index
        %get3A_762 = tpu.vector_load %arg6[%get3A_760, %get3A_761] {strides = array<i32>} : memref<256x64xf32, #tpu.memory_space<vmem>>, vector<1x16xf32>,
        %get3A_763 = vector.shape_cast %get3A_762 : vector<1x16xf32> to vector<16xf32>
        %swap3A_764 = arith.constant 2 : i32
        %swap3A_765 = arith.constant 0 : i32
        %swap3A_766 = arith.index_cast %swap3A_764 : i32 to index
        %swap3A_767 = arith.index_cast %swap3A_765 : i32 to index
        %swap3A_768 = arith.index_cast %add3A_712 : i32 to index
        %swap3A_769 = arith.constant 48 : index
        %swap3A_770 = tpu.vector_load %arg8[%swap3A_766, %swap3A_767, %swap3A_768, %swap3A_769] {strides = array<i32>} : memref<4x1x200x64xf32, #tpu.memory_space<vmem>>, vector<1x1x1x16xf32>,
        %swap3A_771 = vector.shape_cast %swap3A_770 : vector<1x1x1x16xf32> to vector<16xf32>
        %swap3A_772 = vector.shape_cast %get3A_763 : vector<16xf32> to vector<1x1x1x16xf32>
        tpu.vector_store %arg8[%swap3A_766, %swap3A_767, %swap3A_768, %swap3A_769], %swap3A_772 {add = true, strides = array<i32>} : memref<4x1x200x64xf32, #tpu.memory_space<vmem>>, vector<1x1x1x16xf32>,
        %add3A_773 = arith.constant 7 : i32
        %add3A_774 = arith.addi %mul3A_340, %add3A_773 : i32
        %add3A_775 = arith.constant 1 : i32
        %add3A_776 = arith.addi %add3A_774, %add3A_775 : i32
        %get3A_777 = arith.index_cast %add3A_776 : i32 to index
        %get3A_778 = arith.constant 0 : index
        %get3A_779 = tpu.vector_load %arg6[%get3A_777, %get3A_778] {strides = array<i32>} : memref<256x64xf32, #tpu.memory_space<vmem>>, vector<1x16xf32>,
        %get3A_780 = vector.shape_cast %get3A_779 : vector<1x16xf32> to vector<16xf32>
        %swap3A_781 = arith.constant 2 : i32
        %swap3A_782 = arith.constant 0 : i32
        %swap3A_783 = arith.index_cast %swap3A_781 : i32 to index
        %swap3A_784 = arith.index_cast %swap3A_782 : i32 to index
        %swap3A_785 = arith.index_cast %add3A_774 : i32 to index
        %swap3A_786 = arith.constant 0 : index
        %swap3A_787 = tpu.vector_load %arg8[%swap3A_783, %swap3A_784, %swap3A_785, %swap3A_786] {strides = array<i32>} : memref<4x1x200x64xf32, #tpu.memory_space<vmem>>, vector<1x1x1x16xf32>,
        %swap3A_788 = vector.shape_cast %swap3A_787 : vector<1x1x1x16xf32> to vector<16xf32>
        %swap3A_789 = vector.shape_cast %get3A_780 : vector<16xf32> to vector<1x1x1x16xf32>
        tpu.vector_store %arg8[%swap3A_783, %swap3A_784, %swap3A_785, %swap3A_786], %swap3A_789 {add = true, strides = array<i32>} : memref<4x1x200x64xf32, #tpu.memory_space<vmem>>, vector<1x1x1x16xf32>,
        %add3A_790 = arith.constant 1 : i32
        %add3A_791 = arith.addi %add3A_774, %add3A_790 : i32
        %get3A_792 = arith.index_cast %add3A_791 : i32 to index
        %get3A_793 = arith.constant 16 : index
        %get3A_794 = tpu.vector_load %arg6[%get3A_792, %get3A_793] {strides = array<i32>} : memref<256x64xf32, #tpu.memory_space<vmem>>, vector<1x16xf32>,
        %get3A_795 = vector.shape_cast %get3A_794 : vector<1x16xf32> to vector<16xf32>
        %swap3A_796 = arith.constant 2 : i32
        %swap3A_797 = arith.constant 0 : i32
        %swap3A_798 = arith.index_cast %swap3A_796 : i32 to index
        %swap3A_799 = arith.index_cast %swap3A_797 : i32 to index
        %swap3A_800 = arith.index_cast %add3A_774 : i32 to index
        %swap3A_801 = arith.constant 16 : index
        %swap3A_802 = tpu.vector_load %arg8[%swap3A_798, %swap3A_799, %swap3A_800, %swap3A_801] {strides = array<i32>} : memref<4x1x200x64xf32, #tpu.memory_space<vmem>>, vector<1x1x1x16xf32>,
        %swap3A_803 = vector.shape_cast %swap3A_802 : vector<1x1x1x16xf32> to vector<16xf32>
        %swap3A_804 = vector.shape_cast %get3A_795 : vector<16xf32> to vector<1x1x1x16xf32>
        tpu.vector_store %arg8[%swap3A_798, %swap3A_799, %swap3A_800, %swap3A_801], %swap3A_804 {add = true, strides = array<i32>} : memref<4x1x200x64xf32, #tpu.memory_space<vmem>>, vector<1x1x1x16xf32>,
        %add3A_805 = arith.constant 1 : i32
        %add3A_806 = arith.addi %add3A_774, %add3A_805 : i32
        %get3A_807 = arith.index_cast %add3A_806 : i32 to index
        %get3A_808 = arith.constant 32 : index
        %get3A_809 = tpu.vector_load %arg6[%get3A_807, %get3A_808] {strides = array<i32>} : memref<256x64xf32, #tpu.memory_space<vmem>>, vector<1x16xf32>,
        %get3A_810 = vector.shape_cast %get3A_809 : vector<1x16xf32> to vector<16xf32>
        %swap3A_811 = arith.constant 2 : i32
        %swap3A_812 = arith.constant 0 : i32
        %swap3A_813 = arith.index_cast %swap3A_811 : i32 to index
        %swap3A_814 = arith.index_cast %swap3A_812 : i32 to index
        %swap3A_815 = arith.index_cast %add3A_774 : i32 to index
        %swap3A_816 = arith.constant 32 : index
        %swap3A_817 = tpu.vector_load %arg8[%swap3A_813, %swap3A_814, %swap3A_815, %swap3A_816] {strides = array<i32>} : memref<4x1x200x64xf32, #tpu.memory_space<vmem>>, vector<1x1x1x16xf32>,
        %swap3A_818 = vector.shape_cast %swap3A_817 : vector<1x1x1x16xf32> to vector<16xf32>
        %swap3A_819 = vector.shape_cast %get3A_810 : vector<16xf32> to vector<1x1x1x16xf32>
        tpu.vector_store %arg8[%swap3A_813, %swap3A_814, %swap3A_815, %swap3A_816], %swap3A_819 {add = true, strides = array<i32>} : memref<4x1x200x64xf32, #tpu.memory_space<vmem>>, vector<1x1x1x16xf32>,
        %add3A_820 = arith.constant 1 : i32
        %add3A_821 = arith.addi %add3A_774, %add3A_820 : i32
        %get3A_822 = arith.index_cast %add3A_821 : i32 to index
        %get3A_823 = arith.constant 48 : index
        %get3A_824 = tpu.vector_load %arg6[%get3A_822, %get3A_823] {strides = array<i32>} : memref<256x64xf32, #tpu.memory_space<vmem>>, vector<1x16xf32>,
        %get3A_825 = vector.shape_cast %get3A_824 : vector<1x16xf32> to vector<16xf32>
        %swap3A_826 = arith.constant 2 : i32
        %swap3A_827 = arith.constant 0 : i32
        %swap3A_828 = arith.index_cast %swap3A_826 : i32 to index
        %swap3A_829 = arith.index_cast %swap3A_827 : i32 to index
        %swap3A_830 = arith.index_cast %add3A_774 : i32 to index
        %swap3A_831 = arith.constant 48 : index
        %swap3A_832 = tpu.vector_load %arg8[%swap3A_828, %swap3A_829, %swap3A_830, %swap3A_831] {strides = array<i32>} : memref<4x1x200x64xf32, #tpu.memory_space<vmem>>, vector<1x1x1x16xf32>,
        %swap3A_833 = vector.shape_cast %swap3A_832 : vector<1x1x1x16xf32> to vector<16xf32>
        %swap3A_834 = vector.shape_cast %get3A_825 : vector<16xf32> to vector<1x1x1x16xf32>
        tpu.vector_store %arg8[%swap3A_828, %swap3A_829, %swap3A_830, %swap3A_831], %swap3A_834 {add = true, strides = array<i32>} : memref<4x1x200x64xf32, #tpu.memory_space<vmem>>, vector<1x1x1x16xf32>,
      }
      %scan3A_262 = arith.constant 25 : i32
      %mul3A_263 = arith.constant 1 : i32
      %mul3A_264 = arith.muli %add3A_231, %mul3A_263 : i32
      %add3A_265 = arith.addi %mul3A_2, %mul3A_264 : i32
      %dma_start3A_266 = arith.constant 2 : i32
      %dma_start3A_267 = arith.constant 0 : i32
      %dma_start3A_268 = arith.constant 0 : i32
      %dma_start3A_269 = arith.constant 0 : i32
      %dma_start3A_270 = tpu.memref_slice %arg8[%dma_start3A_266, %dma_start3A_267, %dma_start3A_268, %dma_start3A_269] : memref<4x1x200x64xf32, #tpu.memory_space<vmem>> -> memref<1x1x200x64xf32, #tpu.memory_space<vmem>>
      %dma_start3A_271 = tpu.memref_squeeze %dma_start3A_270 : memref<1x1x200x64xf32, #tpu.memory_space<vmem>> -> memref<1x200x64xf32, #tpu.memory_space<vmem>>
      %dma_start3A_272 = arith.constant 0 : i32
      %dma_start3A_273 = arith.constant 0 : i32
      %dma_start3A_274 = tpu.memref_slice %arg5[%add3A_265, %dma_start3A_272, %dma_start3A_273] : memref<4096x200x64xf32, #tpu.memory_space<hbm>> -> memref<1x200x64xf32, #tpu.memory_space<hbm>>
      %dma_start3A_275 = arith.constant 0 : i32
      %dma_start3A_276 = arith.constant 0 : i32
      %dma_start3A_277 = tpu.memref_slice %arg5[%add3A_265, %dma_start3A_275, %dma_start3A_276] : memref<4096x200x64xf32, #tpu.memory_space<hbm>> -> memref<1x200x64xf32, #tpu.memory_space<hbm>>
      %dma_start3A_278 = arith.constant 0 : i32
      %dma_start3A_279 = arith.constant 0 : i32
      %dma_start3A_280 = arith.constant 0 : i32
      %dma_start3A_281 = tpu.memref_slice %arg8[%dma_start3A_266, %dma_start3A_278, %dma_start3A_279, %dma_start3A_280] : memref<4x1x200x64xf32, #tpu.memory_space<vmem>> -> memref<1x1x200x64xf32, #tpu.memory_space<vmem>>
      %dma_start3A_282 = tpu.memref_squeeze %dma_start3A_281 : memref<1x1x200x64xf32, #tpu.memory_space<vmem>> -> memref<1x200x64xf32, #tpu.memory_space<vmem>>
      tpu.enqueue_dma source(%dma_start3A_282 : memref<1x200x64xf32, #tpu.memory_space<vmem>>) target(%dma_start3A_277 : memref<1x200x64xf32, #tpu.memory_space<hbm>>) target_semaphore(%arg15 : memref<!tpu.dma_semaphore, #tpu.memory_space<semaphore_mem>>)
      %mul3A_283 = arith.constant 4 : i32
      %mul3A_284 = arith.muli %mul3A_283, %scan3A_121 : i32
      %add3A_285 = arith.constant 3 : i32
      %add3A_286 = arith.addi %mul3A_284, %add3A_285 : i32
      %add3A_287 = arith.constant 4 : i32
      %add3A_288 = arith.addi %add3A_286, %add3A_287 : i32
      %sub3A_289 = arith.constant 1 : i32
      %sub3A_290 = arith.subi %add3A_288, %sub3A_289 : i32
      %lt3A_291 = arith.constant 128 : i32
      %lt3A_292 = arith.cmpi slt, %sub3A_290, %lt3A_291 : i32
      %convert_element_type3A_293 = arith.extui %lt3A_292 : i1 to i32
      %cond3A_294 = arith.constant 0 : i32
      %cond3A_295 = arith.cmpi ne, %convert_element_type3A_293, %cond3A_294 : i32
      scf.if %cond3A_295 {
        %ge3A = arith.constant 1 : i32
        %ge3A_338 = arith.cmpi sge, %add3A_286, %ge3A : i32
        %convert_element_type3A_339 = arith.extui %ge3A_338 : i1 to i32
        %cond3A_340 = arith.constant 0 : i32
        %cond3A_341 = arith.cmpi ne, %convert_element_type3A_339, %cond3A_340 : i32
        scf.if %cond3A_341 {
          %sub3A_362 = arith.constant 1 : i32
          %sub3A_363 = arith.subi %add3A_286, %sub3A_362 : i32
          %mul3A_364 = arith.constant 1 : i32
          %mul3A_365 = arith.muli %sub3A_363, %mul3A_364 : i32
          %add3A_366 = arith.addi %mul3A_2, %mul3A_365 : i32
          %dma_wait3A_367 = arith.constant 2 : i32
          %dma_wait3A_368 = arith.constant 0 : i32
          %dma_wait3A_369 = arith.constant 0 : i32
          %dma_wait3A_370 = arith.constant 0 : i32
          %dma_wait3A_371 = tpu.memref_slice %arg8[%dma_wait3A_367, %dma_wait3A_368, %dma_wait3A_369, %dma_wait3A_370] : memref<4x1x200x64xf32, #tpu.memory_space<vmem>> -> memref<1x1x200x64xf32, #tpu.memory_space<vmem>>
          %dma_wait3A_372 = tpu.memref_squeeze %dma_wait3A_371 : memref<1x1x200x64xf32, #tpu.memory_space<vmem>> -> memref<1x200x64xf32, #tpu.memory_space<vmem>>
          %dma_wait3A_373 = arith.constant 0 : i32
          %dma_wait3A_374 = arith.constant 0 : i32
          %dma_wait3A_375 = tpu.memref_slice %arg5[%add3A_366, %dma_wait3A_373, %dma_wait3A_374] : memref<4096x200x64xf32, #tpu.memory_space<hbm>> -> memref<1x200x64xf32, #tpu.memory_space<hbm>>
          %dma_wait3A_376 = arith.constant 0 : i32
          %dma_wait3A_377 = arith.constant 0 : i32
          %dma_wait3A_378 = tpu.memref_slice %arg5[%add3A_366, %dma_wait3A_376, %dma_wait3A_377] : memref<4096x200x64xf32, #tpu.memory_space<hbm>> -> memref<1x200x64xf32, #tpu.memory_space<hbm>>
          %dma_wait3A_379 = arith.constant 0 : i32
          %dma_wait3A_380 = arith.constant 0 : i32
          %dma_wait3A_381 = arith.constant 0 : i32
          %dma_wait3A_382 = tpu.memref_slice %arg8[%dma_wait3A_367, %dma_wait3A_379, %dma_wait3A_380, %dma_wait3A_381] : memref<4x1x200x64xf32, #tpu.memory_space<vmem>> -> memref<1x1x200x64xf32, #tpu.memory_space<vmem>>
          %dma_wait3A_383 = tpu.memref_squeeze %dma_wait3A_382 : memref<1x1x200x64xf32, #tpu.memory_space<vmem>> -> memref<1x200x64xf32, #tpu.memory_space<vmem>>
          tpu.wait_dma2 semaphore(%arg15 : memref<!tpu.dma_semaphore, #tpu.memory_space<semaphore_mem>>) src(%dma_wait3A_383 : memref<1x200x64xf32, #tpu.memory_space<vmem>>) dst(%dma_wait3A_378 : memref<1x200x64xf32, #tpu.memory_space<hbm>>)
        } else {
        }
        %add3A_342 = arith.constant 4 : i32
        %add3A_343 = arith.addi %add3A_286, %add3A_342 : i32
        %sub3A_344 = arith.constant 1 : i32
        %sub3A_345 = arith.subi %add3A_343, %sub3A_344 : i32
        %mul3A_346 = arith.constant 1 : i32
        %mul3A_347 = arith.muli %sub3A_345, %mul3A_346 : i32
        %add3A_348 = arith.constant 0 : i32
        %add3A_349 = arith.addi %mul3A_347, %add3A_348 : i32
        %dma_start3A_350 = arith.constant 2 : i32
        %dma_start3A_351 = arith.constant 0 : i32
        %dma_start3A_352 = arith.constant 0 : i32
        %dma_start3A_353 = arith.constant 0 : i32
        %dma_start3A_354 = tpu.memref_slice %arg8[%dma_start3A_350, %dma_start3A_351, %dma_start3A_352, %dma_start3A_353] : memref<4x1x200x64xf32, #tpu.memory_space<vmem>> -> memref<1x1x200x64xf32, #tpu.memory_space<vmem>>
        %dma_start3A_355 = tpu.memref_squeeze %dma_start3A_354 : memref<1x1x200x64xf32, #tpu.memory_space<vmem>> -> memref<200x64xf32, #tpu.memory_space<vmem>>
        %dma_start3A_356 = arith.constant 0 : i32
        %dma_start3A_357 = tpu.memref_slice %arg7[%add3A_349, %dma_start3A_356] : memref<128x200xi32, #tpu.memory_space<vmem>> -> memref<1x200xi32, #tpu.memory_space<vmem>>
        %dma_start3A_358 = tpu.memref_squeeze %dma_start3A_357 : memref<1x200xi32, #tpu.memory_space<vmem>> -> memref<200xi32, #tpu.memory_space<vmem>>
        %dma_start3A_359 = arith.constant 0 : i32
        %dma_start3A_360 = arith.constant 0 : i32
        %dma_start3A_361 = tpu.memref_slice %arg3[%dma_start3A_359, %dma_start3A_360] : memref<1000000x64xf32, #tpu.memory_space<hbm>> -> memref<1000000x64xf32, #tpu.memory_space<hbm>>
        tpu.enqueue_indirect_dma source(%dma_start3A_361 : memref<1000000x64xf32, #tpu.memory_space<hbm>>) target(%dma_start3A_355 : memref<200x64xf32, #tpu.memory_space<vmem>>) offsets(%dma_start3A_358 : memref<200xi32, #tpu.memory_space<vmem>>) semaphore(%arg11 : memref<!tpu.dma_semaphore, #tpu.memory_space<semaphore_mem>>)
      } else {
      }
      %mul3A_296 = arith.constant 1 : i32
      %mul3A_297 = arith.muli %add3A_286, %mul3A_296 : i32
      %add3A_298 = arith.constant 0 : i32
      %add3A_299 = arith.addi %mul3A_297, %add3A_298 : i32
      %dma_wait3A_300 = arith.constant 3 : i32
      %dma_wait3A_301 = arith.constant 0 : i32
      %dma_wait3A_302 = arith.constant 0 : i32
      %dma_wait3A_303 = arith.constant 0 : i32
      %dma_wait3A_304 = tpu.memref_slice %arg8[%dma_wait3A_300, %dma_wait3A_301, %dma_wait3A_302, %dma_wait3A_303] : memref<4x1x200x64xf32, #tpu.memory_space<vmem>> -> memref<1x1x200x64xf32, #tpu.memory_space<vmem>>
      %dma_wait3A_305 = tpu.memref_squeeze %dma_wait3A_304 : memref<1x1x200x64xf32, #tpu.memory_space<vmem>> -> memref<200x64xf32, #tpu.memory_space<vmem>>
      %dma_wait3A_306 = arith.constant 0 : i32
      %dma_wait3A_307 = tpu.memref_slice %arg7[%add3A_299, %dma_wait3A_306] : memref<128x200xi32, #tpu.memory_space<vmem>> -> memref<1x200xi32, #tpu.memory_space<vmem>>
      %dma_wait3A_308 = tpu.memref_squeeze %dma_wait3A_307 : memref<1x200xi32, #tpu.memory_space<vmem>> -> memref<200xi32, #tpu.memory_space<vmem>>
      %dma_wait3A_309 = arith.constant 0 : i32
      %dma_wait3A_310 = arith.constant 0 : i32
      %dma_wait3A_311 = tpu.memref_slice %arg3[%dma_wait3A_309, %dma_wait3A_310] : memref<1000000x64xf32, #tpu.memory_space<hbm>> -> memref<1000000x64xf32, #tpu.memory_space<hbm>>
      tpu.wait_indirect_dma semaphore(%arg12 : memref<!tpu.dma_semaphore, #tpu.memory_space<semaphore_mem>>) src(%dma_wait3A_311 : memref<1000000x64xf32, #tpu.memory_space<hbm>>) dst(%dma_wait3A_305 : memref<200x64xf32, #tpu.memory_space<vmem>>)
      %scan3A_312 = arith.constant 0 : i32
      %scan3A_313 = arith.constant 0 : i32
      %scan3A_314 = arith.constant 25 : i32
      %scan3A_315 = arith.addi %scan3A_313, %scan3A_314 : i32
      %scan3A_316 = arith.constant 1 : i32
      scf.for %scan3A_338 = %scan3A_313 to %scan3A_315 step %scan3A_316  : i32 {
        %mul3A_339 = arith.constant 8 : i32
        %mul3A_340 = arith.muli %scan3A_338, %mul3A_339 : i32
        %add3A_341 = arith.constant 0 : i32
        %add3A_342 = arith.addi %mul3A_340, %add3A_341 : i32
        %add3A_343 = arith.constant 1 : i32
        %add3A_344 = arith.addi %add3A_342, %add3A_343 : i32
        %get3A = arith.index_cast %add3A_344 : i32 to index
        %get3A_345 = arith.constant 0 : index
        %get3A_346 = tpu.vector_load %arg6[%get3A, %get3A_345] {strides = array<i32>} : memref<256x64xf32, #tpu.memory_space<vmem>>, vector<1x16xf32>,
        %get3A_347 = vector.shape_cast %get3A_346 : vector<1x16xf32> to vector<16xf32>
        %swap3A = arith.constant 3 : i32
        %swap3A_348 = arith.constant 0 : i32
        %swap3A_349 = arith.index_cast %swap3A : i32 to index
        %swap3A_350 = arith.index_cast %swap3A_348 : i32 to index
        %swap3A_351 = arith.index_cast %add3A_342 : i32 to index
        %swap3A_352 = arith.constant 0 : index
        %swap3A_353 = tpu.vector_load %arg8[%swap3A_349, %swap3A_350, %swap3A_351, %swap3A_352] {strides = array<i32>} : memref<4x1x200x64xf32, #tpu.memory_space<vmem>>, vector<1x1x1x16xf32>,
        %swap3A_354 = vector.shape_cast %swap3A_353 : vector<1x1x1x16xf32> to vector<16xf32>
        %swap3A_355 = vector.shape_cast %get3A_347 : vector<16xf32> to vector<1x1x1x16xf32>
        tpu.vector_store %arg8[%swap3A_349, %swap3A_350, %swap3A_351, %swap3A_352], %swap3A_355 {add = true, strides = array<i32>} : memref<4x1x200x64xf32, #tpu.memory_space<vmem>>, vector<1x1x1x16xf32>,
        %add3A_356 = arith.constant 1 : i32
        %add3A_357 = arith.addi %add3A_342, %add3A_356 : i32
        %get3A_358 = arith.index_cast %add3A_357 : i32 to index
        %get3A_359 = arith.constant 16 : index
        %get3A_360 = tpu.vector_load %arg6[%get3A_358, %get3A_359] {strides = array<i32>} : memref<256x64xf32, #tpu.memory_space<vmem>>, vector<1x16xf32>,
        %get3A_361 = vector.shape_cast %get3A_360 : vector<1x16xf32> to vector<16xf32>
        %swap3A_362 = arith.constant 3 : i32
        %swap3A_363 = arith.constant 0 : i32
        %swap3A_364 = arith.index_cast %swap3A_362 : i32 to index
        %swap3A_365 = arith.index_cast %swap3A_363 : i32 to index
        %swap3A_366 = arith.index_cast %add3A_342 : i32 to index
        %swap3A_367 = arith.constant 16 : index
        %swap3A_368 = tpu.vector_load %arg8[%swap3A_364, %swap3A_365, %swap3A_366, %swap3A_367] {strides = array<i32>} : memref<4x1x200x64xf32, #tpu.memory_space<vmem>>, vector<1x1x1x16xf32>,
        %swap3A_369 = vector.shape_cast %swap3A_368 : vector<1x1x1x16xf32> to vector<16xf32>
        %swap3A_370 = vector.shape_cast %get3A_361 : vector<16xf32> to vector<1x1x1x16xf32>
        tpu.vector_store %arg8[%swap3A_364, %swap3A_365, %swap3A_366, %swap3A_367], %swap3A_370 {add = true, strides = array<i32>} : memref<4x1x200x64xf32, #tpu.memory_space<vmem>>, vector<1x1x1x16xf32>,
        %add3A_371 = arith.constant 1 : i32
        %add3A_372 = arith.addi %add3A_342, %add3A_371 : i32
        %get3A_373 = arith.index_cast %add3A_372 : i32 to index
        %get3A_374 = arith.constant 32 : index
        %get3A_375 = tpu.vector_load %arg6[%get3A_373, %get3A_374] {strides = array<i32>} : memref<256x64xf32, #tpu.memory_space<vmem>>, vector<1x16xf32>,
        %get3A_376 = vector.shape_cast %get3A_375 : vector<1x16xf32> to vector<16xf32>
        %swap3A_377 = arith.constant 3 : i32
        %swap3A_378 = arith.constant 0 : i32
        %swap3A_379 = arith.index_cast %swap3A_377 : i32 to index
        %swap3A_380 = arith.index_cast %swap3A_378 : i32 to index
        %swap3A_381 = arith.index_cast %add3A_342 : i32 to index
        %swap3A_382 = arith.constant 32 : index
        %swap3A_383 = tpu.vector_load %arg8[%swap3A_379, %swap3A_380, %swap3A_381, %swap3A_382] {strides = array<i32>} : memref<4x1x200x64xf32, #tpu.memory_space<vmem>>, vector<1x1x1x16xf32>,
        %swap3A_384 = vector.shape_cast %swap3A_383 : vector<1x1x1x16xf32> to vector<16xf32>
        %swap3A_385 = vector.shape_cast %get3A_376 : vector<16xf32> to vector<1x1x1x16xf32>
        tpu.vector_store %arg8[%swap3A_379, %swap3A_380, %swap3A_381, %swap3A_382], %swap3A_385 {add = true, strides = array<i32>} : memref<4x1x200x64xf32, #tpu.memory_space<vmem>>, vector<1x1x1x16xf32>,
        %add3A_386 = arith.constant 1 : i32
        %add3A_387 = arith.addi %add3A_342, %add3A_386 : i32
        %get3A_388 = arith.index_cast %add3A_387 : i32 to index
        %get3A_389 = arith.constant 48 : index
        %get3A_390 = tpu.vector_load %arg6[%get3A_388, %get3A_389] {strides = array<i32>} : memref<256x64xf32, #tpu.memory_space<vmem>>, vector<1x16xf32>,
        %get3A_391 = vector.shape_cast %get3A_390 : vector<1x16xf32> to vector<16xf32>
        %swap3A_392 = arith.constant 3 : i32
        %swap3A_393 = arith.constant 0 : i32
        %swap3A_394 = arith.index_cast %swap3A_392 : i32 to index
        %swap3A_395 = arith.index_cast %swap3A_393 : i32 to index
        %swap3A_396 = arith.index_cast %add3A_342 : i32 to index
        %swap3A_397 = arith.constant 48 : index
        %swap3A_398 = tpu.vector_load %arg8[%swap3A_394, %swap3A_395, %swap3A_396, %swap3A_397] {strides = array<i32>} : memref<4x1x200x64xf32, #tpu.memory_space<vmem>>, vector<1x1x1x16xf32>,
        %swap3A_399 = vector.shape_cast %swap3A_398 : vector<1x1x1x16xf32> to vector<16xf32>
        %swap3A_400 = vector.shape_cast %get3A_391 : vector<16xf32> to vector<1x1x1x16xf32>
        tpu.vector_store %arg8[%swap3A_394, %swap3A_395, %swap3A_396, %swap3A_397], %swap3A_400 {add = true, strides = array<i32>} : memref<4x1x200x64xf32, #tpu.memory_space<vmem>>, vector<1x1x1x16xf32>,
        %add3A_401 = arith.constant 1 : i32
        %add3A_402 = arith.addi %mul3A_340, %add3A_401 : i32
        %add3A_403 = arith.constant 1 : i32
        %add3A_404 = arith.addi %add3A_402, %add3A_403 : i32
        %get3A_405 = arith.index_cast %add3A_404 : i32 to index
        %get3A_406 = arith.constant 0 : index
        %get3A_407 = tpu.vector_load %arg6[%get3A_405, %get3A_406] {strides = array<i32>} : memref<256x64xf32, #tpu.memory_space<vmem>>, vector<1x16xf32>,
        %get3A_408 = vector.shape_cast %get3A_407 : vector<1x16xf32> to vector<16xf32>
        %swap3A_409 = arith.constant 3 : i32
        %swap3A_410 = arith.constant 0 : i32
        %swap3A_411 = arith.index_cast %swap3A_409 : i32 to index
        %swap3A_412 = arith.index_cast %swap3A_410 : i32 to index
        %swap3A_413 = arith.index_cast %add3A_402 : i32 to index
        %swap3A_414 = arith.constant 0 : index
        %swap3A_415 = tpu.vector_load %arg8[%swap3A_411, %swap3A_412, %swap3A_413, %swap3A_414] {strides = array<i32>} : memref<4x1x200x64xf32, #tpu.memory_space<vmem>>, vector<1x1x1x16xf32>,
        %swap3A_416 = vector.shape_cast %swap3A_415 : vector<1x1x1x16xf32> to vector<16xf32>
        %swap3A_417 = vector.shape_cast %get3A_408 : vector<16xf32> to vector<1x1x1x16xf32>
        tpu.vector_store %arg8[%swap3A_411, %swap3A_412, %swap3A_413, %swap3A_414], %swap3A_417 {add = true, strides = array<i32>} : memref<4x1x200x64xf32, #tpu.memory_space<vmem>>, vector<1x1x1x16xf32>,
        %add3A_418 = arith.constant 1 : i32
        %add3A_419 = arith.addi %add3A_402, %add3A_418 : i32
        %get3A_420 = arith.index_cast %add3A_419 : i32 to index
        %get3A_421 = arith.constant 16 : index
        %get3A_422 = tpu.vector_load %arg6[%get3A_420, %get3A_421] {strides = array<i32>} : memref<256x64xf32, #tpu.memory_space<vmem>>, vector<1x16xf32>,
        %get3A_423 = vector.shape_cast %get3A_422 : vector<1x16xf32> to vector<16xf32>
        %swap3A_424 = arith.constant 3 : i32
        %swap3A_425 = arith.constant 0 : i32
        %swap3A_426 = arith.index_cast %swap3A_424 : i32 to index
        %swap3A_427 = arith.index_cast %swap3A_425 : i32 to index
        %swap3A_428 = arith.index_cast %add3A_402 : i32 to index
        %swap3A_429 = arith.constant 16 : index
        %swap3A_430 = tpu.vector_load %arg8[%swap3A_426, %swap3A_427, %swap3A_428, %swap3A_429] {strides = array<i32>} : memref<4x1x200x64xf32, #tpu.memory_space<vmem>>, vector<1x1x1x16xf32>,
        %swap3A_431 = vector.shape_cast %swap3A_430 : vector<1x1x1x16xf32> to vector<16xf32>
        %swap3A_432 = vector.shape_cast %get3A_423 : vector<16xf32> to vector<1x1x1x16xf32>
        tpu.vector_store %arg8[%swap3A_426, %swap3A_427, %swap3A_428, %swap3A_429], %swap3A_432 {add = true, strides = array<i32>} : memref<4x1x200x64xf32, #tpu.memory_space<vmem>>, vector<1x1x1x16xf32>,
        %add3A_433 = arith.constant 1 : i32
        %add3A_434 = arith.addi %add3A_402, %add3A_433 : i32
        %get3A_435 = arith.index_cast %add3A_434 : i32 to index
        %get3A_436 = arith.constant 32 : index
        %get3A_437 = tpu.vector_load %arg6[%get3A_435, %get3A_436] {strides = array<i32>} : memref<256x64xf32, #tpu.memory_space<vmem>>, vector<1x16xf32>,
        %get3A_438 = vector.shape_cast %get3A_437 : vector<1x16xf32> to vector<16xf32>
        %swap3A_439 = arith.constant 3 : i32
        %swap3A_440 = arith.constant 0 : i32
        %swap3A_441 = arith.index_cast %swap3A_439 : i32 to index
        %swap3A_442 = arith.index_cast %swap3A_440 : i32 to index
        %swap3A_443 = arith.index_cast %add3A_402 : i32 to index
        %swap3A_444 = arith.constant 32 : index
        %swap3A_445 = tpu.vector_load %arg8[%swap3A_441, %swap3A_442, %swap3A_443, %swap3A_444] {strides = array<i32>} : memref<4x1x200x64xf32, #tpu.memory_space<vmem>>, vector<1x1x1x16xf32>,
        %swap3A_446 = vector.shape_cast %swap3A_445 : vector<1x1x1x16xf32> to vector<16xf32>
        %swap3A_447 = vector.shape_cast %get3A_438 : vector<16xf32> to vector<1x1x1x16xf32>
        tpu.vector_store %arg8[%swap3A_441, %swap3A_442, %swap3A_443, %swap3A_444], %swap3A_447 {add = true, strides = array<i32>} : memref<4x1x200x64xf32, #tpu.memory_space<vmem>>, vector<1x1x1x16xf32>,
        %add3A_448 = arith.constant 1 : i32
        %add3A_449 = arith.addi %add3A_402, %add3A_448 : i32
        %get3A_450 = arith.index_cast %add3A_449 : i32 to index
        %get3A_451 = arith.constant 48 : index
        %get3A_452 = tpu.vector_load %arg6[%get3A_450, %get3A_451] {strides = array<i32>} : memref<256x64xf32, #tpu.memory_space<vmem>>, vector<1x16xf32>,
        %get3A_453 = vector.shape_cast %get3A_452 : vector<1x16xf32> to vector<16xf32>
        %swap3A_454 = arith.constant 3 : i32
        %swap3A_455 = arith.constant 0 : i32
        %swap3A_456 = arith.index_cast %swap3A_454 : i32 to index
        %swap3A_457 = arith.index_cast %swap3A_455 : i32 to index
        %swap3A_458 = arith.index_cast %add3A_402 : i32 to index
        %swap3A_459 = arith.constant 48 : index
        %swap3A_460 = tpu.vector_load %arg8[%swap3A_456, %swap3A_457, %swap3A_458, %swap3A_459] {strides = array<i32>} : memref<4x1x200x64xf32, #tpu.memory_space<vmem>>, vector<1x1x1x16xf32>,
        %swap3A_461 = vector.shape_cast %swap3A_460 : vector<1x1x1x16xf32> to vector<16xf32>
        %swap3A_462 = vector.shape_cast %get3A_453 : vector<16xf32> to vector<1x1x1x16xf32>
        tpu.vector_store %arg8[%swap3A_456, %swap3A_457, %swap3A_458, %swap3A_459], %swap3A_462 {add = true, strides = array<i32>} : memref<4x1x200x64xf32, #tpu.memory_space<vmem>>, vector<1x1x1x16xf32>,
        %add3A_463 = arith.constant 2 : i32
        %add3A_464 = arith.addi %mul3A_340, %add3A_463 : i32
        %add3A_465 = arith.constant 1 : i32
        %add3A_466 = arith.addi %add3A_464, %add3A_465 : i32
        %get3A_467 = arith.index_cast %add3A_466 : i32 to index
        %get3A_468 = arith.constant 0 : index
        %get3A_469 = tpu.vector_load %arg6[%get3A_467, %get3A_468] {strides = array<i32>} : memref<256x64xf32, #tpu.memory_space<vmem>>, vector<1x16xf32>,
        %get3A_470 = vector.shape_cast %get3A_469 : vector<1x16xf32> to vector<16xf32>
        %swap3A_471 = arith.constant 3 : i32
        %swap3A_472 = arith.constant 0 : i32
        %swap3A_473 = arith.index_cast %swap3A_471 : i32 to index
        %swap3A_474 = arith.index_cast %swap3A_472 : i32 to index
        %swap3A_475 = arith.index_cast %add3A_464 : i32 to index
        %swap3A_476 = arith.constant 0 : index
        %swap3A_477 = tpu.vector_load %arg8[%swap3A_473, %swap3A_474, %swap3A_475, %swap3A_476] {strides = array<i32>} : memref<4x1x200x64xf32, #tpu.memory_space<vmem>>, vector<1x1x1x16xf32>,
        %swap3A_478 = vector.shape_cast %swap3A_477 : vector<1x1x1x16xf32> to vector<16xf32>
        %swap3A_479 = vector.shape_cast %get3A_470 : vector<16xf32> to vector<1x1x1x16xf32>
        tpu.vector_store %arg8[%swap3A_473, %swap3A_474, %swap3A_475, %swap3A_476], %swap3A_479 {add = true, strides = array<i32>} : memref<4x1x200x64xf32, #tpu.memory_space<vmem>>, vector<1x1x1x16xf32>,
        %add3A_480 = arith.constant 1 : i32
        %add3A_481 = arith.addi %add3A_464, %add3A_480 : i32
        %get3A_482 = arith.index_cast %add3A_481 : i32 to index
        %get3A_483 = arith.constant 16 : index
        %get3A_484 = tpu.vector_load %arg6[%get3A_482, %get3A_483] {strides = array<i32>} : memref<256x64xf32, #tpu.memory_space<vmem>>, vector<1x16xf32>,
        %get3A_485 = vector.shape_cast %get3A_484 : vector<1x16xf32> to vector<16xf32>
        %swap3A_486 = arith.constant 3 : i32
        %swap3A_487 = arith.constant 0 : i32
        %swap3A_488 = arith.index_cast %swap3A_486 : i32 to index
        %swap3A_489 = arith.index_cast %swap3A_487 : i32 to index
        %swap3A_490 = arith.index_cast %add3A_464 : i32 to index
        %swap3A_491 = arith.constant 16 : index
        %swap3A_492 = tpu.vector_load %arg8[%swap3A_488, %swap3A_489, %swap3A_490, %swap3A_491] {strides = array<i32>} : memref<4x1x200x64xf32, #tpu.memory_space<vmem>>, vector<1x1x1x16xf32>,
        %swap3A_493 = vector.shape_cast %swap3A_492 : vector<1x1x1x16xf32> to vector<16xf32>
        %swap3A_494 = vector.shape_cast %get3A_485 : vector<16xf32> to vector<1x1x1x16xf32>
        tpu.vector_store %arg8[%swap3A_488, %swap3A_489, %swap3A_490, %swap3A_491], %swap3A_494 {add = true, strides = array<i32>} : memref<4x1x200x64xf32, #tpu.memory_space<vmem>>, vector<1x1x1x16xf32>,
        %add3A_495 = arith.constant 1 : i32
        %add3A_496 = arith.addi %add3A_464, %add3A_495 : i32
        %get3A_497 = arith.index_cast %add3A_496 : i32 to index
        %get3A_498 = arith.constant 32 : index
        %get3A_499 = tpu.vector_load %arg6[%get3A_497, %get3A_498] {strides = array<i32>} : memref<256x64xf32, #tpu.memory_space<vmem>>, vector<1x16xf32>,
        %get3A_500 = vector.shape_cast %get3A_499 : vector<1x16xf32> to vector<16xf32>
        %swap3A_501 = arith.constant 3 : i32
        %swap3A_502 = arith.constant 0 : i32
        %swap3A_503 = arith.index_cast %swap3A_501 : i32 to index
        %swap3A_504 = arith.index_cast %swap3A_502 : i32 to index
        %swap3A_505 = arith.index_cast %add3A_464 : i32 to index
        %swap3A_506 = arith.constant 32 : index
        %swap3A_507 = tpu.vector_load %arg8[%swap3A_503, %swap3A_504, %swap3A_505, %swap3A_506] {strides = array<i32>} : memref<4x1x200x64xf32, #tpu.memory_space<vmem>>, vector<1x1x1x16xf32>,
        %swap3A_508 = vector.shape_cast %swap3A_507 : vector<1x1x1x16xf32> to vector<16xf32>
        %swap3A_509 = vector.shape_cast %get3A_500 : vector<16xf32> to vector<1x1x1x16xf32>
        tpu.vector_store %arg8[%swap3A_503, %swap3A_504, %swap3A_505, %swap3A_506], %swap3A_509 {add = true, strides = array<i32>} : memref<4x1x200x64xf32, #tpu.memory_space<vmem>>, vector<1x1x1x16xf32>,
        %add3A_510 = arith.constant 1 : i32
        %add3A_511 = arith.addi %add3A_464, %add3A_510 : i32
        %get3A_512 = arith.index_cast %add3A_511 : i32 to index
        %get3A_513 = arith.constant 48 : index
        %get3A_514 = tpu.vector_load %arg6[%get3A_512, %get3A_513] {strides = array<i32>} : memref<256x64xf32, #tpu.memory_space<vmem>>, vector<1x16xf32>,
        %get3A_515 = vector.shape_cast %get3A_514 : vector<1x16xf32> to vector<16xf32>
        %swap3A_516 = arith.constant 3 : i32
        %swap3A_517 = arith.constant 0 : i32
        %swap3A_518 = arith.index_cast %swap3A_516 : i32 to index
        %swap3A_519 = arith.index_cast %swap3A_517 : i32 to index
        %swap3A_520 = arith.index_cast %add3A_464 : i32 to index
        %swap3A_521 = arith.constant 48 : index
        %swap3A_522 = tpu.vector_load %arg8[%swap3A_518, %swap3A_519, %swap3A_520, %swap3A_521] {strides = array<i32>} : memref<4x1x200x64xf32, #tpu.memory_space<vmem>>, vector<1x1x1x16xf32>,
        %swap3A_523 = vector.shape_cast %swap3A_522 : vector<1x1x1x16xf32> to vector<16xf32>
        %swap3A_524 = vector.shape_cast %get3A_515 : vector<16xf32> to vector<1x1x1x16xf32>
        tpu.vector_store %arg8[%swap3A_518, %swap3A_519, %swap3A_520, %swap3A_521], %swap3A_524 {add = true, strides = array<i32>} : memref<4x1x200x64xf32, #tpu.memory_space<vmem>>, vector<1x1x1x16xf32>,
        %add3A_525 = arith.constant 3 : i32
        %add3A_526 = arith.addi %mul3A_340, %add3A_525 : i32
        %add3A_527 = arith.constant 1 : i32
        %add3A_528 = arith.addi %add3A_526, %add3A_527 : i32
        %get3A_529 = arith.index_cast %add3A_528 : i32 to index
        %get3A_530 = arith.constant 0 : index
        %get3A_531 = tpu.vector_load %arg6[%get3A_529, %get3A_530] {strides = array<i32>} : memref<256x64xf32, #tpu.memory_space<vmem>>, vector<1x16xf32>,
        %get3A_532 = vector.shape_cast %get3A_531 : vector<1x16xf32> to vector<16xf32>
        %swap3A_533 = arith.constant 3 : i32
        %swap3A_534 = arith.constant 0 : i32
        %swap3A_535 = arith.index_cast %swap3A_533 : i32 to index
        %swap3A_536 = arith.index_cast %swap3A_534 : i32 to index
        %swap3A_537 = arith.index_cast %add3A_526 : i32 to index
        %swap3A_538 = arith.constant 0 : index
        %swap3A_539 = tpu.vector_load %arg8[%swap3A_535, %swap3A_536, %swap3A_537, %swap3A_538] {strides = array<i32>} : memref<4x1x200x64xf32, #tpu.memory_space<vmem>>, vector<1x1x1x16xf32>,
        %swap3A_540 = vector.shape_cast %swap3A_539 : vector<1x1x1x16xf32> to vector<16xf32>
        %swap3A_541 = vector.shape_cast %get3A_532 : vector<16xf32> to vector<1x1x1x16xf32>
        tpu.vector_store %arg8[%swap3A_535, %swap3A_536, %swap3A_537, %swap3A_538], %swap3A_541 {add = true, strides = array<i32>} : memref<4x1x200x64xf32, #tpu.memory_space<vmem>>, vector<1x1x1x16xf32>,
        %add3A_542 = arith.constant 1 : i32
        %add3A_543 = arith.addi %add3A_526, %add3A_542 : i32
        %get3A_544 = arith.index_cast %add3A_543 : i32 to index
        %get3A_545 = arith.constant 16 : index
        %get3A_546 = tpu.vector_load %arg6[%get3A_544, %get3A_545] {strides = array<i32>} : memref<256x64xf32, #tpu.memory_space<vmem>>, vector<1x16xf32>,
        %get3A_547 = vector.shape_cast %get3A_546 : vector<1x16xf32> to vector<16xf32>
        %swap3A_548 = arith.constant 3 : i32
        %swap3A_549 = arith.constant 0 : i32
        %swap3A_550 = arith.index_cast %swap3A_548 : i32 to index
        %swap3A_551 = arith.index_cast %swap3A_549 : i32 to index
        %swap3A_552 = arith.index_cast %add3A_526 : i32 to index
        %swap3A_553 = arith.constant 16 : index
        %swap3A_554 = tpu.vector_load %arg8[%swap3A_550, %swap3A_551, %swap3A_552, %swap3A_553] {strides = array<i32>} : memref<4x1x200x64xf32, #tpu.memory_space<vmem>>, vector<1x1x1x16xf32>,
        %swap3A_555 = vector.shape_cast %swap3A_554 : vector<1x1x1x16xf32> to vector<16xf32>
        %swap3A_556 = vector.shape_cast %get3A_547 : vector<16xf32> to vector<1x1x1x16xf32>
        tpu.vector_store %arg8[%swap3A_550, %swap3A_551, %swap3A_552, %swap3A_553], %swap3A_556 {add = true, strides = array<i32>} : memref<4x1x200x64xf32, #tpu.memory_space<vmem>>, vector<1x1x1x16xf32>,
        %add3A_557 = arith.constant 1 : i32
        %add3A_558 = arith.addi %add3A_526, %add3A_557 : i32
        %get3A_559 = arith.index_cast %add3A_558 : i32 to index
        %get3A_560 = arith.constant 32 : index
        %get3A_561 = tpu.vector_load %arg6[%get3A_559, %get3A_560] {strides = array<i32>} : memref<256x64xf32, #tpu.memory_space<vmem>>, vector<1x16xf32>,
        %get3A_562 = vector.shape_cast %get3A_561 : vector<1x16xf32> to vector<16xf32>
        %swap3A_563 = arith.constant 3 : i32
        %swap3A_564 = arith.constant 0 : i32
        %swap3A_565 = arith.index_cast %swap3A_563 : i32 to index
        %swap3A_566 = arith.index_cast %swap3A_564 : i32 to index
        %swap3A_567 = arith.index_cast %add3A_526 : i32 to index
        %swap3A_568 = arith.constant 32 : index
        %swap3A_569 = tpu.vector_load %arg8[%swap3A_565, %swap3A_566, %swap3A_567, %swap3A_568] {strides = array<i32>} : memref<4x1x200x64xf32, #tpu.memory_space<vmem>>, vector<1x1x1x16xf32>,
        %swap3A_570 = vector.shape_cast %swap3A_569 : vector<1x1x1x16xf32> to vector<16xf32>
        %swap3A_571 = vector.shape_cast %get3A_562 : vector<16xf32> to vector<1x1x1x16xf32>
        tpu.vector_store %arg8[%swap3A_565, %swap3A_566, %swap3A_567, %swap3A_568], %swap3A_571 {add = true, strides = array<i32>} : memref<4x1x200x64xf32, #tpu.memory_space<vmem>>, vector<1x1x1x16xf32>,
        %add3A_572 = arith.constant 1 : i32
        %add3A_573 = arith.addi %add3A_526, %add3A_572 : i32
        %get3A_574 = arith.index_cast %add3A_573 : i32 to index
        %get3A_575 = arith.constant 48 : index
        %get3A_576 = tpu.vector_load %arg6[%get3A_574, %get3A_575] {strides = array<i32>} : memref<256x64xf32, #tpu.memory_space<vmem>>, vector<1x16xf32>,
        %get3A_577 = vector.shape_cast %get3A_576 : vector<1x16xf32> to vector<16xf32>
        %swap3A_578 = arith.constant 3 : i32
        %swap3A_579 = arith.constant 0 : i32
        %swap3A_580 = arith.index_cast %swap3A_578 : i32 to index
        %swap3A_581 = arith.index_cast %swap3A_579 : i32 to index
        %swap3A_582 = arith.index_cast %add3A_526 : i32 to index
        %swap3A_583 = arith.constant 48 : index
        %swap3A_584 = tpu.vector_load %arg8[%swap3A_580, %swap3A_581, %swap3A_582, %swap3A_583] {strides = array<i32>} : memref<4x1x200x64xf32, #tpu.memory_space<vmem>>, vector<1x1x1x16xf32>,
        %swap3A_585 = vector.shape_cast %swap3A_584 : vector<1x1x1x16xf32> to vector<16xf32>
        %swap3A_586 = vector.shape_cast %get3A_577 : vector<16xf32> to vector<1x1x1x16xf32>
        tpu.vector_store %arg8[%swap3A_580, %swap3A_581, %swap3A_582, %swap3A_583], %swap3A_586 {add = true, strides = array<i32>} : memref<4x1x200x64xf32, #tpu.memory_space<vmem>>, vector<1x1x1x16xf32>,
        %add3A_587 = arith.constant 4 : i32
        %add3A_588 = arith.addi %mul3A_340, %add3A_587 : i32
        %add3A_589 = arith.constant 1 : i32
        %add3A_590 = arith.addi %add3A_588, %add3A_589 : i32
        %get3A_591 = arith.index_cast %add3A_590 : i32 to index
        %get3A_592 = arith.constant 0 : index
        %get3A_593 = tpu.vector_load %arg6[%get3A_591, %get3A_592] {strides = array<i32>} : memref<256x64xf32, #tpu.memory_space<vmem>>, vector<1x16xf32>,
        %get3A_594 = vector.shape_cast %get3A_593 : vector<1x16xf32> to vector<16xf32>
        %swap3A_595 = arith.constant 3 : i32
        %swap3A_596 = arith.constant 0 : i32
        %swap3A_597 = arith.index_cast %swap3A_595 : i32 to index
        %swap3A_598 = arith.index_cast %swap3A_596 : i32 to index
        %swap3A_599 = arith.index_cast %add3A_588 : i32 to index
        %swap3A_600 = arith.constant 0 : index
        %swap3A_601 = tpu.vector_load %arg8[%swap3A_597, %swap3A_598, %swap3A_599, %swap3A_600] {strides = array<i32>} : memref<4x1x200x64xf32, #tpu.memory_space<vmem>>, vector<1x1x1x16xf32>,
        %swap3A_602 = vector.shape_cast %swap3A_601 : vector<1x1x1x16xf32> to vector<16xf32>
        %swap3A_603 = vector.shape_cast %get3A_594 : vector<16xf32> to vector<1x1x1x16xf32>
        tpu.vector_store %arg8[%swap3A_597, %swap3A_598, %swap3A_599, %swap3A_600], %swap3A_603 {add = true, strides = array<i32>} : memref<4x1x200x64xf32, #tpu.memory_space<vmem>>, vector<1x1x1x16xf32>,
        %add3A_604 = arith.constant 1 : i32
        %add3A_605 = arith.addi %add3A_588, %add3A_604 : i32
        %get3A_606 = arith.index_cast %add3A_605 : i32 to index
        %get3A_607 = arith.constant 16 : index
        %get3A_608 = tpu.vector_load %arg6[%get3A_606, %get3A_607] {strides = array<i32>} : memref<256x64xf32, #tpu.memory_space<vmem>>, vector<1x16xf32>,
        %get3A_609 = vector.shape_cast %get3A_608 : vector<1x16xf32> to vector<16xf32>
        %swap3A_610 = arith.constant 3 : i32
        %swap3A_611 = arith.constant 0 : i32
        %swap3A_612 = arith.index_cast %swap3A_610 : i32 to index
        %swap3A_613 = arith.index_cast %swap3A_611 : i32 to index
        %swap3A_614 = arith.index_cast %add3A_588 : i32 to index
        %swap3A_615 = arith.constant 16 : index
        %swap3A_616 = tpu.vector_load %arg8[%swap3A_612, %swap3A_613, %swap3A_614, %swap3A_615] {strides = array<i32>} : memref<4x1x200x64xf32, #tpu.memory_space<vmem>>, vector<1x1x1x16xf32>,
        %swap3A_617 = vector.shape_cast %swap3A_616 : vector<1x1x1x16xf32> to vector<16xf32>
        %swap3A_618 = vector.shape_cast %get3A_609 : vector<16xf32> to vector<1x1x1x16xf32>
        tpu.vector_store %arg8[%swap3A_612, %swap3A_613, %swap3A_614, %swap3A_615], %swap3A_618 {add = true, strides = array<i32>} : memref<4x1x200x64xf32, #tpu.memory_space<vmem>>, vector<1x1x1x16xf32>,
        %add3A_619 = arith.constant 1 : i32
        %add3A_620 = arith.addi %add3A_588, %add3A_619 : i32
        %get3A_621 = arith.index_cast %add3A_620 : i32 to index
        %get3A_622 = arith.constant 32 : index
        %get3A_623 = tpu.vector_load %arg6[%get3A_621, %get3A_622] {strides = array<i32>} : memref<256x64xf32, #tpu.memory_space<vmem>>, vector<1x16xf32>,
        %get3A_624 = vector.shape_cast %get3A_623 : vector<1x16xf32> to vector<16xf32>
        %swap3A_625 = arith.constant 3 : i32
        %swap3A_626 = arith.constant 0 : i32
        %swap3A_627 = arith.index_cast %swap3A_625 : i32 to index
        %swap3A_628 = arith.index_cast %swap3A_626 : i32 to index
        %swap3A_629 = arith.index_cast %add3A_588 : i32 to index
        %swap3A_630 = arith.constant 32 : index
        %swap3A_631 = tpu.vector_load %arg8[%swap3A_627, %swap3A_628, %swap3A_629, %swap3A_630] {strides = array<i32>} : memref<4x1x200x64xf32, #tpu.memory_space<vmem>>, vector<1x1x1x16xf32>,
        %swap3A_632 = vector.shape_cast %swap3A_631 : vector<1x1x1x16xf32> to vector<16xf32>
        %swap3A_633 = vector.shape_cast %get3A_624 : vector<16xf32> to vector<1x1x1x16xf32>
        tpu.vector_store %arg8[%swap3A_627, %swap3A_628, %swap3A_629, %swap3A_630], %swap3A_633 {add = true, strides = array<i32>} : memref<4x1x200x64xf32, #tpu.memory_space<vmem>>, vector<1x1x1x16xf32>,
        %add3A_634 = arith.constant 1 : i32
        %add3A_635 = arith.addi %add3A_588, %add3A_634 : i32
        %get3A_636 = arith.index_cast %add3A_635 : i32 to index
        %get3A_637 = arith.constant 48 : index
        %get3A_638 = tpu.vector_load %arg6[%get3A_636, %get3A_637] {strides = array<i32>} : memref<256x64xf32, #tpu.memory_space<vmem>>, vector<1x16xf32>,
        %get3A_639 = vector.shape_cast %get3A_638 : vector<1x16xf32> to vector<16xf32>
        %swap3A_640 = arith.constant 3 : i32
        %swap3A_641 = arith.constant 0 : i32
        %swap3A_642 = arith.index_cast %swap3A_640 : i32 to index
        %swap3A_643 = arith.index_cast %swap3A_641 : i32 to index
        %swap3A_644 = arith.index_cast %add3A_588 : i32 to index
        %swap3A_645 = arith.constant 48 : index
        %swap3A_646 = tpu.vector_load %arg8[%swap3A_642, %swap3A_643, %swap3A_644, %swap3A_645] {strides = array<i32>} : memref<4x1x200x64xf32, #tpu.memory_space<vmem>>, vector<1x1x1x16xf32>,
        %swap3A_647 = vector.shape_cast %swap3A_646 : vector<1x1x1x16xf32> to vector<16xf32>
        %swap3A_648 = vector.shape_cast %get3A_639 : vector<16xf32> to vector<1x1x1x16xf32>
        tpu.vector_store %arg8[%swap3A_642, %swap3A_643, %swap3A_644, %swap3A_645], %swap3A_648 {add = true, strides = array<i32>} : memref<4x1x200x64xf32, #tpu.memory_space<vmem>>, vector<1x1x1x16xf32>,
        %add3A_649 = arith.constant 5 : i32
        %add3A_650 = arith.addi %mul3A_340, %add3A_649 : i32
        %add3A_651 = arith.constant 1 : i32
        %add3A_652 = arith.addi %add3A_650, %add3A_651 : i32
        %get3A_653 = arith.index_cast %add3A_652 : i32 to index
        %get3A_654 = arith.constant 0 : index
        %get3A_655 = tpu.vector_load %arg6[%get3A_653, %get3A_654] {strides = array<i32>} : memref<256x64xf32, #tpu.memory_space<vmem>>, vector<1x16xf32>,
        %get3A_656 = vector.shape_cast %get3A_655 : vector<1x16xf32> to vector<16xf32>
        %swap3A_657 = arith.constant 3 : i32
        %swap3A_658 = arith.constant 0 : i32
        %swap3A_659 = arith.index_cast %swap3A_657 : i32 to index
        %swap3A_660 = arith.index_cast %swap3A_658 : i32 to index
        %swap3A_661 = arith.index_cast %add3A_650 : i32 to index
        %swap3A_662 = arith.constant 0 : index
        %swap3A_663 = tpu.vector_load %arg8[%swap3A_659, %swap3A_660, %swap3A_661, %swap3A_662] {strides = array<i32>} : memref<4x1x200x64xf32, #tpu.memory_space<vmem>>, vector<1x1x1x16xf32>,
        %swap3A_664 = vector.shape_cast %swap3A_663 : vector<1x1x1x16xf32> to vector<16xf32>
        %swap3A_665 = vector.shape_cast %get3A_656 : vector<16xf32> to vector<1x1x1x16xf32>
        tpu.vector_store %arg8[%swap3A_659, %swap3A_660, %swap3A_661, %swap3A_662], %swap3A_665 {add = true, strides = array<i32>} : memref<4x1x200x64xf32, #tpu.memory_space<vmem>>, vector<1x1x1x16xf32>,
        %add3A_666 = arith.constant 1 : i32
        %add3A_667 = arith.addi %add3A_650, %add3A_666 : i32
        %get3A_668 = arith.index_cast %add3A_667 : i32 to index
        %get3A_669 = arith.constant 16 : index
        %get3A_670 = tpu.vector_load %arg6[%get3A_668, %get3A_669] {strides = array<i32>} : memref<256x64xf32, #tpu.memory_space<vmem>>, vector<1x16xf32>,
        %get3A_671 = vector.shape_cast %get3A_670 : vector<1x16xf32> to vector<16xf32>
        %swap3A_672 = arith.constant 3 : i32
        %swap3A_673 = arith.constant 0 : i32
        %swap3A_674 = arith.index_cast %swap3A_672 : i32 to index
        %swap3A_675 = arith.index_cast %swap3A_673 : i32 to index
        %swap3A_676 = arith.index_cast %add3A_650 : i32 to index
        %swap3A_677 = arith.constant 16 : index
        %swap3A_678 = tpu.vector_load %arg8[%swap3A_674, %swap3A_675, %swap3A_676, %swap3A_677] {strides = array<i32>} : memref<4x1x200x64xf32, #tpu.memory_space<vmem>>, vector<1x1x1x16xf32>,
        %swap3A_679 = vector.shape_cast %swap3A_678 : vector<1x1x1x16xf32> to vector<16xf32>
        %swap3A_680 = vector.shape_cast %get3A_671 : vector<16xf32> to vector<1x1x1x16xf32>
        tpu.vector_store %arg8[%swap3A_674, %swap3A_675, %swap3A_676, %swap3A_677], %swap3A_680 {add = true, strides = array<i32>} : memref<4x1x200x64xf32, #tpu.memory_space<vmem>>, vector<1x1x1x16xf32>,
        %add3A_681 = arith.constant 1 : i32
        %add3A_682 = arith.addi %add3A_650, %add3A_681 : i32
        %get3A_683 = arith.index_cast %add3A_682 : i32 to index
        %get3A_684 = arith.constant 32 : index
        %get3A_685 = tpu.vector_load %arg6[%get3A_683, %get3A_684] {strides = array<i32>} : memref<256x64xf32, #tpu.memory_space<vmem>>, vector<1x16xf32>,
        %get3A_686 = vector.shape_cast %get3A_685 : vector<1x16xf32> to vector<16xf32>
        %swap3A_687 = arith.constant 3 : i32
        %swap3A_688 = arith.constant 0 : i32
        %swap3A_689 = arith.index_cast %swap3A_687 : i32 to index
        %swap3A_690 = arith.index_cast %swap3A_688 : i32 to index
        %swap3A_691 = arith.index_cast %add3A_650 : i32 to index
        %swap3A_692 = arith.constant 32 : index
        %swap3A_693 = tpu.vector_load %arg8[%swap3A_689, %swap3A_690, %swap3A_691, %swap3A_692] {strides = array<i32>} : memref<4x1x200x64xf32, #tpu.memory_space<vmem>>, vector<1x1x1x16xf32>,
        %swap3A_694 = vector.shape_cast %swap3A_693 : vector<1x1x1x16xf32> to vector<16xf32>
        %swap3A_695 = vector.shape_cast %get3A_686 : vector<16xf32> to vector<1x1x1x16xf32>
        tpu.vector_store %arg8[%swap3A_689, %swap3A_690, %swap3A_691, %swap3A_692], %swap3A_695 {add = true, strides = array<i32>} : memref<4x1x200x64xf32, #tpu.memory_space<vmem>>, vector<1x1x1x16xf32>,
        %add3A_696 = arith.constant 1 : i32
        %add3A_697 = arith.addi %add3A_650, %add3A_696 : i32
        %get3A_698 = arith.index_cast %add3A_697 : i32 to index
        %get3A_699 = arith.constant 48 : index
        %get3A_700 = tpu.vector_load %arg6[%get3A_698, %get3A_699] {strides = array<i32>} : memref<256x64xf32, #tpu.memory_space<vmem>>, vector<1x16xf32>,
        %get3A_701 = vector.shape_cast %get3A_700 : vector<1x16xf32> to vector<16xf32>
        %swap3A_702 = arith.constant 3 : i32
        %swap3A_703 = arith.constant 0 : i32
        %swap3A_704 = arith.index_cast %swap3A_702 : i32 to index
        %swap3A_705 = arith.index_cast %swap3A_703 : i32 to index
        %swap3A_706 = arith.index_cast %add3A_650 : i32 to index
        %swap3A_707 = arith.constant 48 : index
        %swap3A_708 = tpu.vector_load %arg8[%swap3A_704, %swap3A_705, %swap3A_706, %swap3A_707] {strides = array<i32>} : memref<4x1x200x64xf32, #tpu.memory_space<vmem>>, vector<1x1x1x16xf32>,
        %swap3A_709 = vector.shape_cast %swap3A_708 : vector<1x1x1x16xf32> to vector<16xf32>
        %swap3A_710 = vector.shape_cast %get3A_701 : vector<16xf32> to vector<1x1x1x16xf32>
        tpu.vector_store %arg8[%swap3A_704, %swap3A_705, %swap3A_706, %swap3A_707], %swap3A_710 {add = true, strides = array<i32>} : memref<4x1x200x64xf32, #tpu.memory_space<vmem>>, vector<1x1x1x16xf32>,
        %add3A_711 = arith.constant 6 : i32
        %add3A_712 = arith.addi %mul3A_340, %add3A_711 : i32
        %add3A_713 = arith.constant 1 : i32
        %add3A_714 = arith.addi %add3A_712, %add3A_713 : i32
        %get3A_715 = arith.index_cast %add3A_714 : i32 to index
        %get3A_716 = arith.constant 0 : index
        %get3A_717 = tpu.vector_load %arg6[%get3A_715, %get3A_716] {strides = array<i32>} : memref<256x64xf32, #tpu.memory_space<vmem>>, vector<1x16xf32>,
        %get3A_718 = vector.shape_cast %get3A_717 : vector<1x16xf32> to vector<16xf32>
        %swap3A_719 = arith.constant 3 : i32
        %swap3A_720 = arith.constant 0 : i32
        %swap3A_721 = arith.index_cast %swap3A_719 : i32 to index
        %swap3A_722 = arith.index_cast %swap3A_720 : i32 to index
        %swap3A_723 = arith.index_cast %add3A_712 : i32 to index
        %swap3A_724 = arith.constant 0 : index
        %swap3A_725 = tpu.vector_load %arg8[%swap3A_721, %swap3A_722, %swap3A_723, %swap3A_724] {strides = array<i32>} : memref<4x1x200x64xf32, #tpu.memory_space<vmem>>, vector<1x1x1x16xf32>,
        %swap3A_726 = vector.shape_cast %swap3A_725 : vector<1x1x1x16xf32> to vector<16xf32>
        %swap3A_727 = vector.shape_cast %get3A_718 : vector<16xf32> to vector<1x1x1x16xf32>
        tpu.vector_store %arg8[%swap3A_721, %swap3A_722, %swap3A_723, %swap3A_724], %swap3A_727 {add = true, strides = array<i32>} : memref<4x1x200x64xf32, #tpu.memory_space<vmem>>, vector<1x1x1x16xf32>,
        %add3A_728 = arith.constant 1 : i32
        %add3A_729 = arith.addi %add3A_712, %add3A_728 : i32
        %get3A_730 = arith.index_cast %add3A_729 : i32 to index
        %get3A_731 = arith.constant 16 : index
        %get3A_732 = tpu.vector_load %arg6[%get3A_730, %get3A_731] {strides = array<i32>} : memref<256x64xf32, #tpu.memory_space<vmem>>, vector<1x16xf32>,
        %get3A_733 = vector.shape_cast %get3A_732 : vector<1x16xf32> to vector<16xf32>
        %swap3A_734 = arith.constant 3 : i32
        %swap3A_735 = arith.constant 0 : i32
        %swap3A_736 = arith.index_cast %swap3A_734 : i32 to index
        %swap3A_737 = arith.index_cast %swap3A_735 : i32 to index
        %swap3A_738 = arith.index_cast %add3A_712 : i32 to index
        %swap3A_739 = arith.constant 16 : index
        %swap3A_740 = tpu.vector_load %arg8[%swap3A_736, %swap3A_737, %swap3A_738, %swap3A_739] {strides = array<i32>} : memref<4x1x200x64xf32, #tpu.memory_space<vmem>>, vector<1x1x1x16xf32>,
        %swap3A_741 = vector.shape_cast %swap3A_740 : vector<1x1x1x16xf32> to vector<16xf32>
        %swap3A_742 = vector.shape_cast %get3A_733 : vector<16xf32> to vector<1x1x1x16xf32>
        tpu.vector_store %arg8[%swap3A_736, %swap3A_737, %swap3A_738, %swap3A_739], %swap3A_742 {add = true, strides = array<i32>} : memref<4x1x200x64xf32, #tpu.memory_space<vmem>>, vector<1x1x1x16xf32>,
        %add3A_743 = arith.constant 1 : i32
        %add3A_744 = arith.addi %add3A_712, %add3A_743 : i32
        %get3A_745 = arith.index_cast %add3A_744 : i32 to index
        %get3A_746 = arith.constant 32 : index
        %get3A_747 = tpu.vector_load %arg6[%get3A_745, %get3A_746] {strides = array<i32>} : memref<256x64xf32, #tpu.memory_space<vmem>>, vector<1x16xf32>,
        %get3A_748 = vector.shape_cast %get3A_747 : vector<1x16xf32> to vector<16xf32>
        %swap3A_749 = arith.constant 3 : i32
        %swap3A_750 = arith.constant 0 : i32
        %swap3A_751 = arith.index_cast %swap3A_749 : i32 to index
        %swap3A_752 = arith.index_cast %swap3A_750 : i32 to index
        %swap3A_753 = arith.index_cast %add3A_712 : i32 to index
        %swap3A_754 = arith.constant 32 : index
        %swap3A_755 = tpu.vector_load %arg8[%swap3A_751, %swap3A_752, %swap3A_753, %swap3A_754] {strides = array<i32>} : memref<4x1x200x64xf32, #tpu.memory_space<vmem>>, vector<1x1x1x16xf32>,
        %swap3A_756 = vector.shape_cast %swap3A_755 : vector<1x1x1x16xf32> to vector<16xf32>
        %swap3A_757 = vector.shape_cast %get3A_748 : vector<16xf32> to vector<1x1x1x16xf32>
        tpu.vector_store %arg8[%swap3A_751, %swap3A_752, %swap3A_753, %swap3A_754], %swap3A_757 {add = true, strides = array<i32>} : memref<4x1x200x64xf32, #tpu.memory_space<vmem>>, vector<1x1x1x16xf32>,
        %add3A_758 = arith.constant 1 : i32
        %add3A_759 = arith.addi %add3A_712, %add3A_758 : i32
        %get3A_760 = arith.index_cast %add3A_759 : i32 to index
        %get3A_761 = arith.constant 48 : index
        %get3A_762 = tpu.vector_load %arg6[%get3A_760, %get3A_761] {strides = array<i32>} : memref<256x64xf32, #tpu.memory_space<vmem>>, vector<1x16xf32>,
        %get3A_763 = vector.shape_cast %get3A_762 : vector<1x16xf32> to vector<16xf32>
        %swap3A_764 = arith.constant 3 : i32
        %swap3A_765 = arith.constant 0 : i32
        %swap3A_766 = arith.index_cast %swap3A_764 : i32 to index
        %swap3A_767 = arith.index_cast %swap3A_765 : i32 to index
        %swap3A_768 = arith.index_cast %add3A_712 : i32 to index
        %swap3A_769 = arith.constant 48 : index
        %swap3A_770 = tpu.vector_load %arg8[%swap3A_766, %swap3A_767, %swap3A_768, %swap3A_769] {strides = array<i32>} : memref<4x1x200x64xf32, #tpu.memory_space<vmem>>, vector<1x1x1x16xf32>,
        %swap3A_771 = vector.shape_cast %swap3A_770 : vector<1x1x1x16xf32> to vector<16xf32>
        %swap3A_772 = vector.shape_cast %get3A_763 : vector<16xf32> to vector<1x1x1x16xf32>
        tpu.vector_store %arg8[%swap3A_766, %swap3A_767, %swap3A_768, %swap3A_769], %swap3A_772 {add = true, strides = array<i32>} : memref<4x1x200x64xf32, #tpu.memory_space<vmem>>, vector<1x1x1x16xf32>,
        %add3A_773 = arith.constant 7 : i32
        %add3A_774 = arith.addi %mul3A_340, %add3A_773 : i32
        %add3A_775 = arith.constant 1 : i32
        %add3A_776 = arith.addi %add3A_774, %add3A_775 : i32
        %get3A_777 = arith.index_cast %add3A_776 : i32 to index
        %get3A_778 = arith.constant 0 : index
        %get3A_779 = tpu.vector_load %arg6[%get3A_777, %get3A_778] {strides = array<i32>} : memref<256x64xf32, #tpu.memory_space<vmem>>, vector<1x16xf32>,
        %get3A_780 = vector.shape_cast %get3A_779 : vector<1x16xf32> to vector<16xf32>
        %swap3A_781 = arith.constant 3 : i32
        %swap3A_782 = arith.constant 0 : i32
        %swap3A_783 = arith.index_cast %swap3A_781 : i32 to index
        %swap3A_784 = arith.index_cast %swap3A_782 : i32 to index
        %swap3A_785 = arith.index_cast %add3A_774 : i32 to index
        %swap3A_786 = arith.constant 0 : index
        %swap3A_787 = tpu.vector_load %arg8[%swap3A_783, %swap3A_784, %swap3A_785, %swap3A_786] {strides = array<i32>} : memref<4x1x200x64xf32, #tpu.memory_space<vmem>>, vector<1x1x1x16xf32>,
        %swap3A_788 = vector.shape_cast %swap3A_787 : vector<1x1x1x16xf32> to vector<16xf32>
        %swap3A_789 = vector.shape_cast %get3A_780 : vector<16xf32> to vector<1x1x1x16xf32>
        tpu.vector_store %arg8[%swap3A_783, %swap3A_784, %swap3A_785, %swap3A_786], %swap3A_789 {add = true, strides = array<i32>} : memref<4x1x200x64xf32, #tpu.memory_space<vmem>>, vector<1x1x1x16xf32>,
        %add3A_790 = arith.constant 1 : i32
        %add3A_791 = arith.addi %add3A_774, %add3A_790 : i32
        %get3A_792 = arith.index_cast %add3A_791 : i32 to index
        %get3A_793 = arith.constant 16 : index
        %get3A_794 = tpu.vector_load %arg6[%get3A_792, %get3A_793] {strides = array<i32>} : memref<256x64xf32, #tpu.memory_space<vmem>>, vector<1x16xf32>,
        %get3A_795 = vector.shape_cast %get3A_794 : vector<1x16xf32> to vector<16xf32>
        %swap3A_796 = arith.constant 3 : i32
        %swap3A_797 = arith.constant 0 : i32
        %swap3A_798 = arith.index_cast %swap3A_796 : i32 to index
        %swap3A_799 = arith.index_cast %swap3A_797 : i32 to index
        %swap3A_800 = arith.index_cast %add3A_774 : i32 to index
        %swap3A_801 = arith.constant 16 : index
        %swap3A_802 = tpu.vector_load %arg8[%swap3A_798, %swap3A_799, %swap3A_800, %swap3A_801] {strides = array<i32>} : memref<4x1x200x64xf32, #tpu.memory_space<vmem>>, vector<1x1x1x16xf32>,
        %swap3A_803 = vector.shape_cast %swap3A_802 : vector<1x1x1x16xf32> to vector<16xf32>
        %swap3A_804 = vector.shape_cast %get3A_795 : vector<16xf32> to vector<1x1x1x16xf32>
        tpu.vector_store %arg8[%swap3A_798, %swap3A_799, %swap3A_800, %swap3A_801], %swap3A_804 {add = true, strides = array<i32>} : memref<4x1x200x64xf32, #tpu.memory_space<vmem>>, vector<1x1x1x16xf32>,
        %add3A_805 = arith.constant 1 : i32
        %add3A_806 = arith.addi %add3A_774, %add3A_805 : i32
        %get3A_807 = arith.index_cast %add3A_806 : i32 to index
        %get3A_808 = arith.constant 32 : index
        %get3A_809 = tpu.vector_load %arg6[%get3A_807, %get3A_808] {strides = array<i32>} : memref<256x64xf32, #tpu.memory_space<vmem>>, vector<1x16xf32>,
        %get3A_810 = vector.shape_cast %get3A_809 : vector<1x16xf32> to vector<16xf32>
        %swap3A_811 = arith.constant 3 : i32
        %swap3A_812 = arith.constant 0 : i32
        %swap3A_813 = arith.index_cast %swap3A_811 : i32 to index
        %swap3A_814 = arith.index_cast %swap3A_812 : i32 to index
        %swap3A_815 = arith.index_cast %add3A_774 : i32 to index
        %swap3A_816 = arith.constant 32 : index
        %swap3A_817 = tpu.vector_load %arg8[%swap3A_813, %swap3A_814, %swap3A_815, %swap3A_816] {strides = array<i32>} : memref<4x1x200x64xf32, #tpu.memory_space<vmem>>, vector<1x1x1x16xf32>,
        %swap3A_818 = vector.shape_cast %swap3A_817 : vector<1x1x1x16xf32> to vector<16xf32>
        %swap3A_819 = vector.shape_cast %get3A_810 : vector<16xf32> to vector<1x1x1x16xf32>
        tpu.vector_store %arg8[%swap3A_813, %swap3A_814, %swap3A_815, %swap3A_816], %swap3A_819 {add = true, strides = array<i32>} : memref<4x1x200x64xf32, #tpu.memory_space<vmem>>, vector<1x1x1x16xf32>,
        %add3A_820 = arith.constant 1 : i32
        %add3A_821 = arith.addi %add3A_774, %add3A_820 : i32
        %get3A_822 = arith.index_cast %add3A_821 : i32 to index
        %get3A_823 = arith.constant 48 : index
        %get3A_824 = tpu.vector_load %arg6[%get3A_822, %get3A_823] {strides = array<i32>} : memref<256x64xf32, #tpu.memory_space<vmem>>, vector<1x16xf32>,
        %get3A_825 = vector.shape_cast %get3A_824 : vector<1x16xf32> to vector<16xf32>
        %swap3A_826 = arith.constant 3 : i32
        %swap3A_827 = arith.constant 0 : i32
        %swap3A_828 = arith.index_cast %swap3A_826 : i32 to index
        %swap3A_829 = arith.index_cast %swap3A_827 : i32 to index
        %swap3A_830 = arith.index_cast %add3A_774 : i32 to index
        %swap3A_831 = arith.constant 48 : index
        %swap3A_832 = tpu.vector_load %arg8[%swap3A_828, %swap3A_829, %swap3A_830, %swap3A_831] {strides = array<i32>} : memref<4x1x200x64xf32, #tpu.memory_space<vmem>>, vector<1x1x1x16xf32>,
        %swap3A_833 = vector.shape_cast %swap3A_832 : vector<1x1x1x16xf32> to vector<16xf32>
        %swap3A_834 = vector.shape_cast %get3A_825 : vector<16xf32> to vector<1x1x1x16xf32>
        tpu.vector_store %arg8[%swap3A_828, %swap3A_829, %swap3A_830, %swap3A_831], %swap3A_834 {add = true, strides = array<i32>} : memref<4x1x200x64xf32, #tpu.memory_space<vmem>>, vector<1x1x1x16xf32>,
      }
      %scan3A_317 = arith.constant 25 : i32
      %mul3A_318 = arith.constant 1 : i32
      %mul3A_319 = arith.muli %add3A_286, %mul3A_318 : i32
      %add3A_320 = arith.addi %mul3A_2, %mul3A_319 : i32
      %dma_start3A_321 = arith.constant 3 : i32
      %dma_start3A_322 = arith.constant 0 : i32
      %dma_start3A_323 = arith.constant 0 : i32
      %dma_start3A_324 = arith.constant 0 : i32
      %dma_start3A_325 = tpu.memref_slice %arg8[%dma_start3A_321, %dma_start3A_322, %dma_start3A_323, %dma_start3A_324] : memref<4x1x200x64xf32, #tpu.memory_space<vmem>> -> memref<1x1x200x64xf32, #tpu.memory_space<vmem>>
      %dma_start3A_326 = tpu.memref_squeeze %dma_start3A_325 : memref<1x1x200x64xf32, #tpu.memory_space<vmem>> -> memref<1x200x64xf32, #tpu.memory_space<vmem>>
      %dma_start3A_327 = arith.constant 0 : i32
      %dma_start3A_328 = arith.constant 0 : i32
      %dma_start3A_329 = tpu.memref_slice %arg5[%add3A_320, %dma_start3A_327, %dma_start3A_328] : memref<4096x200x64xf32, #tpu.memory_space<hbm>> -> memref<1x200x64xf32, #tpu.memory_space<hbm>>
      %dma_start3A_330 = arith.constant 0 : i32
      %dma_start3A_331 = arith.constant 0 : i32
      %dma_start3A_332 = tpu.memref_slice %arg5[%add3A_320, %dma_start3A_330, %dma_start3A_331] : memref<4096x200x64xf32, #tpu.memory_space<hbm>> -> memref<1x200x64xf32, #tpu.memory_space<hbm>>
      %dma_start3A_333 = arith.constant 0 : i32
      %dma_start3A_334 = arith.constant 0 : i32
      %dma_start3A_335 = arith.constant 0 : i32
      %dma_start3A_336 = tpu.memref_slice %arg8[%dma_start3A_321, %dma_start3A_333, %dma_start3A_334, %dma_start3A_335] : memref<4x1x200x64xf32, #tpu.memory_space<vmem>> -> memref<1x1x200x64xf32, #tpu.memory_space<vmem>>
      %dma_start3A_337 = tpu.memref_squeeze %dma_start3A_336 : memref<1x1x200x64xf32, #tpu.memory_space<vmem>> -> memref<1x200x64xf32, #tpu.memory_space<vmem>>
      tpu.enqueue_dma source(%dma_start3A_337 : memref<1x200x64xf32, #tpu.memory_space<vmem>>) target(%dma_start3A_332 : memref<1x200x64xf32, #tpu.memory_space<hbm>>) target_semaphore(%arg16 : memref<!tpu.dma_semaphore, #tpu.memory_space<semaphore_mem>>)
    }
    %scan3A_45 = arith.constant 32 : i32
    %add3A_46 = arith.constant 124 : i32
    %add3A_47 = arith.addi %mul3A_2, %add3A_46 : i32
    %dma_wait3A = arith.constant 0 : i32
    %dma_wait3A_48 = arith.constant 0 : i32
    %dma_wait3A_49 = arith.constant 0 : i32
    %dma_wait3A_50 = arith.constant 0 : i32
    %dma_wait3A_51 = tpu.memref_slice %arg8[%dma_wait3A, %dma_wait3A_48, %dma_wait3A_49, %dma_wait3A_50] : memref<4x1x200x64xf32, #tpu.memory_space<vmem>> -> memref<1x1x200x64xf32, #tpu.memory_space<vmem>>
    %dma_wait3A_52 = tpu.memref_squeeze %dma_wait3A_51 : memref<1x1x200x64xf32, #tpu.memory_space<vmem>> -> memref<1x200x64xf32, #tpu.memory_space<vmem>>
    %dma_wait3A_53 = arith.constant 0 : i32
    %dma_wait3A_54 = arith.constant 0 : i32
    %dma_wait3A_55 = tpu.memref_slice %arg5[%add3A_47, %dma_wait3A_53, %dma_wait3A_54] : memref<4096x200x64xf32, #tpu.memory_space<hbm>> -> memref<1x200x64xf32, #tpu.memory_space<hbm>>
    %dma_wait3A_56 = arith.constant 0 : i32
    %dma_wait3A_57 = arith.constant 0 : i32
    %dma_wait3A_58 = tpu.memref_slice %arg5[%add3A_47, %dma_wait3A_56, %dma_wait3A_57] : memref<4096x200x64xf32, #tpu.memory_space<hbm>> -> memref<1x200x64xf32, #tpu.memory_space<hbm>>
    %dma_wait3A_59 = arith.constant 0 : i32
    %dma_wait3A_60 = arith.constant 0 : i32
    %dma_wait3A_61 = arith.constant 0 : i32
    %dma_wait3A_62 = tpu.memref_slice %arg8[%dma_wait3A, %dma_wait3A_59, %dma_wait3A_60, %dma_wait3A_61] : memref<4x1x200x64xf32, #tpu.memory_space<vmem>> -> memref<1x1x200x64xf32, #tpu.memory_space<vmem>>
    %dma_wait3A_63 = tpu.memref_squeeze %dma_wait3A_62 : memref<1x1x200x64xf32, #tpu.memory_space<vmem>> -> memref<1x200x64xf32, #tpu.memory_space<vmem>>
    tpu.wait_dma2 semaphore(%arg13 : memref<!tpu.dma_semaphore, #tpu.memory_space<semaphore_mem>>) src(%dma_wait3A_63 : memref<1x200x64xf32, #tpu.memory_space<vmem>>) dst(%dma_wait3A_58 : memref<1x200x64xf32, #tpu.memory_space<hbm>>)
    %add3A_64 = arith.constant 125 : i32
    %add3A_65 = arith.addi %mul3A_2, %add3A_64 : i32
    %dma_wait3A_66 = arith.constant 1 : i32
    %dma_wait3A_67 = arith.constant 0 : i32
    %dma_wait3A_68 = arith.constant 0 : i32
    %dma_wait3A_69 = arith.constant 0 : i32
    %dma_wait3A_70 = tpu.memref_slice %arg8[%dma_wait3A_66, %dma_wait3A_67, %dma_wait3A_68, %dma_wait3A_69] : memref<4x1x200x64xf32, #tpu.memory_space<vmem>> -> memref<1x1x200x64xf32, #tpu.memory_space<vmem>>
    %dma_wait3A_71 = tpu.memref_squeeze %dma_wait3A_70 : memref<1x1x200x64xf32, #tpu.memory_space<vmem>> -> memref<1x200x64xf32, #tpu.memory_space<vmem>>
    %dma_wait3A_72 = arith.constant 0 : i32
    %dma_wait3A_73 = arith.constant 0 : i32
    %dma_wait3A_74 = tpu.memref_slice %arg5[%add3A_65, %dma_wait3A_72, %dma_wait3A_73] : memref<4096x200x64xf32, #tpu.memory_space<hbm>> -> memref<1x200x64xf32, #tpu.memory_space<hbm>>
    %dma_wait3A_75 = arith.constant 0 : i32
    %dma_wait3A_76 = arith.constant 0 : i32
    %dma_wait3A_77 = tpu.memref_slice %arg5[%add3A_65, %dma_wait3A_75, %dma_wait3A_76] : memref<4096x200x64xf32, #tpu.memory_space<hbm>> -> memref<1x200x64xf32, #tpu.memory_space<hbm>>
    %dma_wait3A_78 = arith.constant 0 : i32
    %dma_wait3A_79 = arith.constant 0 : i32
    %dma_wait3A_80 = arith.constant 0 : i32
    %dma_wait3A_81 = tpu.memref_slice %arg8[%dma_wait3A_66, %dma_wait3A_78, %dma_wait3A_79, %dma_wait3A_80] : memref<4x1x200x64xf32, #tpu.memory_space<vmem>> -> memref<1x1x200x64xf32, #tpu.memory_space<vmem>>
    %dma_wait3A_82 = tpu.memref_squeeze %dma_wait3A_81 : memref<1x1x200x64xf32, #tpu.memory_space<vmem>> -> memref<1x200x64xf32, #tpu.memory_space<vmem>>
    tpu.wait_dma2 semaphore(%arg14 : memref<!tpu.dma_semaphore, #tpu.memory_space<semaphore_mem>>) src(%dma_wait3A_82 : memref<1x200x64xf32, #tpu.memory_space<vmem>>) dst(%dma_wait3A_77 : memref<1x200x64xf32, #tpu.memory_space<hbm>>)
    %add3A_83 = arith.constant 126 : i32
    %add3A_84 = arith.addi %mul3A_2, %add3A_83 : i32
    %dma_wait3A_85 = arith.constant 2 : i32
    %dma_wait3A_86 = arith.constant 0 : i32
    %dma_wait3A_87 = arith.constant 0 : i32
    %dma_wait3A_88 = arith.constant 0 : i32
    %dma_wait3A_89 = tpu.memref_slice %arg8[%dma_wait3A_85, %dma_wait3A_86, %dma_wait3A_87, %dma_wait3A_88] : memref<4x1x200x64xf32, #tpu.memory_space<vmem>> -> memref<1x1x200x64xf32, #tpu.memory_space<vmem>>
    %dma_wait3A_90 = tpu.memref_squeeze %dma_wait3A_89 : memref<1x1x200x64xf32, #tpu.memory_space<vmem>> -> memref<1x200x64xf32, #tpu.memory_space<vmem>>
    %dma_wait3A_91 = arith.constant 0 : i32
    %dma_wait3A_92 = arith.constant 0 : i32
    %dma_wait3A_93 = tpu.memref_slice %arg5[%add3A_84, %dma_wait3A_91, %dma_wait3A_92] : memref<4096x200x64xf32, #tpu.memory_space<hbm>> -> memref<1x200x64xf32, #tpu.memory_space<hbm>>
    %dma_wait3A_94 = arith.constant 0 : i32
    %dma_wait3A_95 = arith.constant 0 : i32
    %dma_wait3A_96 = tpu.memref_slice %arg5[%add3A_84, %dma_wait3A_94, %dma_wait3A_95] : memref<4096x200x64xf32, #tpu.memory_space<hbm>> -> memref<1x200x64xf32, #tpu.memory_space<hbm>>
    %dma_wait3A_97 = arith.constant 0 : i32
    %dma_wait3A_98 = arith.constant 0 : i32
    %dma_wait3A_99 = arith.constant 0 : i32
    %dma_wait3A_100 = tpu.memref_slice %arg8[%dma_wait3A_85, %dma_wait3A_97, %dma_wait3A_98, %dma_wait3A_99] : memref<4x1x200x64xf32, #tpu.memory_space<vmem>> -> memref<1x1x200x64xf32, #tpu.memory_space<vmem>>
    %dma_wait3A_101 = tpu.memref_squeeze %dma_wait3A_100 : memref<1x1x200x64xf32, #tpu.memory_space<vmem>> -> memref<1x200x64xf32, #tpu.memory_space<vmem>>
    tpu.wait_dma2 semaphore(%arg15 : memref<!tpu.dma_semaphore, #tpu.memory_space<semaphore_mem>>) src(%dma_wait3A_101 : memref<1x200x64xf32, #tpu.memory_space<vmem>>) dst(%dma_wait3A_96 : memref<1x200x64xf32, #tpu.memory_space<hbm>>)
    %add3A_102 = arith.constant 127 : i32
    %add3A_103 = arith.addi %mul3A_2, %add3A_102 : i32
    %dma_wait3A_104 = arith.constant 3 : i32
    %dma_wait3A_105 = arith.constant 0 : i32
    %dma_wait3A_106 = arith.constant 0 : i32
    %dma_wait3A_107 = arith.constant 0 : i32
    %dma_wait3A_108 = tpu.memref_slice %arg8[%dma_wait3A_104, %dma_wait3A_105, %dma_wait3A_106, %dma_wait3A_107] : memref<4x1x200x64xf32, #tpu.memory_space<vmem>> -> memref<1x1x200x64xf32, #tpu.memory_space<vmem>>
    %dma_wait3A_109 = tpu.memref_squeeze %dma_wait3A_108 : memref<1x1x200x64xf32, #tpu.memory_space<vmem>> -> memref<1x200x64xf32, #tpu.memory_space<vmem>>
    %dma_wait3A_110 = arith.constant 0 : i32
    %dma_wait3A_111 = arith.constant 0 : i32
    %dma_wait3A_112 = tpu.memref_slice %arg5[%add3A_103, %dma_wait3A_110, %dma_wait3A_111] : memref<4096x200x64xf32, #tpu.memory_space<hbm>> -> memref<1x200x64xf32, #tpu.memory_space<hbm>>
    %dma_wait3A_113 = arith.constant 0 : i32
    %dma_wait3A_114 = arith.constant 0 : i32
    %dma_wait3A_115 = tpu.memref_slice %arg5[%add3A_103, %dma_wait3A_113, %dma_wait3A_114] : memref<4096x200x64xf32, #tpu.memory_space<hbm>> -> memref<1x200x64xf32, #tpu.memory_space<hbm>>
    %dma_wait3A_116 = arith.constant 0 : i32
    %dma_wait3A_117 = arith.constant 0 : i32
    %dma_wait3A_118 = arith.constant 0 : i32
    %dma_wait3A_119 = tpu.memref_slice %arg8[%dma_wait3A_104, %dma_wait3A_116, %dma_wait3A_117, %dma_wait3A_118] : memref<4x1x200x64xf32, #tpu.memory_space<vmem>> -> memref<1x1x200x64xf32, #tpu.memory_space<vmem>>
    %dma_wait3A_120 = tpu.memref_squeeze %dma_wait3A_119 : memref<1x1x200x64xf32, #tpu.memory_space<vmem>> -> memref<1x200x64xf32, #tpu.memory_space<vmem>>
    tpu.wait_dma2 semaphore(%arg16 : memref<!tpu.dma_semaphore, #tpu.memory_space<semaphore_mem>>) src(%dma_wait3A_120 : memref<1x200x64xf32, #tpu.memory_space<vmem>>) dst(%dma_wait3A_115 : memref<1x200x64xf32, #tpu.memory_space<hbm>>)
    return
  }
}

</mosaic_0001>

<sc_bundles>
// kernel: kernel.3.cloned.1.call-start
scs
__scs_entry_jumppad:
0x0: {  	(pc) =	sbr.rel $0x88, $3  }
0x1: {  	(tag) =	ssettag $0x0;
	lr =	simm.s32 $0x1  }
0x2: {  	[smem:$0x3F9E] =	sst lr;
	_ =	strace $0xD0000000  }
0x3: {  	_ = 	snop  }
0x4: {  	_ = 	snop  }
0x5: {  	_ = 	snop  }
0x6: {  	_ = 	snop  }
0x7: {  	_ = 	snop  }
__scs_overlays_trampoline_lowered:
0x8: {  	[smem:$0x3FAD] =	sst s0  }
0x9: {  	[smem:$0x3FAE] =	sst s1  }
0xa: {  	[smem:$0x3FAF] =	sst s2  }
0xb: {  	[smem:$0x3FB0] =	sst s3  }
0xc: {  	[smem:$0x3FB1] =	sst s4  }
0xd: {  	[smem:$0x3FB2] =	sst s5  }
0xe: {  	[smem:$0x3FB3] =	sst s6  }
0xf: {  	[smem:$0x3FB4] =	sst s7  }
0x10: {  	[smem:$0x3FB5] =	sst s8  }
0x11: {  	[smem:$0x3FB6] =	sst s9;
	s0 =	simm.s32 @!p0 $0x0  }
0x12: {  	s1 =	sld [smem:$0x3F9C];
	s0 =	simm.s32 @p0 $0x1  }
0x13: {  	[smem:$0x3FB7] =	sst s0;
	s0 =	simm.s32 @!p1 $0x0  }
0x14: {  	s2 =	sld [smem:$0x3F9B];
	s0 =	simm.s32 @p1 $0x1  }
0x15: {  	[smem:$0x3FB8] =	sst s0;
	s0 =	simm.s32 @!p2 $0x0  }
0x16: {  	s3 =	sld [smem:$0x3FDB];
	s0 =	simm.s32 @p2 $0x1  }
0x17: {  	s4 =	simm.s32 $0x1BF5;
	[smem:$0x3FBA] =	sst s0  }
0x18: {  	s0 =	sld [smem:$0x3F9D];
	_ =	swait.ge [sflag:s4], $0x0  }
0x19: {  	s7 =	sld [smem:$0x3F9E]  }
0x1a: {  	s8 =	sadd.s32 $0xFFFFE003, lr  }
0x1b: {  	s9 =	sadd.s32 $0xFFFFFEF7, lr;
	s5 =	simm.s32 $0xFFFFFFFF;
	p2 =	slt.u32 s8, $0xFFFFF086  }
0x1c: {  	p1 =	slt.u32 s9, $0xF7A;
	s5 =	simm.s32 @!p2 $0x0  }
0x1d: {  	s5 =	simm.s32 @p1 $0x1;
	p0 =	seq.s32 s7, s2  }
0x1e: {  	s7 =	smul.u32 @!p0 $0xF7A, s2;
	p2 =	seq.s32 @!p0 s5, $0x0  }
0x1f: {  	s9 =	smul.u32 $0xF7A, s1;
	s8 =	simm.s32 @!p0 $0x1BF5;
	p2 =	por !p2, p0  }
0x20: {  	[sflag:s8] =	ssyncset.s32 @!p0 $0xFFFFF086;
	s6 =	sadd.s32 @!p0 s3, s7;
	s7 =	simm.s32 @!p0 $0x108  }
0x21: {  	s3 =	sadd.s32 s3, s9;
	s6 =	sadd.s32 @!p0 $0x88, s6;
	s7 =	simm.s32 @p2 $0x1082  }
0x22: {  	[simem:s7], [sflag:s8] =	dma.local @!p0 [hbm:s6], $0xF7A  }
0x23: {  	s9 =	sor.u32 $0xD0000000, s2;
	s6 =	simm.s32 $0x108;
	_ =	swait.ge @!p0 [sflag:s8], $0x0  }
0x24: {  	s3 =	sadd.s32 $0x88, s3;
	s6 =	simm.s32 @!p1 $0x1082;
	[sflag:s4] =	ssyncset.s32 $0xFFFFF086  }
0x25: {  	[simem:s6], [sflag:s4] =	dma.local [hbm:s3], $0xF7A  }
0x26: {  	[smem:$0x3F9E] =	sst s1;
	(tag) =	ssettag s2;
	_ =	strace s9  }
0x27: {  	s1 =	sld [smem:$0x3FAE]  }
0x28: {  	s2 =	sld [smem:$0x3FAF]  }
0x29: {  	s4 =	sld [smem:$0x3FB1]  }
0x2a: {  	p0 =	seq.s32 s5, $0x0;
	s5 =	sld [smem:$0x3FB2]  }
0x2b: {  	s6 =	sld [smem:$0x3FB3]  }
0x2c: {  	s7 =	sld [smem:$0x3FB4]  }
0x2d: {  	s3 =	simm.s32 $0x108;
	s8 =	sld [smem:$0x3FB5]  }
0x2e: {  	s3 =	simm.s32 @!p0 $0x1082;
	s9 =	sld [smem:$0x3FB6]  }
0x2f: {  	lr =	sadd.s32 s0, s3;
	s0 =	sld [smem:$0x3FAD]  }
0x30: {  	s3 =	sld [smem:$0x3FB0]  }
0x31: {  	[smem:$0x3FB9] =	sst s10  }
0x32: {  	s10 =	sld [smem:$0x3FB7];
	_ =	sdelay $0x3  }
0x33: {  	p0 =	seq.s32 s10, $0x1;
	s10 =	sld [smem:$0x3FB9];
	_ =	sdelay $0x3  }
0x34: {  	[smem:$0x3FB9] =	sst s10  }
0x35: {  	s10 =	sld [smem:$0x3FB8];
	_ =	sdelay $0x3  }
0x36: {  	p1 =	seq.s32 s10, $0x1;
	s10 =	sld [smem:$0x3FB9];
	_ =	sdelay $0x3  }
0x37: {  	[smem:$0x3FB9] =	sst s10  }
0x38: {  	s10 =	sld [smem:$0x3FBA]  }
0x39: {  	_ = 	snop;
	(pc) =	sbr.ind lr, $3  }
0x3a: {  	_ = 	snop  }
0x3b: {  	_ = 	snop  }
0x3c: {  	p2 =	seq.s32 s10, $0x1;
	s10 =	sld [smem:$0x3FB9]  }
0x3d: {  	_ =	shalt  }
0x3e: {  	_ =	shalt  }
0x3f: {  	_ =	shalt  }
0x40: {  	_ =	shalt  }
0x41: {  	_ =	shalt  }
0x42: {  	_ =	shalt  }
0x43: {  	_ =	shalt  }
0x44: {  	_ =	shalt  }
0x45: {  	_ =	shalt  }
0x46: {  	_ =	shalt  }
0x47: {  	_ =	shalt  }
0x48: {  	_ =	shalt  }
0x49: {  	_ =	shalt  }
0x4a: {  	_ =	shalt  }
0x4b: {  	_ =	shalt  }
0x4c: {  	_ =	shalt  }
0x4d: {  	_ =	shalt  }
0x4e: {  	_ =	shalt  }
0x4f: {  	_ =	shalt  }
0x50: {  	_ =	shalt  }
0x51: {  	_ =	shalt  }
0x52: {  	_ =	shalt  }
0x53: {  	_ =	shalt  }
0x54: {  	_ =	shalt  }
0x55: {  	_ =	shalt  }
0x56: {  	_ =	shalt  }
0x57: {  	_ =	shalt  }
0x58: {  	_ =	shalt  }
0x59: {  	_ =	shalt  }
0x5a: {  	_ =	shalt  }
0x5b: {  	_ =	shalt  }
0x5c: {  	_ =	shalt  }
0x5d: {  	_ =	shalt  }
0x5e: {  	_ =	shalt  }
0x5f: {  	_ =	shalt  }
0x60: {  	_ =	shalt  }
0x61: {  	_ =	shalt  }
0x62: {  	_ =	shalt  }
0x63: {  	_ =	shalt  }
0x64: {  	_ =	shalt  }
0x65: {  	_ =	shalt  }
0x66: {  	_ =	shalt  }
0x67: {  	_ =	shalt  }
0x68: {  	_ =	shalt  }
0x69: {  	_ =	shalt  }
0x6a: {  	_ =	shalt  }
0x6b: {  	_ =	shalt  }
0x6c: {  	_ =	shalt  }
0x6d: {  	_ =	shalt  }
0x6e: {  	_ =	shalt  }
0x6f: {  	_ =	shalt  }
0x70: {  	_ =	shalt  }
0x71: {  	_ =	shalt  }
0x72: {  	_ =	shalt  }
0x73: {  	_ =	shalt  }
0x74: {  	_ =	shalt  }
0x75: {  	_ =	shalt  }
0x76: {  	_ =	shalt  }
0x77: {  	_ =	shalt  }
0x78: {  	_ =	shalt  }
0x79: {  	_ =	shalt  }
0x7a: {  	_ =	shalt  }
0x7b: {  	_ =	shalt  }
0x7c: {  	_ =	shalt  }
0x7d: {  	_ =	shalt  }
0x7e: {  	_ =	shalt  }
0x7f: {  	_ =	shalt  }
0x80: {  	_ =	shalt  }
0x81: {  	_ =	shalt  }
0x82: {  	_ =	shalt  }
0x83: {  	_ =	shalt  }
0x84: {  	_ =	shalt  }
0x85: {  	_ =	shalt  }
0x86: {  	_ =	shalt  }
0x87: {  	_ =	shalt  }
.Lfunc_end0:
.L_simem_size_0:
called_computation.1_lowered:
.L_overlay_start_0:
0x88: {  	s2 =	sld [smem:$0x3FD9]  }
0x89: {  	s3 =	sld [smem:$0x3FFE];
	_ =	sdelay $0x1  }
0x8a: {  	s1 =	srdreg.scid  }
0x8b: {  	s0 =	sand.u32 $0x1, s1  }
0x8c: {  	s17 =	sshll.u32 s0, $0xA;
	s2 =	sadd.s32 s3, s2  }
0x8d: {  	s2 =	sadd.s32 s2, s17  }
0x8e: {  	[smem:$0x3FC5] =	sst s2  }
0x8f: {  	_ = 	snop  }
0x90: {  	s2 =	sld [smem:$0x3FD0];
	(tm) =	ssettm $0x1  }
0x91: {  	s18 =	sld [smem:$0x3FFB];
	_ =	sdelay $0x3  }
0x92: {  	_ =	strace s18  }
0x93: {  	s3 =	sld [smem:$0x3FFC];
	_ =	sdelay $0x3  }
0x94: {  	_ =	strace s3  }
0x95: {  	s3 =	sld [smem:$0x3FFD];
	_ =	sdelay $0x3  }
0x96: {  	_ =	strace s3  }
0x97: {  	_ =	strace $0x8FFFFFFF  }
0x98: {  	s19 =	sld [smem:$0x3FDB];
	_ =	sdelay $0x1  }
0x99: {  	s4 =	simm.s32 $_scs_section_size  }
0x9a: {  	s5 =	simm.s32 $_size__tile_overlayer_lowered;
	s6 =	simm.s32 $_tile_overlayer_lowered  }
0x9b: {  	s22 =	simm.s32 $0x1BFF;
	s21 =	sshll.u32 s6, $0x1;
	s3 =	sadd.s32 s4, s19  }
0x9c: {  	s7 =	simm.s32 $0x0;
	s20 =	sshll.u32 s5, $0x1;
	s5 =	sadd.s32 s21, s3  }
0x9d: {  	[timem:s7], [sflag:s22] =	dma.local [hbm:s5], s20  }
0x9e: {  	_ =	swait.ge [sflag:s22], s20  }
0x9f: {  	s4 =	ssub.s32 $0x0, s20;
	[sflag:s22] =	ssyncset.done $0x0  }
0xa0: {  	[sflag:s22] =	ssyncadd.s32 s4;
	_ =	sdelay $0x1  }
0xa1: {  	s23 =	simm.s32 $0x1B8B  }
0xa2: {  	_ =	swait.ge [sflag:s23], $0x1  }
0xa3: {  	[sflag:s23] =	ssyncset.done $0x0  }
0xa4: {  	s25 =	simm.s32 $0x1B8E;
	s24 =	sld [smem:$0x3FFE];
	[sflag:s23] =	ssyncadd.s32 $0xFFFFFFFF  }
0xa5: {  	s26 =	simm.s32 $execute0_lowered;
	[smem:$0x3FD2] =	sst s25  }
0xa6: {  	s5 =	sshll.u32 s26, $0x1;
	_ =	strace $0x80000046;
	[dreg:$0x1] =	wrdreg $0xFFFFFFFF  }
0xa7: {  	s28 =	simm.s32 $_size_execute0_lowered;
	s3 =	sadd.s32 s3, s5;
	[dreg:$0x0] =	wrdreg $0x0  }
0xa8: {  	s5 =	sshll.u32 s28, $0x1;
	[dreg:$0x2] =	wrdreg s3  }
0xa9: {  	[dreg:$0x3] =	wrdreg s5  }
0xaa: {  	[dreg:$0x4] =	wrdreg $0xC0  }
0xab: {  	_ =	task [dreg:s7], $0x5FFFF  }
0xac: {  	[dreg:$0x1] =	wrdreg $0xFFFFFFFF  }
0xad: {  	[dreg:$0x0] =	wrdreg $0x60  }
0xae: {  	[dreg:$0x2] =	wrdreg s24  }
0xaf: {  	[dreg:$0x3] =	wrdreg s2  }
0xb0: {  	[dreg:$0x4] =	wrdreg $0x9  }
0xb1: {  	_ =	task.clear_ibuf [dreg:s7], $0x5FFFF;
	_ =	strace $0x90000046  }
0xb2: {  	s29 =	simm.s32 $0x9;
	_ =	strace $0x80000048  }
0xb3: {  	_ =	swait.ge [sflag:s29], $0x1  }
0xb4: {  	[sflag:s29] =	ssyncadd.s32 $0xFFFFFFFF  }
0xb5: {  	_ =	strace $0x90000048  }
0xb6: {  	_ =	sfence  }
0xb7: {  	s30 =	sld [smem:$0x0];
	_ =	sdelay $0x2  }
0xb8: {  	s31 =	sshll.u32 s1, $0xD;
	s1 =	sshrl.u32 s1, $0x2  }
0xb9: {  	s3 =	sand.u32 $0x4000, s31;
	s1 =	sadd.s32 s1, s30  }
0xba: {  	s0 =	sor.u32 s3, s0;
	s1 =	sshll.u32 s1, $0x11  }
0xbb: {  	s0 =	sor.u32 s1, s0  }
0xbc: {  	s0 =	sadd.s32 $0x8F2B, s0  }
0xbd: {  	[sflag:s0] =	ssyncadd.remote.s32 $0x1  }
0xbe: {  	_ =	sfence.sel $0xFFFF  }
0xbf: {  	[dreg:$0x0] =	wrdreg $0xFFFFFFFF;
	(pc) =	sbr.abs _section_cstart, $3  }
0xc0: {  	[dreg:$0x1] =	wrdreg $0xFFFFFFFF  }
0xc1: {  	_ =	task.clear_ibuf [dreg:s7], $0x2FFFF;
	_ =	strace $0x9FFFFFFF  }
0xc2: {  	(tm) =	ssettm $0x7FFFFFFF  }
0xc3: {  	_ =	shalt  }
tec
execute0_lowered:
.L_overlay_start_1:
0x0: {  	(tag) =	ssettag $0x1  }
0x1: {  	s0 =	srdreg.scid;
	s1 =	rddreg [dreg:$0x0]  }
0x2: {  	s3 =	stileid.u32;
	s2 =	rddreg [dreg:$0x1]  }
0x3: {  	s9 =	simm.s32 $0x9;
	s10 =	simm.s32 $0x4000;
	s11 =	simm.s32 $0xC8  }
0x4: {  	s12 =	simm.s32 $0xA400;
	s14 =	simm.s32 $0xD600;
	s15 =	simm.s32 $0x4190  }
0x5: {  	s16 =	simm.s32 $0x10800;
	s17 =	simm.s32 $0x13A00;
	s18 =	simm.s32 $0x1  }
0x6: {  	s19 =	simm.s32 $0x2;
	s20 =	simm.s32 $0x3;
	s21 =	simm.s32 $0x4  }
0x7: {  	s22 =	simm.s32 $0x5;
	s23 =	simm.s32 $0x6;
	s0 =	sand.u32 $0x1, s0  }
0x8: {  	s24 =	simm.s32 $0x7;
	s4 =	sshll.u32 s3, $0x8;
	s5 =	sshll.u32 s0, $0x7  }
0x9: {  	s25 =	simm.s32 $0x8;
	s3 =	simm.s32 $0x0;
	s4 =	sor.u32 s5, s4  }
0xa: {  	[smem:$0x7FF] =	sst s3;
	s0 =	ssub.s32 $0x2, s0;
	s5 =	smul.u32 $0x19, s4  }
0xb: {  	s26 =	simm.s32 $0x0;
	_ =	strace $0x80000047;
	s6 =	sshrl.u32 s0, $0x1  }
0xc: {  	s0 =	ssub.s32 s0, s6;
	s6 =	sadd.s32 $0x19C00, s1;
	s7 =	sadd.s32 s5, s1  }
0xd: {  	s8 =	smax.u32 s0, $0x1;
	s5 =	sadd.s32 $0xF43000, s1;
	s7 =	sadd.s32 $0xC00, s7  }
.LBB2_1:
0xe: {  	[tilespmem:s3], [sflag:$0x9] =	stream.linear.gather [hbm4b:s6+s3], $0x4000, $0x38;
	[tilespmem:$0x16C00] =	vst v63  }
0xf: {  	_ =	swait.ge [sflag:s9], $0x4000  }
0x10: {  	[sflag:s9] =	ssyncset.done $0x0  }
0x11: {  	[sflag:s9] =	ssyncadd.s32 $0xFFFFC000  }
0x12: {  	[tilespmem:s10], [sflag:$0x9] =	stream.linear.gather [hbm4b:s7+s3], $0x6400, $0x38;
	[tilespmem:$0x16C00] =	vst v63  }
0x13: {  	_ =	swait.ge [sflag:s9], $0x6400  }
0x14: {  	[sflag:s9] =	ssyncset.done $0x0  }
0x15: {  	[sflag:s9] =	ssyncadd.s32 $0xFFFF9C00  }
0x16: {  	[tilespmem:s12], [sflag:$0x1] =	stream.indirect.gather [hbm4b:s5+s11], $0x40, s10, s11, $0xb8;
	[tilespmem:$0x16C00] =	vst v63  }
0x17: {  	s0 =	simm.s32 $0x40C8  }
0x18: {  	[tilespmem:s14], [sflag:$0x2] =	stream.indirect.gather [hbm4b:s5+s11], $0x40, s0, s11, $0xb8;
	[tilespmem:$0x16C00] =	vst v63  }
0x19: {  	s28 =	simm.s32 $0x0  }
0x1a: {  	[tilespmem:s16], [sflag:$0x3] =	stream.indirect.gather [hbm4b:s5+s11], $0x40, s15, s11, $0xb8;
	[tilespmem:$0x16C00] =	vst v63  }
.LBB2_2:
0x1b: {  	s29 =	sshllo.u32 s28, $0x2;
	p0 =	seq.s32 s28, $0x0  }
0x1c: {  	s0 =	simm.s32 @!p0 $0x8;
	s1 =	smul.u32 $0x320, s29  }
0x1d: {  	_ =	swait.ge @!p0 [sflag:s0], $0x3200  }
0x1e: {  	[sflag:s0] =	ssyncset.done @!p0 $0x0;
	s1 =	sshra.s32 s1, $0x2  }
0x1f: {  	[sflag:s0] =	ssyncadd.s32 @!p0 $0xFFFFCE00;
	s31 =	sadd.s32 $0x4000, s1  }
0x20: {  	[tilespmem:s17], [sflag:$0x4] =	stream.indirect.gather [hbm4b:s5+s11], $0x40, s31, s11, $0xb8;
	[tilespmem:$0x16C00] =	vst v63  }
0x21: {  	_ =	swait.ge [sflag:s18], $0x3200  }
0x22: {  	s30 =	sshll.u32 s28, $0x2;
	[sflag:s18] =	ssyncset.done $0x0  }
0x23: {  	s1 =	simm.s32 $0x0;
	s0 =	simm.s32 $0x800;
	[sflag:s18] =	ssyncadd.s32 $0xFFFFCE00  }
.LBB2_3:
0x24: {  	p0 =	sne.s32 s0, $0xC000;
	v0 =	vld [tilespmem:s1+$0x230]  }
0x25: {  	v1 =	vld [tilespmem:s1+$0x40]  }
0x26: {  	v2 =	vld [tilespmem:s1+$0x50]  }
0x27: {  	v3 =	vld [tilespmem:s1+$0x60]  }
0x28: {  	v4 =	vld [tilespmem:s1+$0x70]  }
0x29: {  	[tilespmem:s1+$0xA5F0] =	vst.add.f32.msk $0xffff, v0  }
0x2a: {  	v0 =	vld [tilespmem:s1+$0x80]  }
0x2b: {  	v5 =	vld [tilespmem:s1+$0x90]  }
0x2c: {  	v6 =	vld [tilespmem:s1+$0xA0]  }
0x2d: {  	v7 =	vld [tilespmem:s1+$0xB0]  }
0x2e: {  	v8 =	vld [tilespmem:s1+$0xC0]  }
0x2f: {  	v9 =	vld [tilespmem:s1+$0xD0]  }
0x30: {  	v10 =	vld [tilespmem:s1+$0xE0]  }
0x31: {  	v11 =	vld [tilespmem:s1+$0xF0]  }
0x32: {  	v12 =	vld [tilespmem:s1+$0x100]  }
0x33: {  	v13 =	vld [tilespmem:s1+$0x110]  }
0x34: {  	v14 =	vld [tilespmem:s1+$0x120]  }
0x35: {  	v15 =	vld [tilespmem:s1+$0x130]  }
0x36: {  	v16 =	vld [tilespmem:s1+$0x140]  }
0x37: {  	v17 =	vld [tilespmem:s1+$0x150]  }
0x38: {  	v18 =	vld [tilespmem:s1+$0x160]  }
0x39: {  	v19 =	vld [tilespmem:s1+$0x170]  }
0x3a: {  	v20 =	vld [tilespmem:s1+$0x180]  }
0x3b: {  	v21 =	vld [tilespmem:s1+$0x190]  }
0x3c: {  	v22 =	vld [tilespmem:s1+$0x1A0]  }
0x3d: {  	v23 =	vld [tilespmem:s1+$0x1B0]  }
0x3e: {  	v24 =	vld [tilespmem:s1+$0x1C0]  }
0x3f: {  	v25 =	vld [tilespmem:s1+$0x1D0]  }
0x40: {  	v26 =	vld [tilespmem:s1+$0x1E0]  }
0x41: {  	v27 =	vld [tilespmem:s1+$0x1F0]  }
0x42: {  	v28 =	vld [tilespmem:s1+$0x200]  }
0x43: {  	v29 =	vld [tilespmem:s1+$0x210]  }
0x44: {  	v30 =	vld [tilespmem:s1+$0x220]  }
0x45: {  	[tilespmem:s1+$0xA400] =	vst.add.f32.msk $0xffff, v1  }
0x46: {  	[tilespmem:s1+$0xA410] =	vst.add.f32.msk $0xffff, v2  }
0x47: {  	[tilespmem:s1+$0xA420] =	vst.add.f32.msk $0xffff, v3  }
0x48: {  	[tilespmem:s1+$0xA430] =	vst.add.f32.msk $0xffff, v4  }
0x49: {  	[tilespmem:s1+$0xA440] =	vst.add.f32.msk $0xffff, v0  }
0x4a: {  	[tilespmem:s1+$0xA450] =	vst.add.f32.msk $0xffff, v5  }
0x4b: {  	[tilespmem:s1+$0xA460] =	vst.add.f32.msk $0xffff, v6  }
0x4c: {  	[tilespmem:s1+$0xA470] =	vst.add.f32.msk $0xffff, v7  }
0x4d: {  	[tilespmem:s1+$0xA480] =	vst.add.f32.msk $0xffff, v8  }
0x4e: {  	[tilespmem:s1+$0xA490] =	vst.add.f32.msk $0xffff, v9  }
0x4f: {  	[tilespmem:s1+$0xA4A0] =	vst.add.f32.msk $0xffff, v10  }
0x50: {  	[tilespmem:s1+$0xA4B0] =	vst.add.f32.msk $0xffff, v11  }
0x51: {  	[tilespmem:s1+$0xA4C0] =	vst.add.f32.msk $0xffff, v12  }
0x52: {  	[tilespmem:s1+$0xA4D0] =	vst.add.f32.msk $0xffff, v13  }
0x53: {  	[tilespmem:s1+$0xA4E0] =	vst.add.f32.msk $0xffff, v14  }
0x54: {  	[tilespmem:s1+$0xA4F0] =	vst.add.f32.msk $0xffff, v15  }
0x55: {  	[tilespmem:s1+$0xA500] =	vst.add.f32.msk $0xffff, v16  }
0x56: {  	[tilespmem:s1+$0xA510] =	vst.add.f32.msk $0xffff, v17  }
0x57: {  	[tilespmem:s1+$0xA520] =	vst.add.f32.msk $0xffff, v18  }
0x58: {  	[tilespmem:s1+$0xA530] =	vst.add.f32.msk $0xffff, v19  }
0x59: {  	[tilespmem:s1+$0xA540] =	vst.add.f32.msk $0xffff, v20  }
0x5a: {  	[tilespmem:s1+$0xA550] =	vst.add.f32.msk $0xffff, v21  }
0x5b: {  	[tilespmem:s1+$0xA560] =	vst.add.f32.msk $0xffff, v22  }
0x5c: {  	[tilespmem:s1+$0xA570] =	vst.add.f32.msk $0xffff, v23  }
0x5d: {  	[tilespmem:s1+$0xA580] =	vst.add.f32.msk $0xffff, v24  }
0x5e: {  	[tilespmem:s1+$0xA590] =	vst.add.f32.msk $0xffff, v25  }
.Ltmp0:
0x5f: {  	[tilespmem:s1+$0xA5A0] =	vst.add.f32.msk $0xffff, v26;
	(pc) =	sbr.rel @p0 .LBB2_3-.Ltmp0, $4  }
0x60: {  	[tilespmem:s1+$0xA5B0] =	vst.add.f32.msk $0xffff, v27  }
0x61: {  	[tilespmem:s1+$0xA5C0] =	vst.add.f32.msk $0xffff, v28  }
0x62: {  	[tilespmem:s1+$0xA5D0] =	vst.add.f32.msk $0xffff, v29  }
0x63: {  	[tilespmem:s1+$0xA5E0] =	vst.add.f32.msk $0xffff, v30;
	s1 =	sshra.s32 s0, $0x2;
	s0 =	sadd.s32 $0x800, s0  }
0x64: {  	v0 =	vld [tilespmem:s1+$0x230]  }
0x65: {  	v1 =	vld [tilespmem:s1+$0x40]  }
0x66: {  	v2 =	vld [tilespmem:s1+$0x50]  }
0x67: {  	v3 =	vld [tilespmem:s1+$0x60]  }
0x68: {  	v4 =	vld [tilespmem:s1+$0x70]  }
0x69: {  	v63 =	vld [tilespmem:s1+$0x80]  }
0x6a: {  	v5 =	vld [tilespmem:s1+$0x90]  }
0x6b: {  	v6 =	vld [tilespmem:s1+$0xA0]  }
0x6c: {  	v7 =	vld [tilespmem:s1+$0xB0]  }
0x6d: {  	v8 =	vld [tilespmem:s1+$0xC0]  }
0x6e: {  	v9 =	vld [tilespmem:s1+$0xD0]  }
0x6f: {  	v10 =	vld [tilespmem:s1+$0xE0]  }
0x70: {  	v11 =	vld [tilespmem:s1+$0xF0]  }
0x71: {  	v12 =	vld [tilespmem:s1+$0x100]  }
0x72: {  	v13 =	vld [tilespmem:s1+$0x110]  }
0x73: {  	v14 =	vld [tilespmem:s1+$0x120]  }
0x74: {  	v15 =	vld [tilespmem:s1+$0x130]  }
0x75: {  	v16 =	vld [tilespmem:s1+$0x140]  }
0x76: {  	v17 =	vld [tilespmem:s1+$0x150]  }
0x77: {  	v18 =	vld [tilespmem:s1+$0x160]  }
0x78: {  	v19 =	vld [tilespmem:s1+$0x170]  }
0x79: {  	v20 =	vld [tilespmem:s1+$0x180]  }
0x7a: {  	v21 =	vld [tilespmem:s1+$0x190]  }
0x7b: {  	v22 =	vld [tilespmem:s1+$0x1A0]  }
0x7c: {  	v23 =	vld [tilespmem:s1+$0x1B0]  }
0x7d: {  	v24 =	vld [tilespmem:s1+$0x1C0]  }
0x7e: {  	v25 =	vld [tilespmem:s1+$0x1D0]  }
0x7f: {  	v26 =	vld [tilespmem:s1+$0x1E0]  }
0x80: {  	v27 =	vld [tilespmem:s1+$0x1F0]  }
0x81: {  	v28 =	vld [tilespmem:s1+$0x200]  }
0x82: {  	v29 =	vld [tilespmem:s1+$0x210]  }
0x83: {  	v30 =	vld [tilespmem:s1+$0x220]  }
0x84: {  	[tilespmem:s1+$0xA5F0] =	vst.add.f32.msk $0xffff, v0  }
0x85: {  	[tilespmem:s1+$0xA400] =	vst.add.f32.msk $0xffff, v1  }
0x86: {  	[tilespmem:s1+$0xA410] =	vst.add.f32.msk $0xffff, v2  }
0x87: {  	[tilespmem:s1+$0xA420] =	vst.add.f32.msk $0xffff, v3  }
0x88: {  	[tilespmem:s1+$0xA430] =	vst.add.f32.msk $0xffff, v4  }
0x89: {  	[tilespmem:s1+$0xA440] =	vst.add.f32.msk $0xffff, v63  }
0x8a: {  	[tilespmem:s1+$0xA450] =	vst.add.f32.msk $0xffff, v5  }
0x8b: {  	[tilespmem:s1+$0xA460] =	vst.add.f32.msk $0xffff, v6  }
0x8c: {  	[tilespmem:s1+$0xA470] =	vst.add.f32.msk $0xffff, v7  }
0x8d: {  	[tilespmem:s1+$0xA480] =	vst.add.f32.msk $0xffff, v8  }
0x8e: {  	[tilespmem:s1+$0xA490] =	vst.add.f32.msk $0xffff, v9  }
0x8f: {  	[tilespmem:s1+$0xA4A0] =	vst.add.f32.msk $0xffff, v10  }
0x90: {  	[tilespmem:s1+$0xA4B0] =	vst.add.f32.msk $0xffff, v11  }
0x91: {  	[tilespmem:s1+$0xA4C0] =	vst.add.f32.msk $0xffff, v12  }
0x92: {  	[tilespmem:s1+$0xA4D0] =	vst.add.f32.msk $0xffff, v13  }
0x93: {  	[tilespmem:s1+$0xA4E0] =	vst.add.f32.msk $0xffff, v14  }
0x94: {  	[tilespmem:s1+$0xA4F0] =	vst.add.f32.msk $0xffff, v15  }
0x95: {  	[tilespmem:s1+$0xA500] =	vst.add.f32.msk $0xffff, v16  }
0x96: {  	[tilespmem:s1+$0xA510] =	vst.add.f32.msk $0xffff, v17  }
0x97: {  	[tilespmem:s1+$0xA520] =	vst.add.f32.msk $0xffff, v18  }
0x98: {  	[tilespmem:s1+$0xA530] =	vst.add.f32.msk $0xffff, v19  }
0x99: {  	[tilespmem:s1+$0xA540] =	vst.add.f32.msk $0xffff, v20  }
0x9a: {  	[tilespmem:s1+$0xA550] =	vst.add.f32.msk $0xffff, v21  }
0x9b: {  	[tilespmem:s1+$0xA560] =	vst.add.f32.msk $0xffff, v22  }
0x9c: {  	[tilespmem:s1+$0xA570] =	vst.add.f32.msk $0xffff, v23  }
0x9d: {  	[tilespmem:s1+$0xA580] =	vst.add.f32.msk $0xffff, v24  }
0x9e: {  	[tilespmem:s1+$0xA590] =	vst.add.f32.msk $0xffff, v25  }
0x9f: {  	[tilespmem:s1+$0xA5A0] =	vst.add.f32.msk $0xffff, v26  }
0xa0: {  	s0 =	sadd.s32 s4, s30;
	[tilespmem:s1+$0xA5B0] =	vst.add.f32.msk $0xffff, v27  }
0xa1: {  	s0 =	smul.u32 $0x640, s0;
	[tilespmem:s1+$0xA5C0] =	vst.add.f32.msk $0xffff, v28  }
0xa2: {  	[tilespmem:s1+$0xA5D0] =	vst.add.f32.msk $0xffff, v29  }
0xa3: {  	p0 =	seq.s32 s28, $0x1F;
	s0 =	sadd.s32 s2, s0;
	[tilespmem:s1+$0xA5E0] =	vst.add.f32.msk $0xffff, v30  }
0xa4: {  	[hbm4b:s0+s3] =	stream.linear.scatter [tilespmem:s12], [sflag:$0x5], $0x3200, $0x38;
	[tilespmem:$0x16C00] =	vst v63  }
0xa5: {  	s1 =	smul.u32 @!p0 $0xC80, s28;
	s0 =	simm.s32 @!p0 $0x5  }
0xa6: {  	_ =	swait.ge @!p0 [sflag:s0], $0x3200  }
0xa7: {  	s13 =	simm.s32 @!p0 $0xA400;
	s31 =	sshra.s32 @!p0 s1, $0x2;
	[sflag:s0] =	ssyncset.done @!p0 $0x0  }
0xa8: {  	s1 =	simm.s32 @!p0 $0xC8;
	[sflag:s0] =	ssyncadd.s32 @!p0 $0xFFFFCE00;
	s0 =	sadd.s32 @!p0 $0x4320, s31  }
0xa9: {  	[tilespmem:s13], [sflag:$0x1] =	stream.indirect.gather @!p0 [hbm4b:s5+s1], $0x40, s0, s1, $0xb8;
	[tilespmem:$0x16C00] =	vst v63  }
0xaa: {  	_ =	swait.ge [sflag:s19], $0x3200  }
0xab: {  	s1 =	sor.u32 $0x1, s30;
	[sflag:s19] =	ssyncset.done $0x0  }
0xac: {  	s0 =	simm.s32 $0x0;
	s13 =	simm.s32 $0x800;
	[sflag:s19] =	ssyncadd.s32 $0xFFFFCE00  }
.LBB2_5:
0xad: {  	p1 =	sne.s32 s13, $0xC000;
	v0 =	vld [tilespmem:s0+$0x230]  }
0xae: {  	v1 =	vld [tilespmem:s0+$0x40]  }
0xaf: {  	v2 =	vld [tilespmem:s0+$0x50]  }
0xb0: {  	v3 =	vld [tilespmem:s0+$0x60]  }
0xb1: {  	v4 =	vld [tilespmem:s0+$0x70]  }
0xb2: {  	[tilespmem:s0+$0xD7F0] =	vst.add.f32.msk $0xffff, v0  }
0xb3: {  	v0 =	vld [tilespmem:s0+$0x80]  }
0xb4: {  	v5 =	vld [tilespmem:s0+$0x90]  }
0xb5: {  	v6 =	vld [tilespmem:s0+$0xA0]  }
0xb6: {  	v7 =	vld [tilespmem:s0+$0xB0]  }
0xb7: {  	v8 =	vld [tilespmem:s0+$0xC0]  }
0xb8: {  	v9 =	vld [tilespmem:s0+$0xD0]  }
0xb9: {  	v10 =	vld [tilespmem:s0+$0xE0]  }
0xba: {  	v11 =	vld [tilespmem:s0+$0xF0]  }
0xbb: {  	v12 =	vld [tilespmem:s0+$0x100]  }
0xbc: {  	v13 =	vld [tilespmem:s0+$0x110]  }
0xbd: {  	v14 =	vld [tilespmem:s0+$0x120]  }
0xbe: {  	v15 =	vld [tilespmem:s0+$0x130]  }
0xbf: {  	v16 =	vld [tilespmem:s0+$0x140]  }
0xc0: {  	v17 =	vld [tilespmem:s0+$0x150]  }
0xc1: {  	v18 =	vld [tilespmem:s0+$0x160]  }
0xc2: {  	v19 =	vld [tilespmem:s0+$0x170]  }
0xc3: {  	v20 =	vld [tilespmem:s0+$0x180]  }
0xc4: {  	v21 =	vld [tilespmem:s0+$0x190]  }
0xc5: {  	v22 =	vld [tilespmem:s0+$0x1A0]  }
0xc6: {  	v23 =	vld [tilespmem:s0+$0x1B0]  }
0xc7: {  	v24 =	vld [tilespmem:s0+$0x1C0]  }
0xc8: {  	v25 =	vld [tilespmem:s0+$0x1D0]  }
0xc9: {  	v26 =	vld [tilespmem:s0+$0x1E0]  }
0xca: {  	v27 =	vld [tilespmem:s0+$0x1F0]  }
0xcb: {  	v28 =	vld [tilespmem:s0+$0x200]  }
0xcc: {  	v29 =	vld [tilespmem:s0+$0x210]  }
0xcd: {  	v30 =	vld [tilespmem:s0+$0x220]  }
0xce: {  	[tilespmem:s0+$0xD600] =	vst.add.f32.msk $0xffff, v1  }
0xcf: {  	[tilespmem:s0+$0xD610] =	vst.add.f32.msk $0xffff, v2  }
0xd0: {  	[tilespmem:s0+$0xD620] =	vst.add.f32.msk $0xffff, v3  }
0xd1: {  	[tilespmem:s0+$0xD630] =	vst.add.f32.msk $0xffff, v4  }
0xd2: {  	[tilespmem:s0+$0xD640] =	vst.add.f32.msk $0xffff, v0  }
0xd3: {  	[tilespmem:s0+$0xD650] =	vst.add.f32.msk $0xffff, v5  }
0xd4: {  	[tilespmem:s0+$0xD660] =	vst.add.f32.msk $0xffff, v6  }
0xd5: {  	[tilespmem:s0+$0xD670] =	vst.add.f32.msk $0xffff, v7  }
0xd6: {  	[tilespmem:s0+$0xD680] =	vst.add.f32.msk $0xffff, v8  }
0xd7: {  	[tilespmem:s0+$0xD690] =	vst.add.f32.msk $0xffff, v9  }
0xd8: {  	[tilespmem:s0+$0xD6A0] =	vst.add.f32.msk $0xffff, v10  }
0xd9: {  	[tilespmem:s0+$0xD6B0] =	vst.add.f32.msk $0xffff, v11  }
0xda: {  	[tilespmem:s0+$0xD6C0] =	vst.add.f32.msk $0xffff, v12  }
0xdb: {  	[tilespmem:s0+$0xD6D0] =	vst.add.f32.msk $0xffff, v13  }
0xdc: {  	[tilespmem:s0+$0xD6E0] =	vst.add.f32.msk $0xffff, v14  }
0xdd: {  	[tilespmem:s0+$0xD6F0] =	vst.add.f32.msk $0xffff, v15  }
0xde: {  	[tilespmem:s0+$0xD700] =	vst.add.f32.msk $0xffff, v16  }
0xdf: {  	[tilespmem:s0+$0xD710] =	vst.add.f32.msk $0xffff, v17  }
0xe0: {  	[tilespmem:s0+$0xD720] =	vst.add.f32.msk $0xffff, v18  }
0xe1: {  	[tilespmem:s0+$0xD730] =	vst.add.f32.msk $0xffff, v19  }
0xe2: {  	[tilespmem:s0+$0xD740] =	vst.add.f32.msk $0xffff, v20  }
0xe3: {  	[tilespmem:s0+$0xD750] =	vst.add.f32.msk $0xffff, v21  }
0xe4: {  	[tilespmem:s0+$0xD760] =	vst.add.f32.msk $0xffff, v22  }
0xe5: {  	[tilespmem:s0+$0xD770] =	vst.add.f32.msk $0xffff, v23  }
0xe6: {  	[tilespmem:s0+$0xD780] =	vst.add.f32.msk $0xffff, v24  }
0xe7: {  	[tilespmem:s0+$0xD790] =	vst.add.f32.msk $0xffff, v25  }
.Ltmp1:
0xe8: {  	[tilespmem:s0+$0xD7A0] =	vst.add.f32.msk $0xffff, v26;
	(pc) =	sbr.rel @p1 .LBB2_5-.Ltmp1, $4  }
0xe9: {  	[tilespmem:s0+$0xD7B0] =	vst.add.f32.msk $0xffff, v27  }
0xea: {  	[tilespmem:s0+$0xD7C0] =	vst.add.f32.msk $0xffff, v28  }
0xeb: {  	[tilespmem:s0+$0xD7D0] =	vst.add.f32.msk $0xffff, v29  }
0xec: {  	[tilespmem:s0+$0xD7E0] =	vst.add.f32.msk $0xffff, v30;
	s0 =	sshra.s32 s13, $0x2;
	s13 =	sadd.s32 $0x800, s13  }
0xed: {  	v0 =	vld [tilespmem:s0+$0x230]  }
0xee: {  	v1 =	vld [tilespmem:s0+$0x40]  }
0xef: {  	v2 =	vld [tilespmem:s0+$0x50]  }
0xf0: {  	v3 =	vld [tilespmem:s0+$0x60]  }
0xf1: {  	v4 =	vld [tilespmem:s0+$0x70]  }
0xf2: {  	v63 =	vld [tilespmem:s0+$0x80]  }
0xf3: {  	v5 =	vld [tilespmem:s0+$0x90]  }
0xf4: {  	v6 =	vld [tilespmem:s0+$0xA0]  }
0xf5: {  	v7 =	vld [tilespmem:s0+$0xB0]  }
0xf6: {  	v8 =	vld [tilespmem:s0+$0xC0]  }
0xf7: {  	v9 =	vld [tilespmem:s0+$0xD0]  }
0xf8: {  	v10 =	vld [tilespmem:s0+$0xE0]  }
0xf9: {  	v11 =	vld [tilespmem:s0+$0xF0]  }
0xfa: {  	v12 =	vld [tilespmem:s0+$0x100]  }
0xfb: {  	v13 =	vld [tilespmem:s0+$0x110]  }
0xfc: {  	v14 =	vld [tilespmem:s0+$0x120]  }
0xfd: {  	v15 =	vld [tilespmem:s0+$0x130]  }
0xfe: {  	v16 =	vld [tilespmem:s0+$0x140]  }
0xff: {  	v17 =	vld [tilespmem:s0+$0x150]  }
0x100: {  	v18 =	vld [tilespmem:s0+$0x160]  }
0x101: {  	v19 =	vld [tilespmem:s0+$0x170]  }
0x102: {  	v20 =	vld [tilespmem:s0+$0x180]  }
0x103: {  	v21 =	vld [tilespmem:s0+$0x190]  }
0x104: {  	v22 =	vld [tilespmem:s0+$0x1A0]  }
0x105: {  	v23 =	vld [tilespmem:s0+$0x1B0]  }
0x106: {  	v24 =	vld [tilespmem:s0+$0x1C0]  }
0x107: {  	v25 =	vld [tilespmem:s0+$0x1D0]  }
0x108: {  	v26 =	vld [tilespmem:s0+$0x1E0]  }
0x109: {  	v27 =	vld [tilespmem:s0+$0x1F0]  }
0x10a: {  	v28 =	vld [tilespmem:s0+$0x200]  }
0x10b: {  	v29 =	vld [tilespmem:s0+$0x210]  }
0x10c: {  	v30 =	vld [tilespmem:s0+$0x220]  }
0x10d: {  	[tilespmem:s0+$0xD7F0] =	vst.add.f32.msk $0xffff, v0  }
0x10e: {  	[tilespmem:s0+$0xD600] =	vst.add.f32.msk $0xffff, v1  }
0x10f: {  	[tilespmem:s0+$0xD610] =	vst.add.f32.msk $0xffff, v2  }
0x110: {  	[tilespmem:s0+$0xD620] =	vst.add.f32.msk $0xffff, v3  }
0x111: {  	[tilespmem:s0+$0xD630] =	vst.add.f32.msk $0xffff, v4  }
0x112: {  	[tilespmem:s0+$0xD640] =	vst.add.f32.msk $0xffff, v63  }
0x113: {  	[tilespmem:s0+$0xD650] =	vst.add.f32.msk $0xffff, v5  }
0x114: {  	[tilespmem:s0+$0xD660] =	vst.add.f32.msk $0xffff, v6  }
0x115: {  	[tilespmem:s0+$0xD670] =	vst.add.f32.msk $0xffff, v7  }
0x116: {  	[tilespmem:s0+$0xD680] =	vst.add.f32.msk $0xffff, v8  }
0x117: {  	[tilespmem:s0+$0xD690] =	vst.add.f32.msk $0xffff, v9  }
0x118: {  	[tilespmem:s0+$0xD6A0] =	vst.add.f32.msk $0xffff, v10  }
0x119: {  	[tilespmem:s0+$0xD6B0] =	vst.add.f32.msk $0xffff, v11  }
0x11a: {  	[tilespmem:s0+$0xD6C0] =	vst.add.f32.msk $0xffff, v12  }
0x11b: {  	[tilespmem:s0+$0xD6D0] =	vst.add.f32.msk $0xffff, v13  }
0x11c: {  	[tilespmem:s0+$0xD6E0] =	vst.add.f32.msk $0xffff, v14  }
0x11d: {  	[tilespmem:s0+$0xD6F0] =	vst.add.f32.msk $0xffff, v15  }
0x11e: {  	[tilespmem:s0+$0xD700] =	vst.add.f32.msk $0xffff, v16  }
0x11f: {  	[tilespmem:s0+$0xD710] =	vst.add.f32.msk $0xffff, v17  }
0x120: {  	[tilespmem:s0+$0xD720] =	vst.add.f32.msk $0xffff, v18  }
0x121: {  	[tilespmem:s0+$0xD730] =	vst.add.f32.msk $0xffff, v19  }
0x122: {  	[tilespmem:s0+$0xD740] =	vst.add.f32.msk $0xffff, v20  }
0x123: {  	[tilespmem:s0+$0xD750] =	vst.add.f32.msk $0xffff, v21  }
0x124: {  	[tilespmem:s0+$0xD760] =	vst.add.f32.msk $0xffff, v22  }
0x125: {  	[tilespmem:s0+$0xD770] =	vst.add.f32.msk $0xffff, v23  }
0x126: {  	[tilespmem:s0+$0xD780] =	vst.add.f32.msk $0xffff, v24  }
0x127: {  	[tilespmem:s0+$0xD790] =	vst.add.f32.msk $0xffff, v25  }
0x128: {  	[tilespmem:s0+$0xD7A0] =	vst.add.f32.msk $0xffff, v26  }
0x129: {  	s1 =	sadd.s32 s4, s1;
	[tilespmem:s0+$0xD7B0] =	vst.add.f32.msk $0xffff, v27  }
0x12a: {  	s1 =	smul.u32 $0x640, s1;
	[tilespmem:s0+$0xD7C0] =	vst.add.f32.msk $0xffff, v28  }
0x12b: {  	[tilespmem:s0+$0xD7D0] =	vst.add.f32.msk $0xffff, v29  }
0x12c: {  	s13 =	sadd.s32 s2, s1;
	[tilespmem:s0+$0xD7E0] =	vst.add.f32.msk $0xffff, v30;
	s0 =	simm.s32 @!p0 $0x6  }
0x12d: {  	[hbm4b:s13+s3] =	stream.linear.scatter [tilespmem:s14], [sflag:$0x6], $0x3200, $0x38;
	[tilespmem:$0x16C00] =	vst v63  }
0x12e: {  	_ =	swait.ge @!p0 [sflag:s0], $0x3200  }
0x12f: {  	s1 =	simm.s32 @!p0 $0xC8;
	[sflag:s0] =	ssyncset.done @!p0 $0x0  }
0x130: {  	s13 =	simm.s32 @!p0 $0xD600;
	[sflag:s0] =	ssyncadd.s32 @!p0 $0xFFFFCE00;
	s0 =	sadd.s32 @!p0 $0x43E8, s31  }
0x131: {  	[tilespmem:s13], [sflag:$0x2] =	stream.indirect.gather @!p0 [hbm4b:s5+s1], $0x40, s0, s1, $0xb8;
	[tilespmem:$0x16C00] =	vst v63  }
0x132: {  	_ =	swait.ge [sflag:s20], $0x3200  }
0x133: {  	s1 =	sor.u32 $0x2, s30;
	[sflag:s20] =	ssyncset.done $0x0  }
0x134: {  	s0 =	simm.s32 $0x0;
	s13 =	simm.s32 $0x800;
	[sflag:s20] =	ssyncadd.s32 $0xFFFFCE00  }
.LBB2_7:
0x135: {  	p1 =	sne.s32 s13, $0xC000;
	v0 =	vld [tilespmem:s0+$0x230]  }
0x136: {  	v1 =	vld [tilespmem:s0+$0x40]  }
0x137: {  	v2 =	vld [tilespmem:s0+$0x50]  }
0x138: {  	v3 =	vld [tilespmem:s0+$0x60]  }
0x139: {  	v4 =	vld [tilespmem:s0+$0x70]  }
0x13a: {  	[tilespmem:s0+$0x109F0] =	vst.add.f32.msk $0xffff, v0  }
0x13b: {  	v0 =	vld [tilespmem:s0+$0x80]  }
0x13c: {  	v5 =	vld [tilespmem:s0+$0x90]  }
0x13d: {  	v6 =	vld [tilespmem:s0+$0xA0]  }
0x13e: {  	v7 =	vld [tilespmem:s0+$0xB0]  }
0x13f: {  	v8 =	vld [tilespmem:s0+$0xC0]  }
0x140: {  	v9 =	vld [tilespmem:s0+$0xD0]  }
0x141: {  	v10 =	vld [tilespmem:s0+$0xE0]  }
0x142: {  	v11 =	vld [tilespmem:s0+$0xF0]  }
0x143: {  	v12 =	vld [tilespmem:s0+$0x100]  }
0x144: {  	v13 =	vld [tilespmem:s0+$0x110]  }
0x145: {  	v14 =	vld [tilespmem:s0+$0x120]  }
0x146: {  	v15 =	vld [tilespmem:s0+$0x130]  }
0x147: {  	v16 =	vld [tilespmem:s0+$0x140]  }
0x148: {  	v17 =	vld [tilespmem:s0+$0x150]  }
0x149: {  	v18 =	vld [tilespmem:s0+$0x160]  }
0x14a: {  	v19 =	vld [tilespmem:s0+$0x170]  }
0x14b: {  	v20 =	vld [tilespmem:s0+$0x180]  }
0x14c: {  	v21 =	vld [tilespmem:s0+$0x190]  }
0x14d: {  	v22 =	vld [tilespmem:s0+$0x1A0]  }
0x14e: {  	v23 =	vld [tilespmem:s0+$0x1B0]  }
0x14f: {  	v24 =	vld [tilespmem:s0+$0x1C0]  }
0x150: {  	v25 =	vld [tilespmem:s0+$0x1D0]  }
0x151: {  	v26 =	vld [tilespmem:s0+$0x1E0]  }
0x152: {  	v27 =	vld [tilespmem:s0+$0x1F0]  }
0x153: {  	v28 =	vld [tilespmem:s0+$0x200]  }
0x154: {  	v29 =	vld [tilespmem:s0+$0x210]  }
0x155: {  	v30 =	vld [tilespmem:s0+$0x220]  }
0x156: {  	[tilespmem:s0+$0x10800] =	vst.add.f32.msk $0xffff, v1  }
0x157: {  	[tilespmem:s0+$0x10810] =	vst.add.f32.msk $0xffff, v2  }
0x158: {  	[tilespmem:s0+$0x10820] =	vst.add.f32.msk $0xffff, v3  }
0x159: {  	[tilespmem:s0+$0x10830] =	vst.add.f32.msk $0xffff, v4  }
0x15a: {  	[tilespmem:s0+$0x10840] =	vst.add.f32.msk $0xffff, v0  }
0x15b: {  	[tilespmem:s0+$0x10850] =	vst.add.f32.msk $0xffff, v5  }
0x15c: {  	[tilespmem:s0+$0x10860] =	vst.add.f32.msk $0xffff, v6  }
0x15d: {  	[tilespmem:s0+$0x10870] =	vst.add.f32.msk $0xffff, v7  }
0x15e: {  	[tilespmem:s0+$0x10880] =	vst.add.f32.msk $0xffff, v8  }
0x15f: {  	[tilespmem:s0+$0x10890] =	vst.add.f32.msk $0xffff, v9  }
0x160: {  	[tilespmem:s0+$0x108A0] =	vst.add.f32.msk $0xffff, v10  }
0x161: {  	[tilespmem:s0+$0x108B0] =	vst.add.f32.msk $0xffff, v11  }
0x162: {  	[tilespmem:s0+$0x108C0] =	vst.add.f32.msk $0xffff, v12  }
0x163: {  	[tilespmem:s0+$0x108D0] =	vst.add.f32.msk $0xffff, v13  }
0x164: {  	[tilespmem:s0+$0x108E0] =	vst.add.f32.msk $0xffff, v14  }
0x165: {  	[tilespmem:s0+$0x108F0] =	vst.add.f32.msk $0xffff, v15  }
0x166: {  	[tilespmem:s0+$0x10900] =	vst.add.f32.msk $0xffff, v16  }
0x167: {  	[tilespmem:s0+$0x10910] =	vst.add.f32.msk $0xffff, v17  }
0x168: {  	[tilespmem:s0+$0x10920] =	vst.add.f32.msk $0xffff, v18  }
0x169: {  	[tilespmem:s0+$0x10930] =	vst.add.f32.msk $0xffff, v19  }
0x16a: {  	[tilespmem:s0+$0x10940] =	vst.add.f32.msk $0xffff, v20  }
0x16b: {  	[tilespmem:s0+$0x10950] =	vst.add.f32.msk $0xffff, v21  }
0x16c: {  	[tilespmem:s0+$0x10960] =	vst.add.f32.msk $0xffff, v22  }
0x16d: {  	[tilespmem:s0+$0x10970] =	vst.add.f32.msk $0xffff, v23  }
0x16e: {  	[tilespmem:s0+$0x10980] =	vst.add.f32.msk $0xffff, v24  }
0x16f: {  	[tilespmem:s0+$0x10990] =	vst.add.f32.msk $0xffff, v25  }
.Ltmp2:
0x170: {  	[tilespmem:s0+$0x109A0] =	vst.add.f32.msk $0xffff, v26;
	(pc) =	sbr.rel @p1 .LBB2_7-.Ltmp2, $4  }
0x171: {  	[tilespmem:s0+$0x109B0] =	vst.add.f32.msk $0xffff, v27  }
0x172: {  	[tilespmem:s0+$0x109C0] =	vst.add.f32.msk $0xffff, v28  }
0x173: {  	[tilespmem:s0+$0x109D0] =	vst.add.f32.msk $0xffff, v29  }
0x174: {  	[tilespmem:s0+$0x109E0] =	vst.add.f32.msk $0xffff, v30;
	s0 =	sshra.s32 s13, $0x2;
	s13 =	sadd.s32 $0x800, s13  }
0x175: {  	v0 =	vld [tilespmem:s0+$0x230]  }
0x176: {  	v1 =	vld [tilespmem:s0+$0x40]  }
0x177: {  	v2 =	vld [tilespmem:s0+$0x50]  }
0x178: {  	v3 =	vld [tilespmem:s0+$0x60]  }
0x179: {  	v4 =	vld [tilespmem:s0+$0x70]  }
0x17a: {  	v63 =	vld [tilespmem:s0+$0x80]  }
0x17b: {  	v5 =	vld [tilespmem:s0+$0x90]  }
0x17c: {  	v6 =	vld [tilespmem:s0+$0xA0]  }
0x17d: {  	v7 =	vld [tilespmem:s0+$0xB0]  }
0x17e: {  	v8 =	vld [tilespmem:s0+$0xC0]  }
0x17f: {  	v9 =	vld [tilespmem:s0+$0xD0]  }
0x180: {  	v10 =	vld [tilespmem:s0+$0xE0]  }
0x181: {  	v11 =	vld [tilespmem:s0+$0xF0]  }
0x182: {  	v12 =	vld [tilespmem:s0+$0x100]  }
0x183: {  	v13 =	vld [tilespmem:s0+$0x110]  }
0x184: {  	v14 =	vld [tilespmem:s0+$0x120]  }
0x185: {  	v15 =	vld [tilespmem:s0+$0x130]  }
0x186: {  	v16 =	vld [tilespmem:s0+$0x140]  }
0x187: {  	v17 =	vld [tilespmem:s0+$0x150]  }
0x188: {  	v18 =	vld [tilespmem:s0+$0x160]  }
0x189: {  	v19 =	vld [tilespmem:s0+$0x170]  }
0x18a: {  	v20 =	vld [tilespmem:s0+$0x180]  }
0x18b: {  	v21 =	vld [tilespmem:s0+$0x190]  }
0x18c: {  	v22 =	vld [tilespmem:s0+$0x1A0]  }
0x18d: {  	v23 =	vld [tilespmem:s0+$0x1B0]  }
0x18e: {  	v24 =	vld [tilespmem:s0+$0x1C0]  }
0x18f: {  	v25 =	vld [tilespmem:s0+$0x1D0]  }
0x190: {  	v26 =	vld [tilespmem:s0+$0x1E0]  }
0x191: {  	v27 =	vld [tilespmem:s0+$0x1F0]  }
0x192: {  	v28 =	vld [tilespmem:s0+$0x200]  }
0x193: {  	v29 =	vld [tilespmem:s0+$0x210]  }
0x194: {  	v30 =	vld [tilespmem:s0+$0x220]  }
0x195: {  	[tilespmem:s0+$0x109F0] =	vst.add.f32.msk $0xffff, v0  }
0x196: {  	[tilespmem:s0+$0x10800] =	vst.add.f32.msk $0xffff, v1  }
0x197: {  	[tilespmem:s0+$0x10810] =	vst.add.f32.msk $0xffff, v2  }
0x198: {  	[tilespmem:s0+$0x10820] =	vst.add.f32.msk $0xffff, v3  }
0x199: {  	[tilespmem:s0+$0x10830] =	vst.add.f32.msk $0xffff, v4  }
0x19a: {  	[tilespmem:s0+$0x10840] =	vst.add.f32.msk $0xffff, v63  }
0x19b: {  	[tilespmem:s0+$0x10850] =	vst.add.f32.msk $0xffff, v5  }
0x19c: {  	[tilespmem:s0+$0x10860] =	vst.add.f32.msk $0xffff, v6  }
0x19d: {  	[tilespmem:s0+$0x10870] =	vst.add.f32.msk $0xffff, v7  }
0x19e: {  	[tilespmem:s0+$0x10880] =	vst.add.f32.msk $0xffff, v8  }
0x19f: {  	[tilespmem:s0+$0x10890] =	vst.add.f32.msk $0xffff, v9  }
0x1a0: {  	[tilespmem:s0+$0x108A0] =	vst.add.f32.msk $0xffff, v10  }
0x1a1: {  	[tilespmem:s0+$0x108B0] =	vst.add.f32.msk $0xffff, v11  }
0x1a2: {  	[tilespmem:s0+$0x108C0] =	vst.add.f32.msk $0xffff, v12  }
0x1a3: {  	[tilespmem:s0+$0x108D0] =	vst.add.f32.msk $0xffff, v13  }
0x1a4: {  	[tilespmem:s0+$0x108E0] =	vst.add.f32.msk $0xffff, v14  }
0x1a5: {  	[tilespmem:s0+$0x108F0] =	vst.add.f32.msk $0xffff, v15  }
0x1a6: {  	[tilespmem:s0+$0x10900] =	vst.add.f32.msk $0xffff, v16  }
0x1a7: {  	[tilespmem:s0+$0x10910] =	vst.add.f32.msk $0xffff, v17  }
0x1a8: {  	[tilespmem:s0+$0x10920] =	vst.add.f32.msk $0xffff, v18  }
0x1a9: {  	[tilespmem:s0+$0x10930] =	vst.add.f32.msk $0xffff, v19  }
0x1aa: {  	[tilespmem:s0+$0x10940] =	vst.add.f32.msk $0xffff, v20  }
0x1ab: {  	[tilespmem:s0+$0x10950] =	vst.add.f32.msk $0xffff, v21  }
0x1ac: {  	[tilespmem:s0+$0x10960] =	vst.add.f32.msk $0xffff, v22  }
0x1ad: {  	[tilespmem:s0+$0x10970] =	vst.add.f32.msk $0xffff, v23  }
0x1ae: {  	[tilespmem:s0+$0x10980] =	vst.add.f32.msk $0xffff, v24  }
0x1af: {  	[tilespmem:s0+$0x10990] =	vst.add.f32.msk $0xffff, v25  }
0x1b0: {  	[tilespmem:s0+$0x109A0] =	vst.add.f32.msk $0xffff, v26  }
0x1b1: {  	s1 =	sadd.s32 s4, s1;
	[tilespmem:s0+$0x109B0] =	vst.add.f32.msk $0xffff, v27  }
0x1b2: {  	s1 =	smul.u32 $0x640, s1;
	[tilespmem:s0+$0x109C0] =	vst.add.f32.msk $0xffff, v28  }
0x1b3: {  	[tilespmem:s0+$0x109D0] =	vst.add.f32.msk $0xffff, v29  }
0x1b4: {  	s30 =	sadd.s32 s2, s1;
	[tilespmem:s0+$0x109E0] =	vst.add.f32.msk $0xffff, v30;
	s0 =	simm.s32 @!p0 $0x7  }
0x1b5: {  	[hbm4b:s30+s3] =	stream.linear.scatter [tilespmem:s16], [sflag:$0x7], $0x3200, $0x38;
	[tilespmem:$0x16C00] =	vst v63  }
0x1b6: {  	_ =	swait.ge @!p0 [sflag:s0], $0x3200  }
0x1b7: {  	s13 =	simm.s32 @!p0 $0x10800;
	[sflag:s0] =	ssyncset.done @!p0 $0x0  }
0x1b8: {  	s1 =	simm.s32 @!p0 $0xC8;
	[sflag:s0] =	ssyncadd.s32 @!p0 $0xFFFFCE00;
	s0 =	sadd.s32 @!p0 $0x44B0, s31  }
0x1b9: {  	[tilespmem:s13], [sflag:$0x3] =	stream.indirect.gather @!p0 [hbm4b:s5+s1], $0x40, s0, s1, $0xb8;
	[tilespmem:$0x16C00] =	vst v63  }
0x1ba: {  	_ =	swait.ge [sflag:s21], $0x3200  }
0x1bb: {  	[sflag:s21] =	ssyncset.done $0x0  }
0x1bc: {  	s0 =	simm.s32 $0x0;
	s1 =	simm.s32 $0x800;
	[sflag:s21] =	ssyncadd.s32 $0xFFFFCE00  }
.LBB2_9:
0x1bd: {  	p0 =	sne.s32 s1, $0xC000;
	v0 =	vld [tilespmem:s0+$0x230]  }
0x1be: {  	v1 =	vld [tilespmem:s0+$0x40]  }
0x1bf: {  	v2 =	vld [tilespmem:s0+$0x50]  }
0x1c0: {  	v3 =	vld [tilespmem:s0+$0x60]  }
0x1c1: {  	v4 =	vld [tilespmem:s0+$0x70]  }
0x1c2: {  	[tilespmem:s0+$0x13BF0] =	vst.add.f32.msk $0xffff, v0  }
0x1c3: {  	v0 =	vld [tilespmem:s0+$0x80]  }
0x1c4: {  	v5 =	vld [tilespmem:s0+$0x90]  }
0x1c5: {  	v6 =	vld [tilespmem:s0+$0xA0]  }
0x1c6: {  	v7 =	vld [tilespmem:s0+$0xB0]  }
0x1c7: {  	v8 =	vld [tilespmem:s0+$0xC0]  }
0x1c8: {  	v9 =	vld [tilespmem:s0+$0xD0]  }
0x1c9: {  	v10 =	vld [tilespmem:s0+$0xE0]  }
0x1ca: {  	v11 =	vld [tilespmem:s0+$0xF0]  }
0x1cb: {  	v12 =	vld [tilespmem:s0+$0x100]  }
0x1cc: {  	v13 =	vld [tilespmem:s0+$0x110]  }
0x1cd: {  	v14 =	vld [tilespmem:s0+$0x120]  }
0x1ce: {  	v15 =	vld [tilespmem:s0+$0x130]  }
0x1cf: {  	v16 =	vld [tilespmem:s0+$0x140]  }
0x1d0: {  	v17 =	vld [tilespmem:s0+$0x150]  }
0x1d1: {  	v18 =	vld [tilespmem:s0+$0x160]  }
0x1d2: {  	v19 =	vld [tilespmem:s0+$0x170]  }
0x1d3: {  	v20 =	vld [tilespmem:s0+$0x180]  }
0x1d4: {  	v21 =	vld [tilespmem:s0+$0x190]  }
0x1d5: {  	v22 =	vld [tilespmem:s0+$0x1A0]  }
0x1d6: {  	v23 =	vld [tilespmem:s0+$0x1B0]  }
0x1d7: {  	v24 =	vld [tilespmem:s0+$0x1C0]  }
0x1d8: {  	v25 =	vld [tilespmem:s0+$0x1D0]  }
0x1d9: {  	v26 =	vld [tilespmem:s0+$0x1E0]  }
0x1da: {  	v27 =	vld [tilespmem:s0+$0x1F0]  }
0x1db: {  	v28 =	vld [tilespmem:s0+$0x200]  }
0x1dc: {  	v29 =	vld [tilespmem:s0+$0x210]  }
0x1dd: {  	v30 =	vld [tilespmem:s0+$0x220]  }
0x1de: {  	[tilespmem:s0+$0x13A00] =	vst.add.f32.msk $0xffff, v1  }
0x1df: {  	[tilespmem:s0+$0x13A10] =	vst.add.f32.msk $0xffff, v2  }
0x1e0: {  	[tilespmem:s0+$0x13A20] =	vst.add.f32.msk $0xffff, v3  }
0x1e1: {  	[tilespmem:s0+$0x13A30] =	vst.add.f32.msk $0xffff, v4  }
0x1e2: {  	[tilespmem:s0+$0x13A40] =	vst.add.f32.msk $0xffff, v0  }
0x1e3: {  	[tilespmem:s0+$0x13A50] =	vst.add.f32.msk $0xffff, v5  }
0x1e4: {  	[tilespmem:s0+$0x13A60] =	vst.add.f32.msk $0xffff, v6  }
0x1e5: {  	[tilespmem:s0+$0x13A70] =	vst.add.f32.msk $0xffff, v7  }
0x1e6: {  	[tilespmem:s0+$0x13A80] =	vst.add.f32.msk $0xffff, v8  }
0x1e7: {  	[tilespmem:s0+$0x13A90] =	vst.add.f32.msk $0xffff, v9  }
0x1e8: {  	[tilespmem:s0+$0x13AA0] =	vst.add.f32.msk $0xffff, v10  }
0x1e9: {  	[tilespmem:s0+$0x13AB0] =	vst.add.f32.msk $0xffff, v11  }
0x1ea: {  	[tilespmem:s0+$0x13AC0] =	vst.add.f32.msk $0xffff, v12  }
0x1eb: {  	[tilespmem:s0+$0x13AD0] =	vst.add.f32.msk $0xffff, v13  }
0x1ec: {  	[tilespmem:s0+$0x13AE0] =	vst.add.f32.msk $0xffff, v14  }
0x1ed: {  	[tilespmem:s0+$0x13AF0] =	vst.add.f32.msk $0xffff, v15  }
0x1ee: {  	[tilespmem:s0+$0x13B00] =	vst.add.f32.msk $0xffff, v16  }
0x1ef: {  	[tilespmem:s0+$0x13B10] =	vst.add.f32.msk $0xffff, v17  }
0x1f0: {  	[tilespmem:s0+$0x13B20] =	vst.add.f32.msk $0xffff, v18  }
0x1f1: {  	[tilespmem:s0+$0x13B30] =	vst.add.f32.msk $0xffff, v19  }
0x1f2: {  	[tilespmem:s0+$0x13B40] =	vst.add.f32.msk $0xffff, v20  }
0x1f3: {  	[tilespmem:s0+$0x13B50] =	vst.add.f32.msk $0xffff, v21  }
0x1f4: {  	[tilespmem:s0+$0x13B60] =	vst.add.f32.msk $0xffff, v22  }
0x1f5: {  	[tilespmem:s0+$0x13B70] =	vst.add.f32.msk $0xffff, v23  }
0x1f6: {  	[tilespmem:s0+$0x13B80] =	vst.add.f32.msk $0xffff, v24  }
0x1f7: {  	[tilespmem:s0+$0x13B90] =	vst.add.f32.msk $0xffff, v25  }
.Ltmp3:
0x1f8: {  	[tilespmem:s0+$0x13BA0] =	vst.add.f32.msk $0xffff, v26;
	(pc) =	sbr.rel @p0 .LBB2_9-.Ltmp3, $4  }
0x1f9: {  	[tilespmem:s0+$0x13BB0] =	vst.add.f32.msk $0xffff, v27  }
0x1fa: {  	[tilespmem:s0+$0x13BC0] =	vst.add.f32.msk $0xffff, v28  }
0x1fb: {  	[tilespmem:s0+$0x13BD0] =	vst.add.f32.msk $0xffff, v29  }
0x1fc: {  	[tilespmem:s0+$0x13BE0] =	vst.add.f32.msk $0xffff, v30;
	s0 =	sshra.s32 s1, $0x2;
	s1 =	sadd.s32 $0x800, s1  }
0x1fd: {  	v0 =	vld [tilespmem:s0+$0x230]  }
0x1fe: {  	v1 =	vld [tilespmem:s0+$0x40]  }
0x1ff: {  	v2 =	vld [tilespmem:s0+$0x50]  }
0x200: {  	v3 =	vld [tilespmem:s0+$0x60]  }
0x201: {  	v4 =	vld [tilespmem:s0+$0x70]  }
0x202: {  	v63 =	vld [tilespmem:s0+$0x80]  }
0x203: {  	v5 =	vld [tilespmem:s0+$0x90]  }
0x204: {  	v6 =	vld [tilespmem:s0+$0xA0]  }
0x205: {  	v7 =	vld [tilespmem:s0+$0xB0]  }
0x206: {  	v8 =	vld [tilespmem:s0+$0xC0]  }
0x207: {  	v9 =	vld [tilespmem:s0+$0xD0]  }
0x208: {  	v10 =	vld [tilespmem:s0+$0xE0]  }
0x209: {  	v11 =	vld [tilespmem:s0+$0xF0]  }
0x20a: {  	v12 =	vld [tilespmem:s0+$0x100]  }
0x20b: {  	v13 =	vld [tilespmem:s0+$0x110]  }
0x20c: {  	v14 =	vld [tilespmem:s0+$0x120]  }
0x20d: {  	v15 =	vld [tilespmem:s0+$0x130]  }
0x20e: {  	v16 =	vld [tilespmem:s0+$0x140]  }
0x20f: {  	v17 =	vld [tilespmem:s0+$0x150]  }
0x210: {  	v18 =	vld [tilespmem:s0+$0x160]  }
0x211: {  	v19 =	vld [tilespmem:s0+$0x170]  }
0x212: {  	v20 =	vld [tilespmem:s0+$0x180]  }
0x213: {  	v21 =	vld [tilespmem:s0+$0x190]  }
0x214: {  	v22 =	vld [tilespmem:s0+$0x1A0]  }
0x215: {  	v23 =	vld [tilespmem:s0+$0x1B0]  }
0x216: {  	v24 =	vld [tilespmem:s0+$0x1C0]  }
0x217: {  	v25 =	vld [tilespmem:s0+$0x1D0]  }
0x218: {  	v26 =	vld [tilespmem:s0+$0x1E0]  }
0x219: {  	v27 =	vld [tilespmem:s0+$0x1F0]  }
0x21a: {  	v28 =	vld [tilespmem:s0+$0x200]  }
0x21b: {  	v29 =	vld [tilespmem:s0+$0x210]  }
0x21c: {  	v30 =	vld [tilespmem:s0+$0x220]  }
0x21d: {  	[tilespmem:s0+$0x13BF0] =	vst.add.f32.msk $0xffff, v0  }
0x21e: {  	[tilespmem:s0+$0x13A00] =	vst.add.f32.msk $0xffff, v1  }
0x21f: {  	[tilespmem:s0+$0x13A10] =	vst.add.f32.msk $0xffff, v2  }
0x220: {  	[tilespmem:s0+$0x13A20] =	vst.add.f32.msk $0xffff, v3  }
0x221: {  	[tilespmem:s0+$0x13A30] =	vst.add.f32.msk $0xffff, v4  }
0x222: {  	[tilespmem:s0+$0x13A40] =	vst.add.f32.msk $0xffff, v63  }
0x223: {  	[tilespmem:s0+$0x13A50] =	vst.add.f32.msk $0xffff, v5  }
0x224: {  	[tilespmem:s0+$0x13A60] =	vst.add.f32.msk $0xffff, v6  }
0x225: {  	[tilespmem:s0+$0x13A70] =	vst.add.f32.msk $0xffff, v7  }
0x226: {  	[tilespmem:s0+$0x13A80] =	vst.add.f32.msk $0xffff, v8  }
0x227: {  	[tilespmem:s0+$0x13A90] =	vst.add.f32.msk $0xffff, v9  }
0x228: {  	[tilespmem:s0+$0x13AA0] =	vst.add.f32.msk $0xffff, v10  }
0x229: {  	[tilespmem:s0+$0x13AB0] =	vst.add.f32.msk $0xffff, v11  }
0x22a: {  	[tilespmem:s0+$0x13AC0] =	vst.add.f32.msk $0xffff, v12  }
0x22b: {  	[tilespmem:s0+$0x13AD0] =	vst.add.f32.msk $0xffff, v13  }
0x22c: {  	[tilespmem:s0+$0x13AE0] =	vst.add.f32.msk $0xffff, v14  }
0x22d: {  	[tilespmem:s0+$0x13AF0] =	vst.add.f32.msk $0xffff, v15  }
0x22e: {  	[tilespmem:s0+$0x13B00] =	vst.add.f32.msk $0xffff, v16  }
0x22f: {  	[tilespmem:s0+$0x13B10] =	vst.add.f32.msk $0xffff, v17  }
0x230: {  	[tilespmem:s0+$0x13B20] =	vst.add.f32.msk $0xffff, v18  }
0x231: {  	[tilespmem:s0+$0x13B30] =	vst.add.f32.msk $0xffff, v19  }
0x232: {  	[tilespmem:s0+$0x13B40] =	vst.add.f32.msk $0xffff, v20  }
0x233: {  	[tilespmem:s0+$0x13B50] =	vst.add.f32.msk $0xffff, v21  }
0x234: {  	[tilespmem:s0+$0x13B60] =	vst.add.f32.msk $0xffff, v22  }
0x235: {  	[tilespmem:s0+$0x13B70] =	vst.add.f32.msk $0xffff, v23  }
0x236: {  	[tilespmem:s0+$0x13B80] =	vst.add.f32.msk $0xffff, v24  }
0x237: {  	s28 =	sadd.s32 $0x1, s28;
	[tilespmem:s0+$0x13B90] =	vst.add.f32.msk $0xffff, v25  }
0x238: {  	p0 =	sne.s32 s28, $0x20;
	[tilespmem:s0+$0x13BA0] =	vst.add.f32.msk $0xffff, v26  }
.Ltmp4:
0x239: {  	s1 =	sadd.s32 s4, s29;
	[tilespmem:s0+$0x13BB0] =	vst.add.f32.msk $0xffff, v27;
	(pc) =	sbr.rel @p0 .LBB2_2-.Ltmp4, $4  }
0x23a: {  	s1 =	smul.u32 $0x640, s1;
	[tilespmem:s0+$0x13BC0] =	vst.add.f32.msk $0xffff, v28  }
0x23b: {  	[tilespmem:s0+$0x13BD0] =	vst.add.f32.msk $0xffff, v29  }
0x23c: {  	s31 =	sadd.s32 s2, s1;
	[tilespmem:s0+$0x13BE0] =	vst.add.f32.msk $0xffff, v30  }
0x23d: {  	[hbm4b:s31+s3] =	stream.linear.scatter [tilespmem:s17], [sflag:$0x8], $0x3200, $0x38;
	[tilespmem:$0x16C00] =	vst v63  }
0x23e: {  	_ =	swait.ge [sflag:s22], $0x3200  }
0x23f: {  	[sflag:s22] =	ssyncset.done $0x0  }
0x240: {  	[sflag:s22] =	ssyncadd.s32 $0xFFFFCE00  }
0x241: {  	_ =	swait.ge [sflag:s23], $0x3200  }
0x242: {  	[sflag:s23] =	ssyncset.done $0x0  }
0x243: {  	s26 =	sadd.s32 $0x1, s26;
	[sflag:s23] =	ssyncadd.s32 $0xFFFFCE00  }
0x244: {  	p0 =	sne.s32 s26, s8;
	_ =	swait.ge [sflag:s24], $0x3200  }
.Ltmp5:
0x245: {  	[sflag:s24] =	ssyncset.done $0x0;
	(pc) =	sbr.rel @p0 .LBB2_1-.Ltmp5, $4  }
0x246: {  	[sflag:s24] =	ssyncadd.s32 $0xFFFFCE00  }
0x247: {  	_ =	swait.ge [sflag:s25], $0x3200  }
0x248: {  	[sflag:s25] =	ssyncset.done $0x0  }
0x249: {  	[sflag:s25] =	ssyncadd.s32 $0xFFFFCE00  }
0x24a: {  	_ =	sfence.sel $0x180000  }
0x24b: {  	[bflag:$0x0] =	sbarrier.arrive $0xFFFF  }
0x24c: {  	_ =	strace $0x90000047  }
0x24d: {  	s0 =	stileid.u32;
	[bflag:$0x2] =	sbarrier.arrive $0xFFFF  }
0x24e: {  	p0 =	sne.s32 s0, $0x0;
	s0 =	rddreg [dreg:$0x2]  }
0x24f: {  	s0 =	sadd.s32 @!p0 $0x100000, s0  }
0x250: {  	[sflag:s0] =	ssyncadd.tile.s32 @!p0 $0x1;
	_ =	shalt  }
.Lfunc_end2:
_tile_overlayer_lowered:
.L_overlay_start_2:
0x251: {  	(tag) =	ssettag $0x2  }
0x252: {  	s0 =	rddreg [dreg:$0x0];
	s2 =	stileid.u32  }
0x253: {  	s1 =	rddreg [dreg:$0x1];
	p0 =	sne.s32 s2, $0x0  }
0x254: {  	s3 =	rddreg [dreg:$0x2];
	[bflag:$0x3] =	sbarrier.arrive $0xFFFF;
	s2 =	simm.s32 @!p0 $0x1C09  }
0x255: {  	[timem:s3], [sflag:s2] =	dma.local @!p0 [hbm:s0], s1  }
0x256: {  	s0 =	simm.s32 @!p0 $0x9  }
0x257: {  	_ =	swait.ge @!p0 [sflag:s0], s1  }
0x258: {  	s1 =	ssub.s32 @!p0 $0x0, s1;
	[sflag:s0] =	ssyncset.done @!p0 $0x0  }
0x259: {  	[sflag:s0] =	ssyncadd.s32 @!p0 s1  }
0x25a: {  	[bflag:$0x3] =	sbarrier.arrive $0xFFFF  }
0x25b: {  	_ =	shalt  }

// kernel: sparse-core-data-format-call.cloned.1.call-start
scs
called_computation_lowered:
.L_overlay_start_0:
0x0: {  	s2 =	sld [smem:$0x3FD9]  }
0x1: {  	s3 =	sld [smem:$0x3FFE];
	_ =	sdelay $0x1  }
0x2: {  	s1 =	srdreg.scid  }
0x3: {  	s0 =	sand.u32 $0x1, s1  }
0x4: {  	s18 =	sshll.u32 s0, $0xA;
	s2 =	sadd.s32 s3, s2  }
0x5: {  	s2 =	sadd.s32 s2, s18  }
0x6: {  	[smem:$0x3FC5] =	sst s2  }
0x7: {  	_ = 	snop  }
0x8: {  	s2 =	sld [smem:$0x3FD0];
	(tm) =	ssettm $0x1  }
0x9: {  	s19 =	sld [smem:$0x3FFB];
	_ =	sdelay $0x3  }
0xa: {  	_ =	strace s19  }
0xb: {  	s3 =	sld [smem:$0x3FFC];
	_ =	sdelay $0x3  }
0xc: {  	_ =	strace s3  }
0xd: {  	s3 =	sld [smem:$0x3FFD];
	_ =	sdelay $0x3  }
0xe: {  	_ =	strace s3  }
0xf: {  	_ =	strace $0x8FFFFFFF  }
0x10: {  	s20 =	sld [smem:$0x3FDB];
	_ =	sdelay $0x1  }
0x11: {  	s4 =	simm.s32 $_scs_section_size  }
0x12: {  	s5 =	simm.s32 $_size__tile_overlayer_lowered;
	s6 =	simm.s32 $_tile_overlayer_lowered  }
0x13: {  	s23 =	simm.s32 $0x1BFF;
	s22 =	sshll.u32 s6, $0x1;
	s3 =	sadd.s32 s4, s20  }
0x14: {  	s7 =	simm.s32 $0x0;
	s21 =	sshll.u32 s5, $0x1;
	s5 =	sadd.s32 s22, s3  }
0x15: {  	[timem:s7], [sflag:s23] =	dma.local [hbm:s5], s21  }
0x16: {  	_ =	swait.ge [sflag:s23], s21  }
0x17: {  	s4 =	ssub.s32 $0x0, s21;
	[sflag:s23] =	ssyncset.done $0x0  }
0x18: {  	[sflag:s23] =	ssyncadd.s32 s4;
	_ =	sdelay $0x1  }
0x19: {  	s24 =	simm.s32 $0x1B8B  }
0x1a: {  	_ =	swait.ge [sflag:s24], $0x1  }
0x1b: {  	[sflag:s24] =	ssyncset.done $0x0  }
0x1c: {  	s26 =	simm.s32 $0x1B8E;
	s25 =	sld [smem:$0x3FFE];
	[sflag:s24] =	ssyncadd.s32 $0xFFFFFFFF  }
0x1d: {  	s27 =	simm.s32 $execute0_lowered;
	[smem:$0x3FD2] =	sst s26  }
0x1e: {  	s5 =	sshll.u32 s27, $0x1;
	_ =	strace $0x80000049;
	[dreg:$0x1] =	wrdreg $0xFFFFFFFF  }
0x1f: {  	s28 =	simm.s32 $_size_execute0_lowered;
	s3 =	sadd.s32 s3, s5;
	[dreg:$0x0] =	wrdreg $0x0  }
0x20: {  	s5 =	sshll.u32 s28, $0x1;
	[dreg:$0x2] =	wrdreg s3  }
0x21: {  	[dreg:$0x3] =	wrdreg s5  }
0x22: {  	[dreg:$0x4] =	wrdreg $0xC0  }
0x23: {  	_ =	task [dreg:s7], $0x5FFFF  }
0x24: {  	[dreg:$0x1] =	wrdreg $0xFFFFFFFF  }
0x25: {  	[dreg:$0x0] =	wrdreg $0x60  }
0x26: {  	[dreg:$0x2] =	wrdreg s25  }
0x27: {  	[dreg:$0x3] =	wrdreg s2  }
0x28: {  	[dreg:$0x4] =	wrdreg $0x9  }
0x29: {  	_ =	task.clear_ibuf [dreg:s7], $0x5FFFF;
	_ =	strace $0x90000049  }
0x2a: {  	s29 =	simm.s32 $0x9;
	_ =	strace $0x8000004B  }
0x2b: {  	_ =	swait.ge [sflag:s29], $0x1  }
0x2c: {  	[sflag:s29] =	ssyncadd.s32 $0xFFFFFFFF  }
0x2d: {  	_ =	strace $0x9000004B  }
0x2e: {  	_ =	sfence  }
0x2f: {  	s30 =	sld [smem:$0x0];
	_ =	sdelay $0x2  }
0x30: {  	s31 =	sshll.u32 s1, $0xD;
	s1 =	sshrl.u32 s1, $0x2  }
0x31: {  	s3 =	sand.u32 $0x4000, s31;
	s1 =	sadd.s32 s1, s30  }
0x32: {  	s0 =	sor.u32 s3, s0;
	s1 =	sshll.u32 s1, $0x11  }
0x33: {  	s0 =	sor.u32 s1, s0  }
0x34: {  	s0 =	sadd.s32 $0x8F2B, s0  }
0x35: {  	[sflag:s0] =	ssyncadd.remote.s32 $0x1  }
0x36: {  	_ =	sfence.sel $0xFFFF  }
0x37: {  	[dreg:$0x0] =	wrdreg $0xFFFFFFFF;
	(pc) =	sbr.abs _section_cstart, $3  }
0x38: {  	[dreg:$0x1] =	wrdreg $0xFFFFFFFF  }
0x39: {  	_ =	task.clear_ibuf [dreg:s7], $0x2FFFF;
	_ =	strace $0x9FFFFFFF  }
0x3a: {  	(tm) =	ssettm $0x7FFFFFFF  }
0x3b: {  	_ =	shalt  }
tec
execute0_lowered:
.L_overlay_start_1:
0x0: {  	(tag) =	ssettag $0x1  }
0x1: {  	s0 =	srdreg.scid  }
0x2: {  	s1 =	sshll.u32 s0, $0x4  }
0x3: {  	s0 =	stileid.u32;
	s1 =	sand.u32 $0x10, s1  }
0x4: {  	s1 =	sor.u32 s0, s1  }
0x5: {  	s6 =	rddreg [dreg:$0x0];
	s4 =	simm.s32 $0x1;
	s2 =	sshll.u32 s1, $0x7  }
0x6: {  	s7 =	simm.s32 $0x2;
	s12 =	simm.s32 $0x0;
	s1 =	ssub.s32 $0x1000, s2  }
0x7: {  	s8 =	simm.s32 $0x8000;
	s13 =	simm.s32 $0x0;
	s3 =	sand.u32 $0xF80, s1  }
0x8: {  	s9 =	simm.s32 $0x0;
	s5 =	sshrl.u32 s1, $0xC;
	p0 =	sne.s32 s3, $0x0  }
.Ltmp0:
0x9: {  	s1 =	rddreg [dreg:$0x2];
	s4 =	simm.s32 @!p0 $0x0;
	(pc) =	sbr.rel .LBB1_1-.Ltmp0, $4  }
0xa: {  	s11 =	simm.s32 $0x0;
	s3 =	rddreg [dreg:$0x1];
	s5 =	sadd.s32 s4, s5  }
0xb: {  	_ =	strace $0x8000004A;
	s4 =	simm.s32 $0x1;
	s5 =	smul.u32 $0xC8, s5  }
0xc: {  	s6 =	sadd.s32 $0xC00, s6;
	s10 =	smov.u32 s2;
	[sflag:s4] =	ssyncpa.u1 $0x0  }
0xd: {  	p0 =	por $0x0, $0x0;
	[sflag:s7] =	ssyncpa.u1 $0x0;
	s7 =	sor.u32 $0x1, s5  }
.LBB1_4:
0xe: {  	s16 =	sshll.u32 s13, $0x3;
	s17 =	sand.u32 $0x78, s13  }
0xf: {  	s30 =	sand.u32 $0x7E00, s13;
	s12 =	sshll.u32 s12, $0xF;
	s16 =	sand.u32 $0xC00, s16  }
0x10: {  	[tilespmem:s15+$0x810 ss:$0x81] =	vst.msk $0xffff, v2;
	s31 =	sand.u32 $0x7, s13;
	s16 =	sor.u32 s17, s16;
	s17 =	sadd.s32 s3, s30  }
0x11: {  	[tilespmem:s15+$0x1020 ss:$0x81] =	vst.msk $0xffff, v0;
	s13 =	sshll.u32 s31, $0x12;
	s12 =	sadd.s32 s12, s17;
	s16 =	sshrl.u32 s16, $0x3  }
0x12: {  	[tilespmem:s15+$0x0 ss:$0x81] =	vst.msk $0xffff, v1;
	s13 =	sor.u32 $0x400, s13;
	s12 =	sadd.s32 s16, s12  }
0x13: {  	[hbm4b:s12+s13] =	stream.strided.scatter [tilespmem:s14], [sflag:$0x2], $0x2000, s8, s13, $0x20;
	[tilespmem:$0x8080] =	vst v63  }
.LBB1_5:
0x14: {  	s14 =	sadd.s32 $0x1, s9  }
0x15: {  	s12 =	sadd.s32 $0x1000, s10;
	s16 =	smov.u32 s10;
	p2 =	sgt.s32 s14, $0xC7  }
0x16: {  	s16 =	smov.u32 @p2 s12  }
0x17: {  	s14 =	simm.s32 @p2 $0x0;
	p2 =	sgt.s32 s16, $0xFFF  }
0x18: {  	s16 =	smov.u32 @p2 s2;
	p2 =	sne.s32 s11, s7  }
.Ltmp1:
0x19: {  	p1 =	slt.u32 s11, $0x2;
	(pc) =	sbr.rel @!p2 .LBB1_6-.Ltmp1, $4  }
0x1a: {  	s15 =	simm.s32 @!p1 $0x2  }
0x1b: {  	s13 =	smov.u32 s10;
	p0 =	por !p0, !p0;
	_ =	swait.ge @!p1 [sflag:s15], $0x2000  }
0x1c: {  	s12 =	smov.u32 s9;
	[sflag:s15] =	ssyncset.done @!p1 $0x0;
	s9 =	smov.u32 s14  }
0x1d: {  	s11 =	sadd.s32 $0x1, s11;
	[sflag:s15] =	ssyncadd.s32 @!p1 $0xFFFFE000;
	s10 =	smov.u32 s16  }
.LBB1_1:
0x1e: {  	p1 =	sge.u32 s11, s5  }
0x1f: {  	s14 =	sand.u32 @!p1 $0x1FFFFFF, s9  }
0x20: {  	s15 =	smulhi.u32 @!p1 $0x147AE15, s14;
	_ =	sdelay $0x1  }
0x21: {  	s15 =	smul.u32 @!p1 $0xC8, s15  }
0x22: {  	s16 =	sxor.u32 @!p1 $0xFFFFFFFF, s11;
	s17 =	smul.u32 @!p1 $0xC80, s10  }
0x23: {  	s31 =	sadd.s32 $0xFFFFFFFF, s11;
	s16 =	sshll.u32 @!p1 s16, $0xD;
	s14 =	ssub.s32 @!p1 s14, s15  }
0x24: {  	s15 =	sand.u32 @!p1 $0x2000, s16;
	s16 =	sadd.s32 @!p1 s6, s17;
	s14 =	sshll.u32 @!p1 s14, $0x4  }
0x25: {  	s17 =	simm.s32 @!p1 $0x6400;
	s14 =	sadd.s32 @!p1 s14, s16;
	s16 =	simm.s32 @!p1 $0x40  }
0x26: {  	[tilespmem:s15], [sflag:$0x1] =	stream.strided.gather @!p1 [hbm4b:s14+s16], $0x2000, s17, s16, $0x38;
	[tilespmem:$0x8080] =	vst v63  }
0x27: {  	p1 =	sge.u32 s31, s5  }
.Ltmp2:
0x28: {  	_ = 	snop;
	(pc) =	sbr.rel @p1 .LBB1_5-.Ltmp2, $1  }
0x29: {  	_ =	sdelay $0x3  }
0x2a: {  	s14 =	simm.s32 $0x1  }
0x2b: {  	_ =	swait.ge [sflag:s4], $0x2000;
	s14 =	simm.s32 @!p0 $0x0  }
0x2c: {  	[sflag:s4] =	ssyncset.done $0x0;
	s15 =	sshll.u32 s14, $0xD  }
0x2d: {  	[sflag:s4] =	ssyncadd.s32 $0xFFFFE000;
	s18 =	sor.u32 $0x20, s15  }
0x2e: {  	s14 =	smul.u32 $0x8100, s14;
	v3 =	vld [tilespmem:s18+$0x10]  }
0x2f: {  	s30 =	sand.u32 $0x1, s11;
	v2 =	vld [tilespmem:s18+$0xFFFFFFF0]  }
0x30: {  	s15 =	smul.u32 $0x8100, s30;
	s14 =	sshrl.u32 s14, $0x2;
	v0 =	vld [tilespmem:s18+$0x0]  }
0x31: {  	v1 =	vld [tilespmem:s18+$0xFFFFFFE0];
	s16 =	sor.u32 $0x4000, s14  }
0x32: {  	s31 =	sshrl.u32 s15, $0x2;
	s15 =	sadd.s32 $0x0, s16  }
0x33: {  	s17 =	simm.s32 $0x4;
	s18 =	sadd.s32 $0x40, s18;
	s14 =	sor.u32 $0x4000, s31;
	[tilespmem:s15+$0x1830 ss:$0x81] =	vst.msk $0xffff, v3  }
.LBB1_3:
0x34: {  	v3 =	vld [tilespmem:s18+$0x10];
	p1 =	sne.s32 s17, $0x1FC;
	[tilespmem:s15+$0x810 ss:$0x81] =	vst.msk $0xffff, v2;
	s19 =	smov.u32 s17;
	s17 =	sadd.s32 $0x4, s17  }
.Ltmp3:
0x35: {  	v2 =	vld [tilespmem:s18+$0xFFFFFFF0];
	[tilespmem:s15+$0x1020 ss:$0x81] =	vst.msk $0xffff, v0;
	(pc) =	sbr.rel @p1 .LBB1_3-.Ltmp3, $4  }
0x36: {  	v0 =	vld [tilespmem:s18+$0x0];
	[tilespmem:s15+$0x0 ss:$0x81] =	vst.msk $0xffff, v1  }
0x37: {  	s15 =	sshra.s32 s19, $0x2;
	v1 =	vld [tilespmem:s18+$0xFFFFFFE0]  }
0x38: {  	s15 =	sadd.s32 s15, s16  }
0x39: {  	s18 =	sadd.s32 $0x40, s18;
	[tilespmem:s15+$0x1830 ss:$0x81] =	vst.msk $0xffff, v3  }
.Ltmp4:
0x3a: {  	_ = 	snop;
	(pc) =	sbr.rel .LBB1_4-.Ltmp4, $1  }
0x3b: {  	_ =	sdelay $0x3  }
.LBB1_6:
0x3c: {  	_ =	sfence.sel $0x180000  }
0x3d: {  	s2 =	simm.s32 $0x1;
	[bflag:$0x0] =	sbarrier.arrive $0xFFFF  }
0x3e: {  	s31 =	simm.s32 $0x2;
	[sflag:s2] =	ssyncpa.u1 $0x1  }
0x3f: {  	[sflag:s31] =	ssyncpa.u1 $0x1  }
0x40: {  	p0 =	sne.s32 s0, $0x0;
	_ =	strace $0x9000004A  }
0x41: {  	s0 =	sadd.s32 @!p0 $0x100000, s1;
	[bflag:$0x2] =	sbarrier.arrive $0xFFFF  }
0x42: {  	[sflag:s0] =	ssyncadd.tile.s32 @!p0 $0x1;
	_ =	shalt  }
.Lfunc_end1:
_tile_overlayer_lowered:
.L_overlay_start_2:
0x43: {  	(tag) =	ssettag $0x2  }
0x44: {  	s0 =	rddreg [dreg:$0x0];
	s2 =	stileid.u32  }
0x45: {  	s1 =	rddreg [dreg:$0x1];
	p0 =	sne.s32 s2, $0x0  }
0x46: {  	s3 =	rddreg [dreg:$0x2];
	[bflag:$0x3] =	sbarrier.arrive $0xFFFF;
	s2 =	simm.s32 @!p0 $0x1C01  }
0x47: {  	[timem:s3], [sflag:s2] =	dma.local @!p0 [hbm:s0], s1  }
0x48: {  	s0 =	simm.s32 @!p0 $0x1  }
0x49: {  	_ =	swait.ge @!p0 [sflag:s0], s1  }
0x4a: {  	s1 =	ssub.s32 @!p0 $0x0, s1;
	[sflag:s0] =	ssyncset.done @!p0 $0x0  }
0x4b: {  	[sflag:s0] =	ssyncadd.s32 @!p0 s1  }
0x4c: {  	[bflag:$0x3] =	sbarrier.arrive $0xFFFF  }
0x4d: {  	_ =	shalt  }

</sc_bundles>
